<compile_context>
chip_gen: v7x
topology: tpu7x:2x2x1
jax: 0.10.2.dev20260603
libtpu: 0.0.44.dev20260713+nightly
codegen_flags: <defaults>
</compile_context>

<pallas_src>
import functools
import jax
import jax.numpy as jnp
from jax import lax
from jax.experimental import pallas as pl
from jax.experimental.pallas import tpu as pltpu
from jax.experimental.pallas import tpu_sc as plsc

N = 10000
E = 320000
DIN = 128
DH = 64
G = 64

NC = 2
NS = 16
NW = NC * NS
EPW = E // NW
CH = 80
NCHUNK = EPW // CH
NBUF = 5
NSET = 2
NGROUP = NCHUNK // NBUF
NIT = 10
NPT = N // NIT

def _sc_deg_body(dst_hbm, zero_hbm, out_hbm, dst_t, ones_v, deg_sh, sem):
    c = lax.axis_index("c")
    s = lax.axis_index("s")
    wid = c * NS + s
    cp = pltpu.async_copy(dst_hbm.at[wid], dst_t, sem)
    one = jnp.ones((16,), jnp.float32)
    for i in range(CH // 16):
        ones_v[pl.ds(i * 16, 16)] = one

    @pl.when(s == 0)
    def _():
        pltpu.sync_copy(zero_hbm, deg_sh)

    cp.wait()
    plsc.subcore_barrier()

    def body(k, carry):
        pltpu.async_copy(ones_v, deg_sh.at[dst_t.at[k]], sem, add=True)
        return carry

    lax.fori_loop(0, NCHUNK, body, 0)

    def drain(k, carry):
        pltpu.make_async_copy(ones_v, deg_sh.at[pl.ds(0, CH)], sem).wait()
        return carry

    lax.fori_loop(0, NCHUNK, drain, 0)
    plsc.subcore_barrier()

    @pl.when(s == 0)
    def _():
        pltpu.sync_copy(deg_sh, out_hbm.at[c])


def _sc_scatter_body(xs_hbm, src_hbm, dst_hbm, zero_hbm, out_hbm,
                     src_t, dst_t, rows_v, acc_sh, sem, gsem, ssem):
    c = lax.axis_index("c")
    s = lax.axis_index("s")
    wid = c * NS + s
    cp_s = pltpu.async_copy(src_hbm.at[wid], src_t, sem)
    cp_d = pltpu.async_copy(dst_hbm.at[wid], dst_t, sem)

    @pl.when(s < NIT)
    def _():
        pltpu.sync_copy(zero_hbm.at[pl.ds(s * NPT, NPT)],
                        acc_sh.at[pl.ds(s * NPT, NPT)])

    def fire(g, setoff):
        for b in range(NBUF):
            pltpu.async_copy(xs_hbm.at[src_t.at[g * NBUF + b]],
                             rows_v.at[setoff + b], gsem)

    cp_s.wait()
    for gg in range(NSET - 1):
        fire(gg, gg * NBUF)
    cp_d.wait()
    plsc.subcore_barrier()

    def group(g, carry):
        setoff = (g % NSET) * NBUF

        @pl.when(g + NSET - 1 < NGROUP)
        def _():
            fire(g + NSET - 1, ((g + NSET - 1) % NSET) * NBUF)

        for b in range(NBUF):
            pltpu.make_async_copy(xs_hbm.at[src_t.at[0]],
                                  rows_v.at[setoff + b], gsem).wait()
            pltpu.sync_copy(rows_v.at[setoff + b],
                            acc_sh.at[dst_t.at[g * NBUF + b]], add=True)

        return carry

    lax.fori_loop(0, NGROUP, group, 0)
    plsc.subcore_barrier()

    @pl.when(s < NIT)
    def _():
        pltpu.sync_copy(acc_sh.at[pl.ds(s * NPT, NPT)],
                        out_hbm.at[c, pl.ds(s * NPT, NPT)])


@functools.cache
def _sc_kernels():
    mesh = plsc.VectorSubcoreMesh(core_axis_name="c", subcore_axis_name="s",
                                  num_cores=NC, num_subcores=NS)
    sc_deg = pl.kernel(
        _sc_deg_body,
        out_type=jax.ShapeDtypeStruct((NC, N), jnp.float32),
        mesh=mesh,
        compiler_params=pltpu.CompilerParams(use_tc_tiling_on_sc=False),
        scratch_types=[
            pltpu.VMEM((NCHUNK, CH), jnp.int32),
            pltpu.VMEM((CH,), jnp.float32),
            pltpu.VMEM_SHARED((N,), jnp.float32),
            pltpu.SemaphoreType.DMA,
        ],
    )
    sc_scatter = pl.kernel(
        _sc_scatter_body,
        out_type=jax.ShapeDtypeStruct((NC, N, DH), jnp.float32),
        mesh=mesh,
        compiler_params=pltpu.CompilerParams(use_tc_tiling_on_sc=False),
        scratch_types=[
            pltpu.VMEM((NCHUNK, CH), jnp.int32),
            pltpu.VMEM((NCHUNK, CH), jnp.int32),
            pltpu.VMEM((NSET * NBUF, CH, DH), jnp.float32),
            pltpu.VMEM_SHARED((N, DH), jnp.float32),
            pltpu.SemaphoreType.DMA,
            pltpu.SemaphoreType.DMA,
            pltpu.SemaphoreType.DMA,
        ],
    )
    return sc_deg, sc_scatter


def _run_sc_deg(dst3, zero_n):
    return _sc_kernels()[0](dst3, zero_n)


def _run_sc_scatter(xs, src3, dst3, zero_nd):
    return _sc_kernels()[1](xs, src3, dst3, zero_nd)


def _tc1_body(x_ref, w1_ref, degp_ref, dis_ref, xs_ref):
    deg = degp_ref[0] + degp_ref[1] + 1.0
    dis = lax.rsqrt(deg)
    xw = jnp.dot(x_ref[...], w1_ref[...], preferred_element_type=jnp.float32)
    dis_ref[...] = dis
    xs_ref[...] = xw * dis


_tc1 = pl.pallas_call(
    _tc1_body,
    out_shape=(jax.ShapeDtypeStruct((N, 1), jnp.float32),
               jax.ShapeDtypeStruct((N, DH), jnp.float32)),
)


def _tc2_body(accp_ref, xs1_ref, dis_ref, b1_ref, w2_ref, xs2_ref):
    acc = accp_ref[0] + accp_ref[1] + xs1_ref[...]
    h1 = jnp.maximum(acc * dis_ref[...] + b1_ref[...], 0.0)
    xw2 = jnp.dot(h1, w2_ref[...], preferred_element_type=jnp.float32)
    xs2_ref[...] = xw2 * dis_ref[...]


_tc2 = pl.pallas_call(
    _tc2_body,
    out_shape=jax.ShapeDtypeStruct((N, DH), jnp.float32),
)


def _tc3_body(accp_ref, xs2_ref, dis_ref, b2_ref, batch_ref, w3_ref, b3_ref,
              out_ref):
    acc = accp_ref[0] + accp_ref[1] + xs2_ref[...]
    h2 = jnp.maximum(acc * dis_ref[...] + b2_ref[...], 0.0)
    oh = (batch_ref[...] == lax.broadcasted_iota(jnp.int32, (N, G), 1)
          ).astype(jnp.float32)
    sums = lax.dot_general(oh, h2, (((0,), (0,)), ((), ())),
                           preferred_element_type=jnp.float32)
    counts = lax.dot_general(oh, jnp.ones((N, 1), jnp.float32),
                             (((0,), (0,)), ((), ())),
                             preferred_element_type=jnp.float32)
    pooled = sums / jnp.maximum(counts, 1.0)
    out_ref[...] = jnp.dot(pooled, w3_ref[...],
                           preferred_element_type=jnp.float32) + b3_ref[...]


_tc3 = pl.pallas_call(
    _tc3_body,
    out_shape=jax.ShapeDtypeStruct((G, 2), jnp.float32),
)


def kernel(x, edge_index, batch, W1, b1, W2, b2, W3, b3):
    src = edge_index[0].reshape(NW, NCHUNK, CH)
    dst = edge_index[1].reshape(NW, NCHUNK, CH)
    zero_n = jnp.zeros((N,), jnp.float32)
    zero_nd = jnp.zeros((N, DH), jnp.float32)
    degp = _run_sc_deg(dst, zero_n)
    dis, xs1 = _tc1(x, W1, degp.reshape(NC, N, 1))
    accp1 = _run_sc_scatter(xs1, src, dst, zero_nd)
    xs2 = _tc2(accp1, xs1, dis, b1.reshape(1, DH), W2)
    accp2 = _run_sc_scatter(xs2, src, dst, zero_nd)
    return _tc3(accp2, xs2, dis, b2.reshape(1, DH), batch.reshape(N, 1),
                W3, b3.reshape(1, 2))

# --- scband reference (transcript-rebuilt; emitter-appended) ---
"""Pipeline reference for scband-jet-gcn-48172353192134 (READ-ONLY COPY).

The authoritative reference and input builder live on the scoring server;
editing this copy changes nothing except your own understanding.
"""

import jax, jax.numpy as jnp
import numpy as np

N_NODES = 10000
N_EDGES = 320000
D_IN = 128
D_HID = 64
N_GRAPHS = 64


def gcn_conv(x, src, dst, W, b, num_nodes):
    # GCNConv: x' = D^{-1/2} (A + I) D^{-1/2} X W + b  (add_self_loops=True, normalize=True)
    x = x @ W
    loop = jnp.arange(num_nodes, dtype=src.dtype)
    src = jnp.concatenate([src, loop])
    dst = jnp.concatenate([dst, loop])
    ones = jnp.ones(src.shape[0], dtype=x.dtype)
    deg = jnp.zeros((num_nodes,), dtype=x.dtype).at[dst].add(ones)
    deg_inv_sqrt = jnp.where(deg > 0, jax.lax.rsqrt(jnp.maximum(deg, 1e-12)), 0.0)
    norm = deg_inv_sqrt[src] * deg_inv_sqrt[dst]
    msgs = x[src] * norm[:, None]
    out = jax.ops.segment_sum(msgs, dst, num_segments=num_nodes)
    return out + b


def global_mean_pool(x, batch, num_graphs):
    sums = jax.ops.segment_sum(x, batch, num_segments=num_graphs)
    counts = jax.ops.segment_sum(jnp.ones((x.shape[0],), dtype=x.dtype), batch, num_segments=num_graphs)
    counts = jnp.maximum(counts, 1.0)
    return sums / counts[:, None]


def setup_inputs(seed: int = 0) -> dict:
    key = jax.random.key(seed)
    ks = jax.random.split(key, 10)
    x = jax.random.normal(ks[0], (N_NODES, D_IN), dtype=jnp.float32)
    edge_index = jax.random.randint(ks[1], (2, N_EDGES), 0, N_NODES, dtype=jnp.int32)
    batch = jnp.sort(jax.random.randint(ks[2], (N_NODES,), 0, N_GRAPHS, dtype=jnp.int32))
    s1 = 1.0 / np.sqrt(D_IN)
    s2 = 1.0 / np.sqrt(D_HID)
    W1 = jax.random.uniform(ks[3], (D_IN, D_HID), jnp.float32, -s1, s1)
    b1 = jnp.zeros((D_HID,), jnp.float32)
    W2 = jax.random.uniform(ks[4], (D_HID, D_HID), jnp.float32, -s2, s2)
    b2 = jnp.zeros((D_HID,), jnp.float32)
    W3 = jax.random.uniform(ks[5], (D_HID, 2), jnp.float32, -s2, s2)
    b3 = jax.random.uniform(ks[6], (2,), jnp.float32, -s2, s2)
    return {"x": x, "edge_index": edge_index, "batch": batch,
            "W1": W1, "b1": b1, "W2": W2, "b2": b2, "W3": W3, "b3": b3}


def reference(x, edge_index, batch, W1, b1, W2, b2, W3, b3):
    src, dst = edge_index[0], edge_index[1]
    h = jax.nn.relu(gcn_conv(x, src, dst, W1, b1, N_NODES))
    h = jax.nn.relu(gcn_conv(h, src, dst, W2, b2, N_NODES))
    pooled = global_mean_pool(h, batch, N_GRAPHS)
    return pooled @ W3 + b3

if __name__ == "__main__":
    import jax
    _d = setup_inputs()
    print(jax.jit(kernel)(*tuple(_d.values())))

</pallas_src>

<mosaic_0001>
#map = affine_map<(d0, d1) -> (0, 0)>
#map1 = affine_map<(d0, d1) -> (0, 0, 0)>
module attributes {stable_mosaic.version = 14 : i64} {
  func.func @_sc_scatter_body(%arg0: i32, %arg1: i32, %arg2: memref<10000x64xf32, #tpu.memory_space<hbm>>, %arg3: memref<32x125x80xi32, #tpu.memory_space<hbm>>, %arg4: memref<32x125x80xi32, #tpu.memory_space<hbm>>, %arg5: memref<10000x64xf32, #tpu.memory_space<hbm>>, %arg6: memref<2x10000x64xf32, #tpu.memory_space<hbm>>, %arg7: memref<125x80xi32, #tpu.memory_space<vmem>>, %arg8: memref<125x80xi32, #tpu.memory_space<vmem>>, %arg9: memref<10x80x64xf32, #tpu.memory_space<vmem>>, %arg10: memref<10000x64xf32, #tpu.memory_space<vmem_shared>>, %arg11: memref<!tpu.dma_semaphore, #tpu.memory_space<semaphore_mem>>, %arg12: memref<!tpu.dma_semaphore, #tpu.memory_space<semaphore_mem>>, %arg13: memref<!tpu.dma_semaphore, #tpu.memory_space<semaphore_mem>>) attributes {dimension_semantics = [#tpu.dimension_semantics<core_parallel>, #tpu.dimension_semantics<subcore_parallel>], iteration_bounds = array<i64: 2, 16>, scalar_prefetch = 0 : i64, scratch_operands = 7 : i64, tpu.core_type = #tpu.core_type<sc_vector_subcore>, window_params = [{transform_indices = #map}, {transform_indices = #map1}, {transform_indices = #map1}, {transform_indices = #map}, {transform_indices = #map1}]} {
    %mul3A = arith.constant 16 : i32
    %mul3A_0 = arith.muli %arg0, %mul3A : i32
    %add3A = arith.addi %mul3A_0, %arg1 : i32
    %dma_start3A = arith.constant 0 : i32
    %dma_start3A_1 = arith.constant 0 : i32
    %dma_start3A_2 = tpu.memref_slice %arg3[%add3A, %dma_start3A, %dma_start3A_1] : memref<32x125x80xi32, #tpu.memory_space<hbm>> -> memref<1x125x80xi32, #tpu.memory_space<hbm>>
    %dma_start3A_3 = tpu.memref_squeeze %dma_start3A_2 : memref<1x125x80xi32, #tpu.memory_space<hbm>> -> memref<125x80xi32, #tpu.memory_space<hbm>>
    %dma_start3A_4 = arith.constant 0 : i32
    %dma_start3A_5 = arith.constant 0 : i32
    %dma_start3A_6 = tpu.memref_slice %arg3[%add3A, %dma_start3A_4, %dma_start3A_5] : memref<32x125x80xi32, #tpu.memory_space<hbm>> -> memref<1x125x80xi32, #tpu.memory_space<hbm>>
    %dma_start3A_7 = tpu.memref_squeeze %dma_start3A_6 : memref<1x125x80xi32, #tpu.memory_space<hbm>> -> memref<125x80xi32, #tpu.memory_space<hbm>>
    tpu.enqueue_dma source(%dma_start3A_7 : memref<125x80xi32, #tpu.memory_space<hbm>>) target(%arg7 : memref<125x80xi32, #tpu.memory_space<vmem>>) target_semaphore(%arg11 : memref<!tpu.dma_semaphore, #tpu.memory_space<semaphore_mem>>)
    %dma_start3A_8 = arith.constant 0 : i32
    %dma_start3A_9 = arith.constant 0 : i32
    %dma_start3A_10 = tpu.memref_slice %arg4[%add3A, %dma_start3A_8, %dma_start3A_9] : memref<32x125x80xi32, #tpu.memory_space<hbm>> -> memref<1x125x80xi32, #tpu.memory_space<hbm>>
    %dma_start3A_11 = tpu.memref_squeeze %dma_start3A_10 : memref<1x125x80xi32, #tpu.memory_space<hbm>> -> memref<125x80xi32, #tpu.memory_space<hbm>>
    %dma_start3A_12 = arith.constant 0 : i32
    %dma_start3A_13 = arith.constant 0 : i32
    %dma_start3A_14 = tpu.memref_slice %arg4[%add3A, %dma_start3A_12, %dma_start3A_13] : memref<32x125x80xi32, #tpu.memory_space<hbm>> -> memref<1x125x80xi32, #tpu.memory_space<hbm>>
    %dma_start3A_15 = tpu.memref_squeeze %dma_start3A_14 : memref<1x125x80xi32, #tpu.memory_space<hbm>> -> memref<125x80xi32, #tpu.memory_space<hbm>>
    tpu.enqueue_dma source(%dma_start3A_15 : memref<125x80xi32, #tpu.memory_space<hbm>>) target(%arg8 : memref<125x80xi32, #tpu.memory_space<vmem>>) target_semaphore(%arg11 : memref<!tpu.dma_semaphore, #tpu.memory_space<semaphore_mem>>)
    %lt3A = arith.constant 10 : i32
    %lt3A_16 = arith.cmpi slt, %arg1, %lt3A : i32
    %convert_element_type3A = arith.extui %lt3A_16 : i1 to i32
    %cond3A = arith.constant 0 : i32
    %cond3A_17 = arith.cmpi ne, %convert_element_type3A, %cond3A : i32
    scf.if %cond3A_17 {
      %mul3A_104 = arith.constant 1000 : i32
      %mul3A_105 = arith.muli %arg1, %mul3A_104 : i32
      %mul3A_106 = arith.constant 1000 : i32
      %mul3A_107 = arith.muli %arg1, %mul3A_106 : i32
      "tpu.region"() ({
        %run_scoped3A = tpu.sem_alloc : memref<!tpu.dma_semaphore, #tpu.memory_space<semaphore_mem>>
        %dma_start3A_108 = arith.constant 0 : i32
        %dma_start3A_109 = tpu.memref_slice %arg10[%mul3A_107, %dma_start3A_108] : memref<10000x64xf32, #tpu.memory_space<vmem_shared>> -> memref<1000x64xf32, #tpu.memory_space<vmem_shared>>
        %dma_start3A_110 = arith.constant 0 : i32
        %dma_start3A_111 = tpu.memref_slice %arg5[%mul3A_105, %dma_start3A_110] : memref<10000x64xf32, #tpu.memory_space<hbm>> -> memref<1000x64xf32, #tpu.memory_space<hbm>>
        tpu.enqueue_dma source(%dma_start3A_111 : memref<1000x64xf32, #tpu.memory_space<hbm>>) target(%dma_start3A_109 : memref<1000x64xf32, #tpu.memory_space<vmem_shared>>) target_semaphore(%run_scoped3A : memref<!tpu.dma_semaphore, #tpu.memory_space<semaphore_mem>>)
        %dma_wait3A_112 = arith.constant 0 : i32
        %dma_wait3A_113 = tpu.memref_slice %arg10[%mul3A_107, %dma_wait3A_112] : memref<10000x64xf32, #tpu.memory_space<vmem_shared>> -> memref<1000x64xf32, #tpu.memory_space<vmem_shared>>
        %dma_wait3A_114 = arith.constant 0 : i32
        %dma_wait3A_115 = tpu.memref_slice %arg5[%mul3A_105, %dma_wait3A_114] : memref<10000x64xf32, #tpu.memory_space<hbm>> -> memref<1000x64xf32, #tpu.memory_space<hbm>>
        tpu.wait_dma2 semaphore(%run_scoped3A : memref<!tpu.dma_semaphore, #tpu.memory_space<semaphore_mem>>) src(%dma_wait3A_115 : memref<1000x64xf32, #tpu.memory_space<hbm>>) dst(%dma_wait3A_113 : memref<1000x64xf32, #tpu.memory_space<vmem_shared>>)
        tpu.yield
      }) : () -> ()
    } else {
    }
    %dma_wait3A = arith.constant 0 : i32
    %dma_wait3A_18 = arith.constant 0 : i32
    %dma_wait3A_19 = tpu.memref_slice %arg3[%add3A, %dma_wait3A, %dma_wait3A_18] : memref<32x125x80xi32, #tpu.memory_space<hbm>> -> memref<1x125x80xi32, #tpu.memory_space<hbm>>
    %dma_wait3A_20 = tpu.memref_squeeze %dma_wait3A_19 : memref<1x125x80xi32, #tpu.memory_space<hbm>> -> memref<125x80xi32, #tpu.memory_space<hbm>>
    %dma_wait3A_21 = arith.constant 0 : i32
    %dma_wait3A_22 = arith.constant 0 : i32
    %dma_wait3A_23 = tpu.memref_slice %arg3[%add3A, %dma_wait3A_21, %dma_wait3A_22] : memref<32x125x80xi32, #tpu.memory_space<hbm>> -> memref<1x125x80xi32, #tpu.memory_space<hbm>>
    %dma_wait3A_24 = tpu.memref_squeeze %dma_wait3A_23 : memref<1x125x80xi32, #tpu.memory_space<hbm>> -> memref<125x80xi32, #tpu.memory_space<hbm>>
    tpu.wait_dma2 semaphore(%arg11 : memref<!tpu.dma_semaphore, #tpu.memory_space<semaphore_mem>>) src(%dma_wait3A_24 : memref<125x80xi32, #tpu.memory_space<hbm>>) dst(%arg7 : memref<125x80xi32, #tpu.memory_space<vmem>>)
    %dma_start3A_25 = arith.constant 0 : i32
    %dma_start3A_26 = arith.constant 0 : i32
    %dma_start3A_27 = arith.constant 0 : i32
    %dma_start3A_28 = arith.constant 0 : i32
    %dma_start3A_29 = tpu.memref_slice %arg9[%dma_start3A_26, %dma_start3A_27, %dma_start3A_28] : memref<10x80x64xf32, #tpu.memory_space<vmem>> -> memref<1x80x64xf32, #tpu.memory_space<vmem>>
    %dma_start3A_30 = tpu.memref_squeeze %dma_start3A_29 : memref<1x80x64xf32, #tpu.memory_space<vmem>> -> memref<80x64xf32, #tpu.memory_space<vmem>>
    %dma_start3A_31 = arith.constant 0 : i32
    %dma_start3A_32 = tpu.memref_slice %arg7[%dma_start3A_25, %dma_start3A_31] : memref<125x80xi32, #tpu.memory_space<vmem>> -> memref<1x80xi32, #tpu.memory_space<vmem>>
    %dma_start3A_33 = tpu.memref_squeeze %dma_start3A_32 : memref<1x80xi32, #tpu.memory_space<vmem>> -> memref<80xi32, #tpu.memory_space<vmem>>
    %dma_start3A_34 = arith.constant 0 : i32
    %dma_start3A_35 = arith.constant 0 : i32
    %dma_start3A_36 = tpu.memref_slice %arg2[%dma_start3A_34, %dma_start3A_35] : memref<10000x64xf32, #tpu.memory_space<hbm>> -> memref<10000x64xf32, #tpu.memory_space<hbm>>
    tpu.enqueue_indirect_dma source(%dma_start3A_36 : memref<10000x64xf32, #tpu.memory_space<hbm>>) target(%dma_start3A_30 : memref<80x64xf32, #tpu.memory_space<vmem>>) offsets(%dma_start3A_33 : memref<80xi32, #tpu.memory_space<vmem>>) semaphore(%arg12 : memref<!tpu.dma_semaphore, #tpu.memory_space<semaphore_mem>>)
    %dma_start3A_37 = arith.constant 1 : i32
    %dma_start3A_38 = arith.constant 1 : i32
    %dma_start3A_39 = arith.constant 0 : i32
    %dma_start3A_40 = arith.constant 0 : i32
    %dma_start3A_41 = tpu.memref_slice %arg9[%dma_start3A_38, %dma_start3A_39, %dma_start3A_40] : memref<10x80x64xf32, #tpu.memory_space<vmem>> -> memref<1x80x64xf32, #tpu.memory_space<vmem>>
    %dma_start3A_42 = tpu.memref_squeeze %dma_start3A_41 : memref<1x80x64xf32, #tpu.memory_space<vmem>> -> memref<80x64xf32, #tpu.memory_space<vmem>>
    %dma_start3A_43 = arith.constant 0 : i32
    %dma_start3A_44 = tpu.memref_slice %arg7[%dma_start3A_37, %dma_start3A_43] : memref<125x80xi32, #tpu.memory_space<vmem>> -> memref<1x80xi32, #tpu.memory_space<vmem>>
    %dma_start3A_45 = tpu.memref_squeeze %dma_start3A_44 : memref<1x80xi32, #tpu.memory_space<vmem>> -> memref<80xi32, #tpu.memory_space<vmem>>
    %dma_start3A_46 = arith.constant 0 : i32
    %dma_start3A_47 = arith.constant 0 : i32
    %dma_start3A_48 = tpu.memref_slice %arg2[%dma_start3A_46, %dma_start3A_47] : memref<10000x64xf32, #tpu.memory_space<hbm>> -> memref<10000x64xf32, #tpu.memory_space<hbm>>
    tpu.enqueue_indirect_dma source(%dma_start3A_48 : memref<10000x64xf32, #tpu.memory_space<hbm>>) target(%dma_start3A_42 : memref<80x64xf32, #tpu.memory_space<vmem>>) offsets(%dma_start3A_45 : memref<80xi32, #tpu.memory_space<vmem>>) semaphore(%arg12 : memref<!tpu.dma_semaphore, #tpu.memory_space<semaphore_mem>>)
    %dma_start3A_49 = arith.constant 2 : i32
    %dma_start3A_50 = arith.constant 2 : i32
    %dma_start3A_51 = arith.constant 0 : i32
    %dma_start3A_52 = arith.constant 0 : i32
    %dma_start3A_53 = tpu.memref_slice %arg9[%dma_start3A_50, %dma_start3A_51, %dma_start3A_52] : memref<10x80x64xf32, #tpu.memory_space<vmem>> -> memref<1x80x64xf32, #tpu.memory_space<vmem>>
    %dma_start3A_54 = tpu.memref_squeeze %dma_start3A_53 : memref<1x80x64xf32, #tpu.memory_space<vmem>> -> memref<80x64xf32, #tpu.memory_space<vmem>>
    %dma_start3A_55 = arith.constant 0 : i32
    %dma_start3A_56 = tpu.memref_slice %arg7[%dma_start3A_49, %dma_start3A_55] : memref<125x80xi32, #tpu.memory_space<vmem>> -> memref<1x80xi32, #tpu.memory_space<vmem>>
    %dma_start3A_57 = tpu.memref_squeeze %dma_start3A_56 : memref<1x80xi32, #tpu.memory_space<vmem>> -> memref<80xi32, #tpu.memory_space<vmem>>
    %dma_start3A_58 = arith.constant 0 : i32
    %dma_start3A_59 = arith.constant 0 : i32
    %dma_start3A_60 = tpu.memref_slice %arg2[%dma_start3A_58, %dma_start3A_59] : memref<10000x64xf32, #tpu.memory_space<hbm>> -> memref<10000x64xf32, #tpu.memory_space<hbm>>
    tpu.enqueue_indirect_dma source(%dma_start3A_60 : memref<10000x64xf32, #tpu.memory_space<hbm>>) target(%dma_start3A_54 : memref<80x64xf32, #tpu.memory_space<vmem>>) offsets(%dma_start3A_57 : memref<80xi32, #tpu.memory_space<vmem>>) semaphore(%arg12 : memref<!tpu.dma_semaphore, #tpu.memory_space<semaphore_mem>>)
    %dma_start3A_61 = arith.constant 3 : i32
    %dma_start3A_62 = arith.constant 3 : i32
    %dma_start3A_63 = arith.constant 0 : i32
    %dma_start3A_64 = arith.constant 0 : i32
    %dma_start3A_65 = tpu.memref_slice %arg9[%dma_start3A_62, %dma_start3A_63, %dma_start3A_64] : memref<10x80x64xf32, #tpu.memory_space<vmem>> -> memref<1x80x64xf32, #tpu.memory_space<vmem>>
    %dma_start3A_66 = tpu.memref_squeeze %dma_start3A_65 : memref<1x80x64xf32, #tpu.memory_space<vmem>> -> memref<80x64xf32, #tpu.memory_space<vmem>>
    %dma_start3A_67 = arith.constant 0 : i32
    %dma_start3A_68 = tpu.memref_slice %arg7[%dma_start3A_61, %dma_start3A_67] : memref<125x80xi32, #tpu.memory_space<vmem>> -> memref<1x80xi32, #tpu.memory_space<vmem>>
    %dma_start3A_69 = tpu.memref_squeeze %dma_start3A_68 : memref<1x80xi32, #tpu.memory_space<vmem>> -> memref<80xi32, #tpu.memory_space<vmem>>
    %dma_start3A_70 = arith.constant 0 : i32
    %dma_start3A_71 = arith.constant 0 : i32
    %dma_start3A_72 = tpu.memref_slice %arg2[%dma_start3A_70, %dma_start3A_71] : memref<10000x64xf32, #tpu.memory_space<hbm>> -> memref<10000x64xf32, #tpu.memory_space<hbm>>
    tpu.enqueue_indirect_dma source(%dma_start3A_72 : memref<10000x64xf32, #tpu.memory_space<hbm>>) target(%dma_start3A_66 : memref<80x64xf32, #tpu.memory_space<vmem>>) offsets(%dma_start3A_69 : memref<80xi32, #tpu.memory_space<vmem>>) semaphore(%arg12 : memref<!tpu.dma_semaphore, #tpu.memory_space<semaphore_mem>>)
    %dma_start3A_73 = arith.constant 4 : i32
    %dma_start3A_74 = arith.constant 4 : i32
    %dma_start3A_75 = arith.constant 0 : i32
    %dma_start3A_76 = arith.constant 0 : i32
    %dma_start3A_77 = tpu.memref_slice %arg9[%dma_start3A_74, %dma_start3A_75, %dma_start3A_76] : memref<10x80x64xf32, #tpu.memory_space<vmem>> -> memref<1x80x64xf32, #tpu.memory_space<vmem>>
    %dma_start3A_78 = tpu.memref_squeeze %dma_start3A_77 : memref<1x80x64xf32, #tpu.memory_space<vmem>> -> memref<80x64xf32, #tpu.memory_space<vmem>>
    %dma_start3A_79 = arith.constant 0 : i32
    %dma_start3A_80 = tpu.memref_slice %arg7[%dma_start3A_73, %dma_start3A_79] : memref<125x80xi32, #tpu.memory_space<vmem>> -> memref<1x80xi32, #tpu.memory_space<vmem>>
    %dma_start3A_81 = tpu.memref_squeeze %dma_start3A_80 : memref<1x80xi32, #tpu.memory_space<vmem>> -> memref<80xi32, #tpu.memory_space<vmem>>
    %dma_start3A_82 = arith.constant 0 : i32
    %dma_start3A_83 = arith.constant 0 : i32
    %dma_start3A_84 = tpu.memref_slice %arg2[%dma_start3A_82, %dma_start3A_83] : memref<10000x64xf32, #tpu.memory_space<hbm>> -> memref<10000x64xf32, #tpu.memory_space<hbm>>
    tpu.enqueue_indirect_dma source(%dma_start3A_84 : memref<10000x64xf32, #tpu.memory_space<hbm>>) target(%dma_start3A_78 : memref<80x64xf32, #tpu.memory_space<vmem>>) offsets(%dma_start3A_81 : memref<80xi32, #tpu.memory_space<vmem>>) semaphore(%arg12 : memref<!tpu.dma_semaphore, #tpu.memory_space<semaphore_mem>>)
    %dma_wait3A_85 = arith.constant 0 : i32
    %dma_wait3A_86 = arith.constant 0 : i32
    %dma_wait3A_87 = tpu.memref_slice %arg4[%add3A, %dma_wait3A_85, %dma_wait3A_86] : memref<32x125x80xi32, #tpu.memory_space<hbm>> -> memref<1x125x80xi32, #tpu.memory_space<hbm>>
    %dma_wait3A_88 = tpu.memref_squeeze %dma_wait3A_87 : memref<1x125x80xi32, #tpu.memory_space<hbm>> -> memref<125x80xi32, #tpu.memory_space<hbm>>
    %dma_wait3A_89 = arith.constant 0 : i32
    %dma_wait3A_90 = arith.constant 0 : i32
    %dma_wait3A_91 = tpu.memref_slice %arg4[%add3A, %dma_wait3A_89, %dma_wait3A_90] : memref<32x125x80xi32, #tpu.memory_space<hbm>> -> memref<1x125x80xi32, #tpu.memory_space<hbm>>
    %dma_wait3A_92 = tpu.memref_squeeze %dma_wait3A_91 : memref<1x125x80xi32, #tpu.memory_space<hbm>> -> memref<125x80xi32, #tpu.memory_space<hbm>>
    tpu.wait_dma2 semaphore(%arg11 : memref<!tpu.dma_semaphore, #tpu.memory_space<semaphore_mem>>) src(%dma_wait3A_92 : memref<125x80xi32, #tpu.memory_space<hbm>>) dst(%arg8 : memref<125x80xi32, #tpu.memory_space<vmem>>)
    %barrier3A = arith.constant 0 : index
    tpu.barrier barrier_id(%barrier3A)
    %scan3A = arith.constant 0 : i32
    %scan3A_93 = arith.constant 0 : i32
    %scan3A_94 = arith.constant 25 : i32
    %scan3A_95 = arith.addi %scan3A_93, %scan3A_94 : i32
    %scan3A_96 = arith.constant 1 : i32
    scf.for %scan3A_104 = %scan3A_93 to %scan3A_95 step %scan3A_96  : i32 {
      %jit3A = arith.constant 2 : i32
      %eq3A = arith.constant 0 : i32
      %eq3A_105 = arith.cmpi eq, %jit3A, %eq3A : i32
      %jit3A_106 = arith.constant 1 : i32
      %select_n3A = arith.select %eq3A_105, %jit3A_106, %jit3A : i32
      %rem3A = arith.remsi %scan3A_104, %select_n3A : i32
      %ne3A = arith.constant 0 : i32
      %ne3A_107 = arith.cmpi ne, %rem3A, %ne3A : i32
      %lt3A_108 = arith.constant 0 : i32
      %lt3A_109 = arith.cmpi slt, %rem3A, %lt3A_108 : i32
      %lt3A_110 = arith.constant 0 : i32
      %lt3A_111 = arith.cmpi slt, %select_n3A, %lt3A_110 : i32
      %ne3A_112 = arith.xori %lt3A_109, %lt3A_111 : i1
      %and3A = arith.andi %ne3A_112, %ne3A_107 : i1
      %add3A_113 = arith.addi %rem3A, %select_n3A : i32
      %select_n3A_114 = arith.select %and3A, %add3A_113, %rem3A : i32
      %mul3A_115 = arith.constant 5 : i32
      %mul3A_116 = arith.muli %select_n3A_114, %mul3A_115 : i32
      %add3A_117 = arith.constant 2 : i32
      %add3A_118 = arith.addi %scan3A_104, %add3A_117 : i32
      %sub3A = arith.constant 1 : i32
      %sub3A_119 = arith.subi %add3A_118, %sub3A : i32
      %lt3A_120 = arith.constant 25 : i32
      %lt3A_121 = arith.cmpi slt, %sub3A_119, %lt3A_120 : i32
      %convert_element_type3A_122 = arith.extui %lt3A_121 : i1 to i32
      %cond3A_123 = arith.constant 0 : i32
      %cond3A_124 = arith.cmpi ne, %convert_element_type3A_122, %cond3A_123 : i32
      scf.if %cond3A_124 {
        %add3A_220 = arith.constant 2 : i32
        %add3A_221 = arith.addi %scan3A_104, %add3A_220 : i32
        %sub3A_222 = arith.constant 1 : i32
        %sub3A_223 = arith.subi %add3A_221, %sub3A_222 : i32
        %add3A_224 = arith.constant 2 : i32
        %add3A_225 = arith.addi %scan3A_104, %add3A_224 : i32
        %sub3A_226 = arith.constant 1 : i32
        %sub3A_227 = arith.subi %add3A_225, %sub3A_226 : i32
        %jit3A_228 = arith.constant 2 : i32
        %eq3A_229 = arith.constant 0 : i32
        %eq3A_230 = arith.cmpi eq, %jit3A_228, %eq3A_229 : i32
        %jit3A_231 = arith.constant 1 : i32
        %select_n3A_232 = arith.select %eq3A_230, %jit3A_231, %jit3A_228 : i32
        %rem3A_233 = arith.remsi %sub3A_227, %select_n3A_232 : i32
        %ne3A_234 = arith.constant 0 : i32
        %ne3A_235 = arith.cmpi ne, %rem3A_233, %ne3A_234 : i32
        %lt3A_236 = arith.constant 0 : i32
        %lt3A_237 = arith.cmpi slt, %rem3A_233, %lt3A_236 : i32
        %lt3A_238 = arith.constant 0 : i32
        %lt3A_239 = arith.cmpi slt, %select_n3A_232, %lt3A_238 : i32
        %ne3A_240 = arith.xori %lt3A_237, %lt3A_239 : i1
        %and3A_241 = arith.andi %ne3A_240, %ne3A_235 : i1
        %add3A_242 = arith.addi %rem3A_233, %select_n3A_232 : i32
        %select_n3A_243 = arith.select %and3A_241, %add3A_242, %rem3A_233 : i32
        %mul3A_244 = arith.constant 5 : i32
        %mul3A_245 = arith.muli %select_n3A_243, %mul3A_244 : i32
        %mul3A_246 = arith.constant 5 : i32
        %mul3A_247 = arith.muli %sub3A_223, %mul3A_246 : i32
        %add3A_248 = arith.constant 0 : i32
        %add3A_249 = arith.addi %mul3A_247, %add3A_248 : i32
        %add3A_250 = arith.constant 0 : i32
        %add3A_251 = arith.addi %mul3A_245, %add3A_250 : i32
        %dma_start3A_252 = arith.constant 0 : i32
        %dma_start3A_253 = arith.constant 0 : i32
        %dma_start3A_254 = tpu.memref_slice %arg9[%add3A_251, %dma_start3A_252, %dma_start3A_253] : memref<10x80x64xf32, #tpu.memory_space<vmem>> -> memref<1x80x64xf32, #tpu.memory_space<vmem>>
        %dma_start3A_255 = tpu.memref_squeeze %dma_start3A_254 : memref<1x80x64xf32, #tpu.memory_space<vmem>> -> memref<80x64xf32, #tpu.memory_space<vmem>>
        %dma_start3A_256 = arith.constant 0 : i32
        %dma_start3A_257 = tpu.memref_slice %arg7[%add3A_249, %dma_start3A_256] : memref<125x80xi32, #tpu.memory_space<vmem>> -> memref<1x80xi32, #tpu.memory_space<vmem>>
        %dma_start3A_258 = tpu.memref_squeeze %dma_start3A_257 : memref<1x80xi32, #tpu.memory_space<vmem>> -> memref<80xi32, #tpu.memory_space<vmem>>
        %dma_start3A_259 = arith.constant 0 : i32
        %dma_start3A_260 = arith.constant 0 : i32
        %dma_start3A_261 = tpu.memref_slice %arg2[%dma_start3A_259, %dma_start3A_260] : memref<10000x64xf32, #tpu.memory_space<hbm>> -> memref<10000x64xf32, #tpu.memory_space<hbm>>
        tpu.enqueue_indirect_dma source(%dma_start3A_261 : memref<10000x64xf32, #tpu.memory_space<hbm>>) target(%dma_start3A_255 : memref<80x64xf32, #tpu.memory_space<vmem>>) offsets(%dma_start3A_258 : memref<80xi32, #tpu.memory_space<vmem>>) semaphore(%arg12 : memref<!tpu.dma_semaphore, #tpu.memory_space<semaphore_mem>>)
        %mul3A_262 = arith.constant 5 : i32
        %mul3A_263 = arith.muli %sub3A_223, %mul3A_262 : i32
        %add3A_264 = arith.constant 1 : i32
        %add3A_265 = arith.addi %mul3A_263, %add3A_264 : i32
        %add3A_266 = arith.constant 1 : i32
        %add3A_267 = arith.addi %mul3A_245, %add3A_266 : i32
        %dma_start3A_268 = arith.constant 0 : i32
        %dma_start3A_269 = arith.constant 0 : i32
        %dma_start3A_270 = tpu.memref_slice %arg9[%add3A_267, %dma_start3A_268, %dma_start3A_269] : memref<10x80x64xf32, #tpu.memory_space<vmem>> -> memref<1x80x64xf32, #tpu.memory_space<vmem>>
        %dma_start3A_271 = tpu.memref_squeeze %dma_start3A_270 : memref<1x80x64xf32, #tpu.memory_space<vmem>> -> memref<80x64xf32, #tpu.memory_space<vmem>>
        %dma_start3A_272 = arith.constant 0 : i32
        %dma_start3A_273 = tpu.memref_slice %arg7[%add3A_265, %dma_start3A_272] : memref<125x80xi32, #tpu.memory_space<vmem>> -> memref<1x80xi32, #tpu.memory_space<vmem>>
        %dma_start3A_274 = tpu.memref_squeeze %dma_start3A_273 : memref<1x80xi32, #tpu.memory_space<vmem>> -> memref<80xi32, #tpu.memory_space<vmem>>
        %dma_start3A_275 = arith.constant 0 : i32
        %dma_start3A_276 = arith.constant 0 : i32
        %dma_start3A_277 = tpu.memref_slice %arg2[%dma_start3A_275, %dma_start3A_276] : memref<10000x64xf32, #tpu.memory_space<hbm>> -> memref<10000x64xf32, #tpu.memory_space<hbm>>
        tpu.enqueue_indirect_dma source(%dma_start3A_277 : memref<10000x64xf32, #tpu.memory_space<hbm>>) target(%dma_start3A_271 : memref<80x64xf32, #tpu.memory_space<vmem>>) offsets(%dma_start3A_274 : memref<80xi32, #tpu.memory_space<vmem>>) semaphore(%arg12 : memref<!tpu.dma_semaphore, #tpu.memory_space<semaphore_mem>>)
        %mul3A_278 = arith.constant 5 : i32
        %mul3A_279 = arith.muli %sub3A_223, %mul3A_278 : i32
        %add3A_280 = arith.constant 2 : i32
        %add3A_281 = arith.addi %mul3A_279, %add3A_280 : i32
        %add3A_282 = arith.constant 2 : i32
        %add3A_283 = arith.addi %mul3A_245, %add3A_282 : i32
        %dma_start3A_284 = arith.constant 0 : i32
        %dma_start3A_285 = arith.constant 0 : i32
        %dma_start3A_286 = tpu.memref_slice %arg9[%add3A_283, %dma_start3A_284, %dma_start3A_285] : memref<10x80x64xf32, #tpu.memory_space<vmem>> -> memref<1x80x64xf32, #tpu.memory_space<vmem>>
        %dma_start3A_287 = tpu.memref_squeeze %dma_start3A_286 : memref<1x80x64xf32, #tpu.memory_space<vmem>> -> memref<80x64xf32, #tpu.memory_space<vmem>>
        %dma_start3A_288 = arith.constant 0 : i32
        %dma_start3A_289 = tpu.memref_slice %arg7[%add3A_281, %dma_start3A_288] : memref<125x80xi32, #tpu.memory_space<vmem>> -> memref<1x80xi32, #tpu.memory_space<vmem>>
        %dma_start3A_290 = tpu.memref_squeeze %dma_start3A_289 : memref<1x80xi32, #tpu.memory_space<vmem>> -> memref<80xi32, #tpu.memory_space<vmem>>
        %dma_start3A_291 = arith.constant 0 : i32
        %dma_start3A_292 = arith.constant 0 : i32
        %dma_start3A_293 = tpu.memref_slice %arg2[%dma_start3A_291, %dma_start3A_292] : memref<10000x64xf32, #tpu.memory_space<hbm>> -> memref<10000x64xf32, #tpu.memory_space<hbm>>
        tpu.enqueue_indirect_dma source(%dma_start3A_293 : memref<10000x64xf32, #tpu.memory_space<hbm>>) target(%dma_start3A_287 : memref<80x64xf32, #tpu.memory_space<vmem>>) offsets(%dma_start3A_290 : memref<80xi32, #tpu.memory_space<vmem>>) semaphore(%arg12 : memref<!tpu.dma_semaphore, #tpu.memory_space<semaphore_mem>>)
        %mul3A_294 = arith.constant 5 : i32
        %mul3A_295 = arith.muli %sub3A_223, %mul3A_294 : i32
        %add3A_296 = arith.constant 3 : i32
        %add3A_297 = arith.addi %mul3A_295, %add3A_296 : i32
        %add3A_298 = arith.constant 3 : i32
        %add3A_299 = arith.addi %mul3A_245, %add3A_298 : i32
        %dma_start3A_300 = arith.constant 0 : i32
        %dma_start3A_301 = arith.constant 0 : i32
        %dma_start3A_302 = tpu.memref_slice %arg9[%add3A_299, %dma_start3A_300, %dma_start3A_301] : memref<10x80x64xf32, #tpu.memory_space<vmem>> -> memref<1x80x64xf32, #tpu.memory_space<vmem>>
        %dma_start3A_303 = tpu.memref_squeeze %dma_start3A_302 : memref<1x80x64xf32, #tpu.memory_space<vmem>> -> memref<80x64xf32, #tpu.memory_space<vmem>>
        %dma_start3A_304 = arith.constant 0 : i32
        %dma_start3A_305 = tpu.memref_slice %arg7[%add3A_297, %dma_start3A_304] : memref<125x80xi32, #tpu.memory_space<vmem>> -> memref<1x80xi32, #tpu.memory_space<vmem>>
        %dma_start3A_306 = tpu.memref_squeeze %dma_start3A_305 : memref<1x80xi32, #tpu.memory_space<vmem>> -> memref<80xi32, #tpu.memory_space<vmem>>
        %dma_start3A_307 = arith.constant 0 : i32
        %dma_start3A_308 = arith.constant 0 : i32
        %dma_start3A_309 = tpu.memref_slice %arg2[%dma_start3A_307, %dma_start3A_308] : memref<10000x64xf32, #tpu.memory_space<hbm>> -> memref<10000x64xf32, #tpu.memory_space<hbm>>
        tpu.enqueue_indirect_dma source(%dma_start3A_309 : memref<10000x64xf32, #tpu.memory_space<hbm>>) target(%dma_start3A_303 : memref<80x64xf32, #tpu.memory_space<vmem>>) offsets(%dma_start3A_306 : memref<80xi32, #tpu.memory_space<vmem>>) semaphore(%arg12 : memref<!tpu.dma_semaphore, #tpu.memory_space<semaphore_mem>>)
        %mul3A_310 = arith.constant 5 : i32
        %mul3A_311 = arith.muli %sub3A_223, %mul3A_310 : i32
        %add3A_312 = arith.constant 4 : i32
        %add3A_313 = arith.addi %mul3A_311, %add3A_312 : i32
        %add3A_314 = arith.constant 4 : i32
        %add3A_315 = arith.addi %mul3A_245, %add3A_314 : i32
        %dma_start3A_316 = arith.constant 0 : i32
        %dma_start3A_317 = arith.constant 0 : i32
        %dma_start3A_318 = tpu.memref_slice %arg9[%add3A_315, %dma_start3A_316, %dma_start3A_317] : memref<10x80x64xf32, #tpu.memory_space<vmem>> -> memref<1x80x64xf32, #tpu.memory_space<vmem>>
        %dma_start3A_319 = tpu.memref_squeeze %dma_start3A_318 : memref<1x80x64xf32, #tpu.memory_space<vmem>> -> memref<80x64xf32, #tpu.memory_space<vmem>>
        %dma_start3A_320 = arith.constant 0 : i32
        %dma_start3A_321 = tpu.memref_slice %arg7[%add3A_313, %dma_start3A_320] : memref<125x80xi32, #tpu.memory_space<vmem>> -> memref<1x80xi32, #tpu.memory_space<vmem>>
        %dma_start3A_322 = tpu.memref_squeeze %dma_start3A_321 : memref<1x80xi32, #tpu.memory_space<vmem>> -> memref<80xi32, #tpu.memory_space<vmem>>
        %dma_start3A_323 = arith.constant 0 : i32
        %dma_start3A_324 = arith.constant 0 : i32
        %dma_start3A_325 = tpu.memref_slice %arg2[%dma_start3A_323, %dma_start3A_324] : memref<10000x64xf32, #tpu.memory_space<hbm>> -> memref<10000x64xf32, #tpu.memory_space<hbm>>
        tpu.enqueue_indirect_dma source(%dma_start3A_325 : memref<10000x64xf32, #tpu.memory_space<hbm>>) target(%dma_start3A_319 : memref<80x64xf32, #tpu.memory_space<vmem>>) offsets(%dma_start3A_322 : memref<80xi32, #tpu.memory_space<vmem>>) semaphore(%arg12 : memref<!tpu.dma_semaphore, #tpu.memory_space<semaphore_mem>>)
      } else {
      }
      %add3A_125 = arith.constant 0 : i32
      %add3A_126 = arith.addi %mul3A_116, %add3A_125 : i32
      %dma_wait3A_127 = arith.constant 0 : i32
      %dma_wait3A_128 = arith.constant 0 : i32
      %dma_wait3A_129 = arith.constant 0 : i32
      %dma_wait3A_130 = tpu.memref_slice %arg9[%add3A_126, %dma_wait3A_128, %dma_wait3A_129] : memref<10x80x64xf32, #tpu.memory_space<vmem>> -> memref<1x80x64xf32, #tpu.memory_space<vmem>>
      %dma_wait3A_131 = tpu.memref_squeeze %dma_wait3A_130 : memref<1x80x64xf32, #tpu.memory_space<vmem>> -> memref<80x64xf32, #tpu.memory_space<vmem>>
      %dma_wait3A_132 = arith.constant 0 : i32
      %dma_wait3A_133 = tpu.memref_slice %arg7[%dma_wait3A_127, %dma_wait3A_132] : memref<125x80xi32, #tpu.memory_space<vmem>> -> memref<1x80xi32, #tpu.memory_space<vmem>>
      %dma_wait3A_134 = tpu.memref_squeeze %dma_wait3A_133 : memref<1x80xi32, #tpu.memory_space<vmem>> -> memref<80xi32, #tpu.memory_space<vmem>>
      %dma_wait3A_135 = arith.constant 0 : i32
      %dma_wait3A_136 = arith.constant 0 : i32
      %dma_wait3A_137 = tpu.memref_slice %arg2[%dma_wait3A_135, %dma_wait3A_136] : memref<10000x64xf32, #tpu.memory_space<hbm>> -> memref<10000x64xf32, #tpu.memory_space<hbm>>
      tpu.wait_indirect_dma semaphore(%arg12 : memref<!tpu.dma_semaphore, #tpu.memory_space<semaphore_mem>>) src(%dma_wait3A_137 : memref<10000x64xf32, #tpu.memory_space<hbm>>) dst(%dma_wait3A_131 : memref<80x64xf32, #tpu.memory_space<vmem>>)
      %add3A_138 = arith.constant 0 : i32
      %add3A_139 = arith.addi %mul3A_116, %add3A_138 : i32
      %mul3A_140 = arith.constant 5 : i32
      %mul3A_141 = arith.muli %scan3A_104, %mul3A_140 : i32
      %add3A_142 = arith.constant 0 : i32
      %add3A_143 = arith.addi %mul3A_141, %add3A_142 : i32
      "tpu.region"() ({
        %run_scoped3A = tpu.sem_alloc : memref<!tpu.dma_semaphore, #tpu.memory_space<semaphore_mem>>
        %dma_start3A_220 = arith.constant 0 : i32
        %dma_start3A_221 = arith.constant 0 : i32
        %dma_start3A_222 = tpu.memref_slice %arg9[%add3A_139, %dma_start3A_220, %dma_start3A_221] : memref<10x80x64xf32, #tpu.memory_space<vmem>> -> memref<1x80x64xf32, #tpu.memory_space<vmem>>
        %dma_start3A_223 = tpu.memref_squeeze %dma_start3A_222 : memref<1x80x64xf32, #tpu.memory_space<vmem>> -> memref<80x64xf32, #tpu.memory_space<vmem>>
        %dma_start3A_224 = arith.constant 0 : i32
        %dma_start3A_225 = tpu.memref_slice %arg8[%add3A_143, %dma_start3A_224] : memref<125x80xi32, #tpu.memory_space<vmem>> -> memref<1x80xi32, #tpu.memory_space<vmem>>
        %dma_start3A_226 = tpu.memref_squeeze %dma_start3A_225 : memref<1x80xi32, #tpu.memory_space<vmem>> -> memref<80xi32, #tpu.memory_space<vmem>>
        %dma_start3A_227 = arith.constant 0 : i32
        %dma_start3A_228 = arith.constant 0 : i32
        %dma_start3A_229 = tpu.memref_slice %arg10[%dma_start3A_227, %dma_start3A_228] : memref<10000x64xf32, #tpu.memory_space<vmem_shared>> -> memref<10000x64xf32, #tpu.memory_space<vmem_shared>>
        tpu.enqueue_indirect_dma source(%dma_start3A_223 : memref<80x64xf32, #tpu.memory_space<vmem>>) target(%dma_start3A_229 : memref<10000x64xf32, #tpu.memory_space<vmem_shared>>) offsets(%dma_start3A_226 : memref<80xi32, #tpu.memory_space<vmem>>) semaphore(%run_scoped3A : memref<!tpu.dma_semaphore, #tpu.memory_space<semaphore_mem>>) {add = true}
        %dma_wait3A_230 = arith.constant 0 : i32
        %dma_wait3A_231 = arith.constant 0 : i32
        %dma_wait3A_232 = tpu.memref_slice %arg9[%add3A_139, %dma_wait3A_230, %dma_wait3A_231] : memref<10x80x64xf32, #tpu.memory_space<vmem>> -> memref<1x80x64xf32, #tpu.memory_space<vmem>>
        %dma_wait3A_233 = tpu.memref_squeeze %dma_wait3A_232 : memref<1x80x64xf32, #tpu.memory_space<vmem>> -> memref<80x64xf32, #tpu.memory_space<vmem>>
        %dma_wait3A_234 = arith.constant 0 : i32
        %dma_wait3A_235 = tpu.memref_slice %arg8[%add3A_143, %dma_wait3A_234] : memref<125x80xi32, #tpu.memory_space<vmem>> -> memref<1x80xi32, #tpu.memory_space<vmem>>
        %dma_wait3A_236 = tpu.memref_squeeze %dma_wait3A_235 : memref<1x80xi32, #tpu.memory_space<vmem>> -> memref<80xi32, #tpu.memory_space<vmem>>
        %dma_wait3A_237 = arith.constant 0 : i32
        %dma_wait3A_238 = arith.constant 0 : i32
        %dma_wait3A_239 = tpu.memref_slice %arg10[%dma_wait3A_237, %dma_wait3A_238] : memref<10000x64xf32, #tpu.memory_space<vmem_shared>> -> memref<10000x64xf32, #tpu.memory_space<vmem_shared>>
        tpu.wait_indirect_dma semaphore(%run_scoped3A : memref<!tpu.dma_semaphore, #tpu.memory_space<semaphore_mem>>) src(%dma_wait3A_233 : memref<80x64xf32, #tpu.memory_space<vmem>>) dst(%dma_wait3A_239 : memref<10000x64xf32, #tpu.memory_space<vmem_shared>>)
        tpu.yield
      }) : () -> ()
      %add3A_144 = arith.constant 1 : i32
      %add3A_145 = arith.addi %mul3A_116, %add3A_144 : i32
      %dma_wait3A_146 = arith.constant 0 : i32
      %dma_wait3A_147 = arith.constant 0 : i32
      %dma_wait3A_148 = arith.constant 0 : i32
      %dma_wait3A_149 = tpu.memref_slice %arg9[%add3A_145, %dma_wait3A_147, %dma_wait3A_148] : memref<10x80x64xf32, #tpu.memory_space<vmem>> -> memref<1x80x64xf32, #tpu.memory_space<vmem>>
      %dma_wait3A_150 = tpu.memref_squeeze %dma_wait3A_149 : memref<1x80x64xf32, #tpu.memory_space<vmem>> -> memref<80x64xf32, #tpu.memory_space<vmem>>
      %dma_wait3A_151 = arith.constant 0 : i32
      %dma_wait3A_152 = tpu.memref_slice %arg7[%dma_wait3A_146, %dma_wait3A_151] : memref<125x80xi32, #tpu.memory_space<vmem>> -> memref<1x80xi32, #tpu.memory_space<vmem>>
      %dma_wait3A_153 = tpu.memref_squeeze %dma_wait3A_152 : memref<1x80xi32, #tpu.memory_space<vmem>> -> memref<80xi32, #tpu.memory_space<vmem>>
      %dma_wait3A_154 = arith.constant 0 : i32
      %dma_wait3A_155 = arith.constant 0 : i32
      %dma_wait3A_156 = tpu.memref_slice %arg2[%dma_wait3A_154, %dma_wait3A_155] : memref<10000x64xf32, #tpu.memory_space<hbm>> -> memref<10000x64xf32, #tpu.memory_space<hbm>>
      tpu.wait_indirect_dma semaphore(%arg12 : memref<!tpu.dma_semaphore, #tpu.memory_space<semaphore_mem>>) src(%dma_wait3A_156 : memref<10000x64xf32, #tpu.memory_space<hbm>>) dst(%dma_wait3A_150 : memref<80x64xf32, #tpu.memory_space<vmem>>)
      %add3A_157 = arith.constant 1 : i32
      %add3A_158 = arith.addi %mul3A_116, %add3A_157 : i32
      %mul3A_159 = arith.constant 5 : i32
      %mul3A_160 = arith.muli %scan3A_104, %mul3A_159 : i32
      %add3A_161 = arith.constant 1 : i32
      %add3A_162 = arith.addi %mul3A_160, %add3A_161 : i32
      "tpu.region"() ({
        %run_scoped3A = tpu.sem_alloc : memref<!tpu.dma_semaphore, #tpu.memory_space<semaphore_mem>>
        %dma_start3A_220 = arith.constant 0 : i32
        %dma_start3A_221 = arith.constant 0 : i32
        %dma_start3A_222 = tpu.memref_slice %arg9[%add3A_158, %dma_start3A_220, %dma_start3A_221] : memref<10x80x64xf32, #tpu.memory_space<vmem>> -> memref<1x80x64xf32, #tpu.memory_space<vmem>>
        %dma_start3A_223 = tpu.memref_squeeze %dma_start3A_222 : memref<1x80x64xf32, #tpu.memory_space<vmem>> -> memref<80x64xf32, #tpu.memory_space<vmem>>
        %dma_start3A_224 = arith.constant 0 : i32
        %dma_start3A_225 = tpu.memref_slice %arg8[%add3A_162, %dma_start3A_224] : memref<125x80xi32, #tpu.memory_space<vmem>> -> memref<1x80xi32, #tpu.memory_space<vmem>>
        %dma_start3A_226 = tpu.memref_squeeze %dma_start3A_225 : memref<1x80xi32, #tpu.memory_space<vmem>> -> memref<80xi32, #tpu.memory_space<vmem>>
        %dma_start3A_227 = arith.constant 0 : i32
        %dma_start3A_228 = arith.constant 0 : i32
        %dma_start3A_229 = tpu.memref_slice %arg10[%dma_start3A_227, %dma_start3A_228] : memref<10000x64xf32, #tpu.memory_space<vmem_shared>> -> memref<10000x64xf32, #tpu.memory_space<vmem_shared>>
        tpu.enqueue_indirect_dma source(%dma_start3A_223 : memref<80x64xf32, #tpu.memory_space<vmem>>) target(%dma_start3A_229 : memref<10000x64xf32, #tpu.memory_space<vmem_shared>>) offsets(%dma_start3A_226 : memref<80xi32, #tpu.memory_space<vmem>>) semaphore(%run_scoped3A : memref<!tpu.dma_semaphore, #tpu.memory_space<semaphore_mem>>) {add = true}
        %dma_wait3A_230 = arith.constant 0 : i32
        %dma_wait3A_231 = arith.constant 0 : i32
        %dma_wait3A_232 = tpu.memref_slice %arg9[%add3A_158, %dma_wait3A_230, %dma_wait3A_231] : memref<10x80x64xf32, #tpu.memory_space<vmem>> -> memref<1x80x64xf32, #tpu.memory_space<vmem>>
        %dma_wait3A_233 = tpu.memref_squeeze %dma_wait3A_232 : memref<1x80x64xf32, #tpu.memory_space<vmem>> -> memref<80x64xf32, #tpu.memory_space<vmem>>
        %dma_wait3A_234 = arith.constant 0 : i32
        %dma_wait3A_235 = tpu.memref_slice %arg8[%add3A_162, %dma_wait3A_234] : memref<125x80xi32, #tpu.memory_space<vmem>> -> memref<1x80xi32, #tpu.memory_space<vmem>>
        %dma_wait3A_236 = tpu.memref_squeeze %dma_wait3A_235 : memref<1x80xi32, #tpu.memory_space<vmem>> -> memref<80xi32, #tpu.memory_space<vmem>>
        %dma_wait3A_237 = arith.constant 0 : i32
        %dma_wait3A_238 = arith.constant 0 : i32
        %dma_wait3A_239 = tpu.memref_slice %arg10[%dma_wait3A_237, %dma_wait3A_238] : memref<10000x64xf32, #tpu.memory_space<vmem_shared>> -> memref<10000x64xf32, #tpu.memory_space<vmem_shared>>
        tpu.wait_indirect_dma semaphore(%run_scoped3A : memref<!tpu.dma_semaphore, #tpu.memory_space<semaphore_mem>>) src(%dma_wait3A_233 : memref<80x64xf32, #tpu.memory_space<vmem>>) dst(%dma_wait3A_239 : memref<10000x64xf32, #tpu.memory_space<vmem_shared>>)
        tpu.yield
      }) : () -> ()
      %add3A_163 = arith.constant 2 : i32
      %add3A_164 = arith.addi %mul3A_116, %add3A_163 : i32
      %dma_wait3A_165 = arith.constant 0 : i32
      %dma_wait3A_166 = arith.constant 0 : i32
      %dma_wait3A_167 = arith.constant 0 : i32
      %dma_wait3A_168 = tpu.memref_slice %arg9[%add3A_164, %dma_wait3A_166, %dma_wait3A_167] : memref<10x80x64xf32, #tpu.memory_space<vmem>> -> memref<1x80x64xf32, #tpu.memory_space<vmem>>
      %dma_wait3A_169 = tpu.memref_squeeze %dma_wait3A_168 : memref<1x80x64xf32, #tpu.memory_space<vmem>> -> memref<80x64xf32, #tpu.memory_space<vmem>>
      %dma_wait3A_170 = arith.constant 0 : i32
      %dma_wait3A_171 = tpu.memref_slice %arg7[%dma_wait3A_165, %dma_wait3A_170] : memref<125x80xi32, #tpu.memory_space<vmem>> -> memref<1x80xi32, #tpu.memory_space<vmem>>
      %dma_wait3A_172 = tpu.memref_squeeze %dma_wait3A_171 : memref<1x80xi32, #tpu.memory_space<vmem>> -> memref<80xi32, #tpu.memory_space<vmem>>
      %dma_wait3A_173 = arith.constant 0 : i32
      %dma_wait3A_174 = arith.constant 0 : i32
      %dma_wait3A_175 = tpu.memref_slice %arg2[%dma_wait3A_173, %dma_wait3A_174] : memref<10000x64xf32, #tpu.memory_space<hbm>> -> memref<10000x64xf32, #tpu.memory_space<hbm>>
      tpu.wait_indirect_dma semaphore(%arg12 : memref<!tpu.dma_semaphore, #tpu.memory_space<semaphore_mem>>) src(%dma_wait3A_175 : memref<10000x64xf32, #tpu.memory_space<hbm>>) dst(%dma_wait3A_169 : memref<80x64xf32, #tpu.memory_space<vmem>>)
      %add3A_176 = arith.constant 2 : i32
      %add3A_177 = arith.addi %mul3A_116, %add3A_176 : i32
      %mul3A_178 = arith.constant 5 : i32
      %mul3A_179 = arith.muli %scan3A_104, %mul3A_178 : i32
      %add3A_180 = arith.constant 2 : i32
      %add3A_181 = arith.addi %mul3A_179, %add3A_180 : i32
      "tpu.region"() ({
        %run_scoped3A = tpu.sem_alloc : memref<!tpu.dma_semaphore, #tpu.memory_space<semaphore_mem>>
        %dma_start3A_220 = arith.constant 0 : i32
        %dma_start3A_221 = arith.constant 0 : i32
        %dma_start3A_222 = tpu.memref_slice %arg9[%add3A_177, %dma_start3A_220, %dma_start3A_221] : memref<10x80x64xf32, #tpu.memory_space<vmem>> -> memref<1x80x64xf32, #tpu.memory_space<vmem>>
        %dma_start3A_223 = tpu.memref_squeeze %dma_start3A_222 : memref<1x80x64xf32, #tpu.memory_space<vmem>> -> memref<80x64xf32, #tpu.memory_space<vmem>>
        %dma_start3A_224 = arith.constant 0 : i32
        %dma_start3A_225 = tpu.memref_slice %arg8[%add3A_181, %dma_start3A_224] : memref<125x80xi32, #tpu.memory_space<vmem>> -> memref<1x80xi32, #tpu.memory_space<vmem>>
        %dma_start3A_226 = tpu.memref_squeeze %dma_start3A_225 : memref<1x80xi32, #tpu.memory_space<vmem>> -> memref<80xi32, #tpu.memory_space<vmem>>
        %dma_start3A_227 = arith.constant 0 : i32
        %dma_start3A_228 = arith.constant 0 : i32
        %dma_start3A_229 = tpu.memref_slice %arg10[%dma_start3A_227, %dma_start3A_228] : memref<10000x64xf32, #tpu.memory_space<vmem_shared>> -> memref<10000x64xf32, #tpu.memory_space<vmem_shared>>
        tpu.enqueue_indirect_dma source(%dma_start3A_223 : memref<80x64xf32, #tpu.memory_space<vmem>>) target(%dma_start3A_229 : memref<10000x64xf32, #tpu.memory_space<vmem_shared>>) offsets(%dma_start3A_226 : memref<80xi32, #tpu.memory_space<vmem>>) semaphore(%run_scoped3A : memref<!tpu.dma_semaphore, #tpu.memory_space<semaphore_mem>>) {add = true}
        %dma_wait3A_230 = arith.constant 0 : i32
        %dma_wait3A_231 = arith.constant 0 : i32
        %dma_wait3A_232 = tpu.memref_slice %arg9[%add3A_177, %dma_wait3A_230, %dma_wait3A_231] : memref<10x80x64xf32, #tpu.memory_space<vmem>> -> memref<1x80x64xf32, #tpu.memory_space<vmem>>
        %dma_wait3A_233 = tpu.memref_squeeze %dma_wait3A_232 : memref<1x80x64xf32, #tpu.memory_space<vmem>> -> memref<80x64xf32, #tpu.memory_space<vmem>>
        %dma_wait3A_234 = arith.constant 0 : i32
        %dma_wait3A_235 = tpu.memref_slice %arg8[%add3A_181, %dma_wait3A_234] : memref<125x80xi32, #tpu.memory_space<vmem>> -> memref<1x80xi32, #tpu.memory_space<vmem>>
        %dma_wait3A_236 = tpu.memref_squeeze %dma_wait3A_235 : memref<1x80xi32, #tpu.memory_space<vmem>> -> memref<80xi32, #tpu.memory_space<vmem>>
        %dma_wait3A_237 = arith.constant 0 : i32
        %dma_wait3A_238 = arith.constant 0 : i32
        %dma_wait3A_239 = tpu.memref_slice %arg10[%dma_wait3A_237, %dma_wait3A_238] : memref<10000x64xf32, #tpu.memory_space<vmem_shared>> -> memref<10000x64xf32, #tpu.memory_space<vmem_shared>>
        tpu.wait_indirect_dma semaphore(%run_scoped3A : memref<!tpu.dma_semaphore, #tpu.memory_space<semaphore_mem>>) src(%dma_wait3A_233 : memref<80x64xf32, #tpu.memory_space<vmem>>) dst(%dma_wait3A_239 : memref<10000x64xf32, #tpu.memory_space<vmem_shared>>)
        tpu.yield
      }) : () -> ()
      %add3A_182 = arith.constant 3 : i32
      %add3A_183 = arith.addi %mul3A_116, %add3A_182 : i32
      %dma_wait3A_184 = arith.constant 0 : i32
      %dma_wait3A_185 = arith.constant 0 : i32
      %dma_wait3A_186 = arith.constant 0 : i32
      %dma_wait3A_187 = tpu.memref_slice %arg9[%add3A_183, %dma_wait3A_185, %dma_wait3A_186] : memref<10x80x64xf32, #tpu.memory_space<vmem>> -> memref<1x80x64xf32, #tpu.memory_space<vmem>>
      %dma_wait3A_188 = tpu.memref_squeeze %dma_wait3A_187 : memref<1x80x64xf32, #tpu.memory_space<vmem>> -> memref<80x64xf32, #tpu.memory_space<vmem>>
      %dma_wait3A_189 = arith.constant 0 : i32
      %dma_wait3A_190 = tpu.memref_slice %arg7[%dma_wait3A_184, %dma_wait3A_189] : memref<125x80xi32, #tpu.memory_space<vmem>> -> memref<1x80xi32, #tpu.memory_space<vmem>>
      %dma_wait3A_191 = tpu.memref_squeeze %dma_wait3A_190 : memref<1x80xi32, #tpu.memory_space<vmem>> -> memref<80xi32, #tpu.memory_space<vmem>>
      %dma_wait3A_192 = arith.constant 0 : i32
      %dma_wait3A_193 = arith.constant 0 : i32
      %dma_wait3A_194 = tpu.memref_slice %arg2[%dma_wait3A_192, %dma_wait3A_193] : memref<10000x64xf32, #tpu.memory_space<hbm>> -> memref<10000x64xf32, #tpu.memory_space<hbm>>
      tpu.wait_indirect_dma semaphore(%arg12 : memref<!tpu.dma_semaphore, #tpu.memory_space<semaphore_mem>>) src(%dma_wait3A_194 : memref<10000x64xf32, #tpu.memory_space<hbm>>) dst(%dma_wait3A_188 : memref<80x64xf32, #tpu.memory_space<vmem>>)
      %add3A_195 = arith.constant 3 : i32
      %add3A_196 = arith.addi %mul3A_116, %add3A_195 : i32
      %mul3A_197 = arith.constant 5 : i32
      %mul3A_198 = arith.muli %scan3A_104, %mul3A_197 : i32
      %add3A_199 = arith.constant 3 : i32
      %add3A_200 = arith.addi %mul3A_198, %add3A_199 : i32
      "tpu.region"() ({
        %run_scoped3A = tpu.sem_alloc : memref<!tpu.dma_semaphore, #tpu.memory_space<semaphore_mem>>
        %dma_start3A_220 = arith.constant 0 : i32
        %dma_start3A_221 = arith.constant 0 : i32
        %dma_start3A_222 = tpu.memref_slice %arg9[%add3A_196, %dma_start3A_220, %dma_start3A_221] : memref<10x80x64xf32, #tpu.memory_space<vmem>> -> memref<1x80x64xf32, #tpu.memory_space<vmem>>
        %dma_start3A_223 = tpu.memref_squeeze %dma_start3A_222 : memref<1x80x64xf32, #tpu.memory_space<vmem>> -> memref<80x64xf32, #tpu.memory_space<vmem>>
        %dma_start3A_224 = arith.constant 0 : i32
        %dma_start3A_225 = tpu.memref_slice %arg8[%add3A_200, %dma_start3A_224] : memref<125x80xi32, #tpu.memory_space<vmem>> -> memref<1x80xi32, #tpu.memory_space<vmem>>
        %dma_start3A_226 = tpu.memref_squeeze %dma_start3A_225 : memref<1x80xi32, #tpu.memory_space<vmem>> -> memref<80xi32, #tpu.memory_space<vmem>>
        %dma_start3A_227 = arith.constant 0 : i32
        %dma_start3A_228 = arith.constant 0 : i32
        %dma_start3A_229 = tpu.memref_slice %arg10[%dma_start3A_227, %dma_start3A_228] : memref<10000x64xf32, #tpu.memory_space<vmem_shared>> -> memref<10000x64xf32, #tpu.memory_space<vmem_shared>>
        tpu.enqueue_indirect_dma source(%dma_start3A_223 : memref<80x64xf32, #tpu.memory_space<vmem>>) target(%dma_start3A_229 : memref<10000x64xf32, #tpu.memory_space<vmem_shared>>) offsets(%dma_start3A_226 : memref<80xi32, #tpu.memory_space<vmem>>) semaphore(%run_scoped3A : memref<!tpu.dma_semaphore, #tpu.memory_space<semaphore_mem>>) {add = true}
        %dma_wait3A_230 = arith.constant 0 : i32
        %dma_wait3A_231 = arith.constant 0 : i32
        %dma_wait3A_232 = tpu.memref_slice %arg9[%add3A_196, %dma_wait3A_230, %dma_wait3A_231] : memref<10x80x64xf32, #tpu.memory_space<vmem>> -> memref<1x80x64xf32, #tpu.memory_space<vmem>>
        %dma_wait3A_233 = tpu.memref_squeeze %dma_wait3A_232 : memref<1x80x64xf32, #tpu.memory_space<vmem>> -> memref<80x64xf32, #tpu.memory_space<vmem>>
        %dma_wait3A_234 = arith.constant 0 : i32
        %dma_wait3A_235 = tpu.memref_slice %arg8[%add3A_200, %dma_wait3A_234] : memref<125x80xi32, #tpu.memory_space<vmem>> -> memref<1x80xi32, #tpu.memory_space<vmem>>
        %dma_wait3A_236 = tpu.memref_squeeze %dma_wait3A_235 : memref<1x80xi32, #tpu.memory_space<vmem>> -> memref<80xi32, #tpu.memory_space<vmem>>
        %dma_wait3A_237 = arith.constant 0 : i32
        %dma_wait3A_238 = arith.constant 0 : i32
        %dma_wait3A_239 = tpu.memref_slice %arg10[%dma_wait3A_237, %dma_wait3A_238] : memref<10000x64xf32, #tpu.memory_space<vmem_shared>> -> memref<10000x64xf32, #tpu.memory_space<vmem_shared>>
        tpu.wait_indirect_dma semaphore(%run_scoped3A : memref<!tpu.dma_semaphore, #tpu.memory_space<semaphore_mem>>) src(%dma_wait3A_233 : memref<80x64xf32, #tpu.memory_space<vmem>>) dst(%dma_wait3A_239 : memref<10000x64xf32, #tpu.memory_space<vmem_shared>>)
        tpu.yield
      }) : () -> ()
      %add3A_201 = arith.constant 4 : i32
      %add3A_202 = arith.addi %mul3A_116, %add3A_201 : i32
      %dma_wait3A_203 = arith.constant 0 : i32
      %dma_wait3A_204 = arith.constant 0 : i32
      %dma_wait3A_205 = arith.constant 0 : i32
      %dma_wait3A_206 = tpu.memref_slice %arg9[%add3A_202, %dma_wait3A_204, %dma_wait3A_205] : memref<10x80x64xf32, #tpu.memory_space<vmem>> -> memref<1x80x64xf32, #tpu.memory_space<vmem>>
      %dma_wait3A_207 = tpu.memref_squeeze %dma_wait3A_206 : memref<1x80x64xf32, #tpu.memory_space<vmem>> -> memref<80x64xf32, #tpu.memory_space<vmem>>
      %dma_wait3A_208 = arith.constant 0 : i32
      %dma_wait3A_209 = tpu.memref_slice %arg7[%dma_wait3A_203, %dma_wait3A_208] : memref<125x80xi32, #tpu.memory_space<vmem>> -> memref<1x80xi32, #tpu.memory_space<vmem>>
      %dma_wait3A_210 = tpu.memref_squeeze %dma_wait3A_209 : memref<1x80xi32, #tpu.memory_space<vmem>> -> memref<80xi32, #tpu.memory_space<vmem>>
      %dma_wait3A_211 = arith.constant 0 : i32
      %dma_wait3A_212 = arith.constant 0 : i32
      %dma_wait3A_213 = tpu.memref_slice %arg2[%dma_wait3A_211, %dma_wait3A_212] : memref<10000x64xf32, #tpu.memory_space<hbm>> -> memref<10000x64xf32, #tpu.memory_space<hbm>>
      tpu.wait_indirect_dma semaphore(%arg12 : memref<!tpu.dma_semaphore, #tpu.memory_space<semaphore_mem>>) src(%dma_wait3A_213 : memref<10000x64xf32, #tpu.memory_space<hbm>>) dst(%dma_wait3A_207 : memref<80x64xf32, #tpu.memory_space<vmem>>)
      %add3A_214 = arith.constant 4 : i32
      %add3A_215 = arith.addi %mul3A_116, %add3A_214 : i32
      %mul3A_216 = arith.constant 5 : i32
      %mul3A_217 = arith.muli %scan3A_104, %mul3A_216 : i32
      %add3A_218 = arith.constant 4 : i32
      %add3A_219 = arith.addi %mul3A_217, %add3A_218 : i32
      "tpu.region"() ({
        %run_scoped3A = tpu.sem_alloc : memref<!tpu.dma_semaphore, #tpu.memory_space<semaphore_mem>>
        %dma_start3A_220 = arith.constant 0 : i32
        %dma_start3A_221 = arith.constant 0 : i32
        %dma_start3A_222 = tpu.memref_slice %arg9[%add3A_215, %dma_start3A_220, %dma_start3A_221] : memref<10x80x64xf32, #tpu.memory_space<vmem>> -> memref<1x80x64xf32, #tpu.memory_space<vmem>>
        %dma_start3A_223 = tpu.memref_squeeze %dma_start3A_222 : memref<1x80x64xf32, #tpu.memory_space<vmem>> -> memref<80x64xf32, #tpu.memory_space<vmem>>
        %dma_start3A_224 = arith.constant 0 : i32
        %dma_start3A_225 = tpu.memref_slice %arg8[%add3A_219, %dma_start3A_224] : memref<125x80xi32, #tpu.memory_space<vmem>> -> memref<1x80xi32, #tpu.memory_space<vmem>>
        %dma_start3A_226 = tpu.memref_squeeze %dma_start3A_225 : memref<1x80xi32, #tpu.memory_space<vmem>> -> memref<80xi32, #tpu.memory_space<vmem>>
        %dma_start3A_227 = arith.constant 0 : i32
        %dma_start3A_228 = arith.constant 0 : i32
        %dma_start3A_229 = tpu.memref_slice %arg10[%dma_start3A_227, %dma_start3A_228] : memref<10000x64xf32, #tpu.memory_space<vmem_shared>> -> memref<10000x64xf32, #tpu.memory_space<vmem_shared>>
        tpu.enqueue_indirect_dma source(%dma_start3A_223 : memref<80x64xf32, #tpu.memory_space<vmem>>) target(%dma_start3A_229 : memref<10000x64xf32, #tpu.memory_space<vmem_shared>>) offsets(%dma_start3A_226 : memref<80xi32, #tpu.memory_space<vmem>>) semaphore(%run_scoped3A : memref<!tpu.dma_semaphore, #tpu.memory_space<semaphore_mem>>) {add = true}
        %dma_wait3A_230 = arith.constant 0 : i32
        %dma_wait3A_231 = arith.constant 0 : i32
        %dma_wait3A_232 = tpu.memref_slice %arg9[%add3A_215, %dma_wait3A_230, %dma_wait3A_231] : memref<10x80x64xf32, #tpu.memory_space<vmem>> -> memref<1x80x64xf32, #tpu.memory_space<vmem>>
        %dma_wait3A_233 = tpu.memref_squeeze %dma_wait3A_232 : memref<1x80x64xf32, #tpu.memory_space<vmem>> -> memref<80x64xf32, #tpu.memory_space<vmem>>
        %dma_wait3A_234 = arith.constant 0 : i32
        %dma_wait3A_235 = tpu.memref_slice %arg8[%add3A_219, %dma_wait3A_234] : memref<125x80xi32, #tpu.memory_space<vmem>> -> memref<1x80xi32, #tpu.memory_space<vmem>>
        %dma_wait3A_236 = tpu.memref_squeeze %dma_wait3A_235 : memref<1x80xi32, #tpu.memory_space<vmem>> -> memref<80xi32, #tpu.memory_space<vmem>>
        %dma_wait3A_237 = arith.constant 0 : i32
        %dma_wait3A_238 = arith.constant 0 : i32
        %dma_wait3A_239 = tpu.memref_slice %arg10[%dma_wait3A_237, %dma_wait3A_238] : memref<10000x64xf32, #tpu.memory_space<vmem_shared>> -> memref<10000x64xf32, #tpu.memory_space<vmem_shared>>
        tpu.wait_indirect_dma semaphore(%run_scoped3A : memref<!tpu.dma_semaphore, #tpu.memory_space<semaphore_mem>>) src(%dma_wait3A_233 : memref<80x64xf32, #tpu.memory_space<vmem>>) dst(%dma_wait3A_239 : memref<10000x64xf32, #tpu.memory_space<vmem_shared>>)
        tpu.yield
      }) : () -> ()
    }
    %scan3A_97 = arith.constant 25 : i32
    %barrier3A_98 = arith.constant 0 : index
    tpu.barrier barrier_id(%barrier3A_98)
    %lt3A_99 = arith.constant 10 : i32
    %lt3A_100 = arith.cmpi slt, %arg1, %lt3A_99 : i32
    %convert_element_type3A_101 = arith.extui %lt3A_100 : i1 to i32
    %cond3A_102 = arith.constant 0 : i32
    %cond3A_103 = arith.cmpi ne, %convert_element_type3A_101, %cond3A_102 : i32
    scf.if %cond3A_103 {
      %mul3A_104 = arith.constant 1000 : i32
      %mul3A_105 = arith.muli %arg1, %mul3A_104 : i32
      %mul3A_106 = arith.constant 1000 : i32
      %mul3A_107 = arith.muli %arg1, %mul3A_106 : i32
      "tpu.region"() ({
        %run_scoped3A = tpu.sem_alloc : memref<!tpu.dma_semaphore, #tpu.memory_space<semaphore_mem>>
        %dma_start3A_108 = arith.constant 0 : i32
        %dma_start3A_109 = tpu.memref_slice %arg6[%arg0, %mul3A_107, %dma_start3A_108] : memref<2x10000x64xf32, #tpu.memory_space<hbm>> -> memref<1x1000x64xf32, #tpu.memory_space<hbm>>
        %dma_start3A_110 = tpu.memref_squeeze %dma_start3A_109 : memref<1x1000x64xf32, #tpu.memory_space<hbm>> -> memref<1000x64xf32, #tpu.memory_space<hbm>>
        %dma_start3A_111 = arith.constant 0 : i32
        %dma_start3A_112 = tpu.memref_slice %arg10[%mul3A_105, %dma_start3A_111] : memref<10000x64xf32, #tpu.memory_space<vmem_shared>> -> memref<1000x64xf32, #tpu.memory_space<vmem_shared>>
        tpu.enqueue_dma source(%dma_start3A_112 : memref<1000x64xf32, #tpu.memory_space<vmem_shared>>) target(%dma_start3A_110 : memref<1000x64xf32, #tpu.memory_space<hbm>>) target_semaphore(%run_scoped3A : memref<!tpu.dma_semaphore, #tpu.memory_space<semaphore_mem>>)
        %dma_wait3A_113 = arith.constant 0 : i32
        %dma_wait3A_114 = tpu.memref_slice %arg6[%arg0, %mul3A_107, %dma_wait3A_113] : memref<2x10000x64xf32, #tpu.memory_space<hbm>> -> memref<1x1000x64xf32, #tpu.memory_space<hbm>>
        %dma_wait3A_115 = tpu.memref_squeeze %dma_wait3A_114 : memref<1x1000x64xf32, #tpu.memory_space<hbm>> -> memref<1000x64xf32, #tpu.memory_space<hbm>>
        %dma_wait3A_116 = arith.constant 0 : i32
        %dma_wait3A_117 = tpu.memref_slice %arg10[%mul3A_105, %dma_wait3A_116] : memref<10000x64xf32, #tpu.memory_space<vmem_shared>> -> memref<1000x64xf32, #tpu.memory_space<vmem_shared>>
        tpu.wait_dma2 semaphore(%run_scoped3A : memref<!tpu.dma_semaphore, #tpu.memory_space<semaphore_mem>>) src(%dma_wait3A_117 : memref<1000x64xf32, #tpu.memory_space<vmem_shared>>) dst(%dma_wait3A_115 : memref<1000x64xf32, #tpu.memory_space<hbm>>)
        tpu.yield
      }) : () -> ()
    } else {
    }
    return
  }
}

#map = affine_map<(d0, d1) -> (0, 0)>
#map1 = affine_map<(d0, d1) -> (0, 0, 0)>
module attributes {stable_mosaic.version = 14 : i64} {
  func.func @_sc_scatter_body(%arg0: i32, %arg1: i32, %arg2: memref<10000x64xf32, #tpu.memory_space<hbm>>, %arg3: memref<32x125x80xi32, #tpu.memory_space<hbm>>, %arg4: memref<32x125x80xi32, #tpu.memory_space<hbm>>, %arg5: memref<10000x64xf32, #tpu.memory_space<hbm>>, %arg6: memref<2x10000x64xf32, #tpu.memory_space<hbm>>, %arg7: memref<125x80xi32, #tpu.memory_space<vmem>>, %arg8: memref<125x80xi32, #tpu.memory_space<vmem>>, %arg9: memref<10x80x64xf32, #tpu.memory_space<vmem>>, %arg10: memref<10000x64xf32, #tpu.memory_space<vmem_shared>>, %arg11: memref<!tpu.dma_semaphore, #tpu.memory_space<semaphore_mem>>, %arg12: memref<!tpu.dma_semaphore, #tpu.memory_space<semaphore_mem>>, %arg13: memref<!tpu.dma_semaphore, #tpu.memory_space<semaphore_mem>>) attributes {dimension_semantics = [#tpu.dimension_semantics<core_parallel>, #tpu.dimension_semantics<subcore_parallel>], iteration_bounds = array<i64: 2, 16>, scalar_prefetch = 0 : i64, scratch_operands = 7 : i64, tpu.core_type = #tpu.core_type<sc_vector_subcore>, window_params = [{transform_indices = #map}, {transform_indices = #map1}, {transform_indices = #map1}, {transform_indices = #map}, {transform_indices = #map1}]} {
    %mul3A = arith.constant 16 : i32
    %mul3A_0 = arith.muli %arg0, %mul3A : i32
    %add3A = arith.addi %mul3A_0, %arg1 : i32
    %dma_start3A = arith.constant 0 : i32
    %dma_start3A_1 = arith.constant 0 : i32
    %dma_start3A_2 = tpu.memref_slice %arg3[%add3A, %dma_start3A, %dma_start3A_1] : memref<32x125x80xi32, #tpu.memory_space<hbm>> -> memref<1x125x80xi32, #tpu.memory_space<hbm>>
    %dma_start3A_3 = tpu.memref_squeeze %dma_start3A_2 : memref<1x125x80xi32, #tpu.memory_space<hbm>> -> memref<125x80xi32, #tpu.memory_space<hbm>>
    %dma_start3A_4 = arith.constant 0 : i32
    %dma_start3A_5 = arith.constant 0 : i32
    %dma_start3A_6 = tpu.memref_slice %arg3[%add3A, %dma_start3A_4, %dma_start3A_5] : memref<32x125x80xi32, #tpu.memory_space<hbm>> -> memref<1x125x80xi32, #tpu.memory_space<hbm>>
    %dma_start3A_7 = tpu.memref_squeeze %dma_start3A_6 : memref<1x125x80xi32, #tpu.memory_space<hbm>> -> memref<125x80xi32, #tpu.memory_space<hbm>>
    tpu.enqueue_dma source(%dma_start3A_7 : memref<125x80xi32, #tpu.memory_space<hbm>>) target(%arg7 : memref<125x80xi32, #tpu.memory_space<vmem>>) target_semaphore(%arg11 : memref<!tpu.dma_semaphore, #tpu.memory_space<semaphore_mem>>)
    %dma_start3A_8 = arith.constant 0 : i32
    %dma_start3A_9 = arith.constant 0 : i32
    %dma_start3A_10 = tpu.memref_slice %arg4[%add3A, %dma_start3A_8, %dma_start3A_9] : memref<32x125x80xi32, #tpu.memory_space<hbm>> -> memref<1x125x80xi32, #tpu.memory_space<hbm>>
    %dma_start3A_11 = tpu.memref_squeeze %dma_start3A_10 : memref<1x125x80xi32, #tpu.memory_space<hbm>> -> memref<125x80xi32, #tpu.memory_space<hbm>>
    %dma_start3A_12 = arith.constant 0 : i32
    %dma_start3A_13 = arith.constant 0 : i32
    %dma_start3A_14 = tpu.memref_slice %arg4[%add3A, %dma_start3A_12, %dma_start3A_13] : memref<32x125x80xi32, #tpu.memory_space<hbm>> -> memref<1x125x80xi32, #tpu.memory_space<hbm>>
    %dma_start3A_15 = tpu.memref_squeeze %dma_start3A_14 : memref<1x125x80xi32, #tpu.memory_space<hbm>> -> memref<125x80xi32, #tpu.memory_space<hbm>>
    tpu.enqueue_dma source(%dma_start3A_15 : memref<125x80xi32, #tpu.memory_space<hbm>>) target(%arg8 : memref<125x80xi32, #tpu.memory_space<vmem>>) target_semaphore(%arg11 : memref<!tpu.dma_semaphore, #tpu.memory_space<semaphore_mem>>)
    %lt3A = arith.constant 10 : i32
    %lt3A_16 = arith.cmpi slt, %arg1, %lt3A : i32
    %convert_element_type3A = arith.extui %lt3A_16 : i1 to i32
    %cond3A = arith.constant 0 : i32
    %cond3A_17 = arith.cmpi ne, %convert_element_type3A, %cond3A : i32
    scf.if %cond3A_17 {
      %mul3A_104 = arith.constant 1000 : i32
      %mul3A_105 = arith.muli %arg1, %mul3A_104 : i32
      %mul3A_106 = arith.constant 1000 : i32
      %mul3A_107 = arith.muli %arg1, %mul3A_106 : i32
      "tpu.region"() ({
        %run_scoped3A = tpu.sem_alloc : memref<!tpu.dma_semaphore, #tpu.memory_space<semaphore_mem>>
        %dma_start3A_108 = arith.constant 0 : i32
        %dma_start3A_109 = tpu.memref_slice %arg10[%mul3A_107, %dma_start3A_108] : memref<10000x64xf32, #tpu.memory_space<vmem_shared>> -> memref<1000x64xf32, #tpu.memory_space<vmem_shared>>
        %dma_start3A_110 = arith.constant 0 : i32
        %dma_start3A_111 = tpu.memref_slice %arg5[%mul3A_105, %dma_start3A_110] : memref<10000x64xf32, #tpu.memory_space<hbm>> -> memref<1000x64xf32, #tpu.memory_space<hbm>>
        tpu.enqueue_dma source(%dma_start3A_111 : memref<1000x64xf32, #tpu.memory_space<hbm>>) target(%dma_start3A_109 : memref<1000x64xf32, #tpu.memory_space<vmem_shared>>) target_semaphore(%run_scoped3A : memref<!tpu.dma_semaphore, #tpu.memory_space<semaphore_mem>>)
        %dma_wait3A_112 = arith.constant 0 : i32
        %dma_wait3A_113 = tpu.memref_slice %arg10[%mul3A_107, %dma_wait3A_112] : memref<10000x64xf32, #tpu.memory_space<vmem_shared>> -> memref<1000x64xf32, #tpu.memory_space<vmem_shared>>
        %dma_wait3A_114 = arith.constant 0 : i32
        %dma_wait3A_115 = tpu.memref_slice %arg5[%mul3A_105, %dma_wait3A_114] : memref<10000x64xf32, #tpu.memory_space<hbm>> -> memref<1000x64xf32, #tpu.memory_space<hbm>>
        tpu.wait_dma2 semaphore(%run_scoped3A : memref<!tpu.dma_semaphore, #tpu.memory_space<semaphore_mem>>) src(%dma_wait3A_115 : memref<1000x64xf32, #tpu.memory_space<hbm>>) dst(%dma_wait3A_113 : memref<1000x64xf32, #tpu.memory_space<vmem_shared>>)
        tpu.yield
      }) : () -> ()
    } else {
    }
    %dma_wait3A = arith.constant 0 : i32
    %dma_wait3A_18 = arith.constant 0 : i32
    %dma_wait3A_19 = tpu.memref_slice %arg3[%add3A, %dma_wait3A, %dma_wait3A_18] : memref<32x125x80xi32, #tpu.memory_space<hbm>> -> memref<1x125x80xi32, #tpu.memory_space<hbm>>
    %dma_wait3A_20 = tpu.memref_squeeze %dma_wait3A_19 : memref<1x125x80xi32, #tpu.memory_space<hbm>> -> memref<125x80xi32, #tpu.memory_space<hbm>>
    %dma_wait3A_21 = arith.constant 0 : i32
    %dma_wait3A_22 = arith.constant 0 : i32
    %dma_wait3A_23 = tpu.memref_slice %arg3[%add3A, %dma_wait3A_21, %dma_wait3A_22] : memref<32x125x80xi32, #tpu.memory_space<hbm>> -> memref<1x125x80xi32, #tpu.memory_space<hbm>>
    %dma_wait3A_24 = tpu.memref_squeeze %dma_wait3A_23 : memref<1x125x80xi32, #tpu.memory_space<hbm>> -> memref<125x80xi32, #tpu.memory_space<hbm>>
    tpu.wait_dma2 semaphore(%arg11 : memref<!tpu.dma_semaphore, #tpu.memory_space<semaphore_mem>>) src(%dma_wait3A_24 : memref<125x80xi32, #tpu.memory_space<hbm>>) dst(%arg7 : memref<125x80xi32, #tpu.memory_space<vmem>>)
    %dma_start3A_25 = arith.constant 0 : i32
    %dma_start3A_26 = arith.constant 0 : i32
    %dma_start3A_27 = arith.constant 0 : i32
    %dma_start3A_28 = arith.constant 0 : i32
    %dma_start3A_29 = tpu.memref_slice %arg9[%dma_start3A_26, %dma_start3A_27, %dma_start3A_28] : memref<10x80x64xf32, #tpu.memory_space<vmem>> -> memref<1x80x64xf32, #tpu.memory_space<vmem>>
    %dma_start3A_30 = tpu.memref_squeeze %dma_start3A_29 : memref<1x80x64xf32, #tpu.memory_space<vmem>> -> memref<80x64xf32, #tpu.memory_space<vmem>>
    %dma_start3A_31 = arith.constant 0 : i32
    %dma_start3A_32 = tpu.memref_slice %arg7[%dma_start3A_25, %dma_start3A_31] : memref<125x80xi32, #tpu.memory_space<vmem>> -> memref<1x80xi32, #tpu.memory_space<vmem>>
    %dma_start3A_33 = tpu.memref_squeeze %dma_start3A_32 : memref<1x80xi32, #tpu.memory_space<vmem>> -> memref<80xi32, #tpu.memory_space<vmem>>
    %dma_start3A_34 = arith.constant 0 : i32
    %dma_start3A_35 = arith.constant 0 : i32
    %dma_start3A_36 = tpu.memref_slice %arg2[%dma_start3A_34, %dma_start3A_35] : memref<10000x64xf32, #tpu.memory_space<hbm>> -> memref<10000x64xf32, #tpu.memory_space<hbm>>
    tpu.enqueue_indirect_dma source(%dma_start3A_36 : memref<10000x64xf32, #tpu.memory_space<hbm>>) target(%dma_start3A_30 : memref<80x64xf32, #tpu.memory_space<vmem>>) offsets(%dma_start3A_33 : memref<80xi32, #tpu.memory_space<vmem>>) semaphore(%arg12 : memref<!tpu.dma_semaphore, #tpu.memory_space<semaphore_mem>>)
    %dma_start3A_37 = arith.constant 1 : i32
    %dma_start3A_38 = arith.constant 1 : i32
    %dma_start3A_39 = arith.constant 0 : i32
    %dma_start3A_40 = arith.constant 0 : i32
    %dma_start3A_41 = tpu.memref_slice %arg9[%dma_start3A_38, %dma_start3A_39, %dma_start3A_40] : memref<10x80x64xf32, #tpu.memory_space<vmem>> -> memref<1x80x64xf32, #tpu.memory_space<vmem>>
    %dma_start3A_42 = tpu.memref_squeeze %dma_start3A_41 : memref<1x80x64xf32, #tpu.memory_space<vmem>> -> memref<80x64xf32, #tpu.memory_space<vmem>>
    %dma_start3A_43 = arith.constant 0 : i32
    %dma_start3A_44 = tpu.memref_slice %arg7[%dma_start3A_37, %dma_start3A_43] : memref<125x80xi32, #tpu.memory_space<vmem>> -> memref<1x80xi32, #tpu.memory_space<vmem>>
    %dma_start3A_45 = tpu.memref_squeeze %dma_start3A_44 : memref<1x80xi32, #tpu.memory_space<vmem>> -> memref<80xi32, #tpu.memory_space<vmem>>
    %dma_start3A_46 = arith.constant 0 : i32
    %dma_start3A_47 = arith.constant 0 : i32
    %dma_start3A_48 = tpu.memref_slice %arg2[%dma_start3A_46, %dma_start3A_47] : memref<10000x64xf32, #tpu.memory_space<hbm>> -> memref<10000x64xf32, #tpu.memory_space<hbm>>
    tpu.enqueue_indirect_dma source(%dma_start3A_48 : memref<10000x64xf32, #tpu.memory_space<hbm>>) target(%dma_start3A_42 : memref<80x64xf32, #tpu.memory_space<vmem>>) offsets(%dma_start3A_45 : memref<80xi32, #tpu.memory_space<vmem>>) semaphore(%arg12 : memref<!tpu.dma_semaphore, #tpu.memory_space<semaphore_mem>>)
    %dma_start3A_49 = arith.constant 2 : i32
    %dma_start3A_50 = arith.constant 2 : i32
    %dma_start3A_51 = arith.constant 0 : i32
    %dma_start3A_52 = arith.constant 0 : i32
    %dma_start3A_53 = tpu.memref_slice %arg9[%dma_start3A_50, %dma_start3A_51, %dma_start3A_52] : memref<10x80x64xf32, #tpu.memory_space<vmem>> -> memref<1x80x64xf32, #tpu.memory_space<vmem>>
    %dma_start3A_54 = tpu.memref_squeeze %dma_start3A_53 : memref<1x80x64xf32, #tpu.memory_space<vmem>> -> memref<80x64xf32, #tpu.memory_space<vmem>>
    %dma_start3A_55 = arith.constant 0 : i32
    %dma_start3A_56 = tpu.memref_slice %arg7[%dma_start3A_49, %dma_start3A_55] : memref<125x80xi32, #tpu.memory_space<vmem>> -> memref<1x80xi32, #tpu.memory_space<vmem>>
    %dma_start3A_57 = tpu.memref_squeeze %dma_start3A_56 : memref<1x80xi32, #tpu.memory_space<vmem>> -> memref<80xi32, #tpu.memory_space<vmem>>
    %dma_start3A_58 = arith.constant 0 : i32
    %dma_start3A_59 = arith.constant 0 : i32
    %dma_start3A_60 = tpu.memref_slice %arg2[%dma_start3A_58, %dma_start3A_59] : memref<10000x64xf32, #tpu.memory_space<hbm>> -> memref<10000x64xf32, #tpu.memory_space<hbm>>
    tpu.enqueue_indirect_dma source(%dma_start3A_60 : memref<10000x64xf32, #tpu.memory_space<hbm>>) target(%dma_start3A_54 : memref<80x64xf32, #tpu.memory_space<vmem>>) offsets(%dma_start3A_57 : memref<80xi32, #tpu.memory_space<vmem>>) semaphore(%arg12 : memref<!tpu.dma_semaphore, #tpu.memory_space<semaphore_mem>>)
    %dma_start3A_61 = arith.constant 3 : i32
    %dma_start3A_62 = arith.constant 3 : i32
    %dma_start3A_63 = arith.constant 0 : i32
    %dma_start3A_64 = arith.constant 0 : i32
    %dma_start3A_65 = tpu.memref_slice %arg9[%dma_start3A_62, %dma_start3A_63, %dma_start3A_64] : memref<10x80x64xf32, #tpu.memory_space<vmem>> -> memref<1x80x64xf32, #tpu.memory_space<vmem>>
    %dma_start3A_66 = tpu.memref_squeeze %dma_start3A_65 : memref<1x80x64xf32, #tpu.memory_space<vmem>> -> memref<80x64xf32, #tpu.memory_space<vmem>>
    %dma_start3A_67 = arith.constant 0 : i32
    %dma_start3A_68 = tpu.memref_slice %arg7[%dma_start3A_61, %dma_start3A_67] : memref<125x80xi32, #tpu.memory_space<vmem>> -> memref<1x80xi32, #tpu.memory_space<vmem>>
    %dma_start3A_69 = tpu.memref_squeeze %dma_start3A_68 : memref<1x80xi32, #tpu.memory_space<vmem>> -> memref<80xi32, #tpu.memory_space<vmem>>
    %dma_start3A_70 = arith.constant 0 : i32
    %dma_start3A_71 = arith.constant 0 : i32
    %dma_start3A_72 = tpu.memref_slice %arg2[%dma_start3A_70, %dma_start3A_71] : memref<10000x64xf32, #tpu.memory_space<hbm>> -> memref<10000x64xf32, #tpu.memory_space<hbm>>
    tpu.enqueue_indirect_dma source(%dma_start3A_72 : memref<10000x64xf32, #tpu.memory_space<hbm>>) target(%dma_start3A_66 : memref<80x64xf32, #tpu.memory_space<vmem>>) offsets(%dma_start3A_69 : memref<80xi32, #tpu.memory_space<vmem>>) semaphore(%arg12 : memref<!tpu.dma_semaphore, #tpu.memory_space<semaphore_mem>>)
    %dma_start3A_73 = arith.constant 4 : i32
    %dma_start3A_74 = arith.constant 4 : i32
    %dma_start3A_75 = arith.constant 0 : i32
    %dma_start3A_76 = arith.constant 0 : i32
    %dma_start3A_77 = tpu.memref_slice %arg9[%dma_start3A_74, %dma_start3A_75, %dma_start3A_76] : memref<10x80x64xf32, #tpu.memory_space<vmem>> -> memref<1x80x64xf32, #tpu.memory_space<vmem>>
    %dma_start3A_78 = tpu.memref_squeeze %dma_start3A_77 : memref<1x80x64xf32, #tpu.memory_space<vmem>> -> memref<80x64xf32, #tpu.memory_space<vmem>>
    %dma_start3A_79 = arith.constant 0 : i32
    %dma_start3A_80 = tpu.memref_slice %arg7[%dma_start3A_73, %dma_start3A_79] : memref<125x80xi32, #tpu.memory_space<vmem>> -> memref<1x80xi32, #tpu.memory_space<vmem>>
    %dma_start3A_81 = tpu.memref_squeeze %dma_start3A_80 : memref<1x80xi32, #tpu.memory_space<vmem>> -> memref<80xi32, #tpu.memory_space<vmem>>
    %dma_start3A_82 = arith.constant 0 : i32
    %dma_start3A_83 = arith.constant 0 : i32
    %dma_start3A_84 = tpu.memref_slice %arg2[%dma_start3A_82, %dma_start3A_83] : memref<10000x64xf32, #tpu.memory_space<hbm>> -> memref<10000x64xf32, #tpu.memory_space<hbm>>
    tpu.enqueue_indirect_dma source(%dma_start3A_84 : memref<10000x64xf32, #tpu.memory_space<hbm>>) target(%dma_start3A_78 : memref<80x64xf32, #tpu.memory_space<vmem>>) offsets(%dma_start3A_81 : memref<80xi32, #tpu.memory_space<vmem>>) semaphore(%arg12 : memref<!tpu.dma_semaphore, #tpu.memory_space<semaphore_mem>>)
    %dma_wait3A_85 = arith.constant 0 : i32
    %dma_wait3A_86 = arith.constant 0 : i32
    %dma_wait3A_87 = tpu.memref_slice %arg4[%add3A, %dma_wait3A_85, %dma_wait3A_86] : memref<32x125x80xi32, #tpu.memory_space<hbm>> -> memref<1x125x80xi32, #tpu.memory_space<hbm>>
    %dma_wait3A_88 = tpu.memref_squeeze %dma_wait3A_87 : memref<1x125x80xi32, #tpu.memory_space<hbm>> -> memref<125x80xi32, #tpu.memory_space<hbm>>
    %dma_wait3A_89 = arith.constant 0 : i32
    %dma_wait3A_90 = arith.constant 0 : i32
    %dma_wait3A_91 = tpu.memref_slice %arg4[%add3A, %dma_wait3A_89, %dma_wait3A_90] : memref<32x125x80xi32, #tpu.memory_space<hbm>> -> memref<1x125x80xi32, #tpu.memory_space<hbm>>
    %dma_wait3A_92 = tpu.memref_squeeze %dma_wait3A_91 : memref<1x125x80xi32, #tpu.memory_space<hbm>> -> memref<125x80xi32, #tpu.memory_space<hbm>>
    tpu.wait_dma2 semaphore(%arg11 : memref<!tpu.dma_semaphore, #tpu.memory_space<semaphore_mem>>) src(%dma_wait3A_92 : memref<125x80xi32, #tpu.memory_space<hbm>>) dst(%arg8 : memref<125x80xi32, #tpu.memory_space<vmem>>)
    %barrier3A = arith.constant 0 : index
    tpu.barrier barrier_id(%barrier3A)
    %scan3A = arith.constant 0 : i32
    %scan3A_93 = arith.constant 0 : i32
    %scan3A_94 = arith.constant 25 : i32
    %scan3A_95 = arith.addi %scan3A_93, %scan3A_94 : i32
    %scan3A_96 = arith.constant 1 : i32
    scf.for %scan3A_104 = %scan3A_93 to %scan3A_95 step %scan3A_96  : i32 {
      %jit3A = arith.constant 2 : i32
      %eq3A = arith.constant 0 : i32
      %eq3A_105 = arith.cmpi eq, %jit3A, %eq3A : i32
      %jit3A_106 = arith.constant 1 : i32
      %select_n3A = arith.select %eq3A_105, %jit3A_106, %jit3A : i32
      %rem3A = arith.remsi %scan3A_104, %select_n3A : i32
      %ne3A = arith.constant 0 : i32
      %ne3A_107 = arith.cmpi ne, %rem3A, %ne3A : i32
      %lt3A_108 = arith.constant 0 : i32
      %lt3A_109 = arith.cmpi slt, %rem3A, %lt3A_108 : i32
      %lt3A_110 = arith.constant 0 : i32
      %lt3A_111 = arith.cmpi slt, %select_n3A, %lt3A_110 : i32
      %ne3A_112 = arith.xori %lt3A_109, %lt3A_111 : i1
      %and3A = arith.andi %ne3A_112, %ne3A_107 : i1
      %add3A_113 = arith.addi %rem3A, %select_n3A : i32
      %select_n3A_114 = arith.select %and3A, %add3A_113, %rem3A : i32
      %mul3A_115 = arith.constant 5 : i32
      %mul3A_116 = arith.muli %select_n3A_114, %mul3A_115 : i32
      %add3A_117 = arith.constant 2 : i32
      %add3A_118 = arith.addi %scan3A_104, %add3A_117 : i32
      %sub3A = arith.constant 1 : i32
      %sub3A_119 = arith.subi %add3A_118, %sub3A : i32
      %lt3A_120 = arith.constant 25 : i32
      %lt3A_121 = arith.cmpi slt, %sub3A_119, %lt3A_120 : i32
      %convert_element_type3A_122 = arith.extui %lt3A_121 : i1 to i32
      %cond3A_123 = arith.constant 0 : i32
      %cond3A_124 = arith.cmpi ne, %convert_element_type3A_122, %cond3A_123 : i32
      scf.if %cond3A_124 {
        %add3A_220 = arith.constant 2 : i32
        %add3A_221 = arith.addi %scan3A_104, %add3A_220 : i32
        %sub3A_222 = arith.constant 1 : i32
        %sub3A_223 = arith.subi %add3A_221, %sub3A_222 : i32
        %add3A_224 = arith.constant 2 : i32
        %add3A_225 = arith.addi %scan3A_104, %add3A_224 : i32
        %sub3A_226 = arith.constant 1 : i32
        %sub3A_227 = arith.subi %add3A_225, %sub3A_226 : i32
        %jit3A_228 = arith.constant 2 : i32
        %eq3A_229 = arith.constant 0 : i32
        %eq3A_230 = arith.cmpi eq, %jit3A_228, %eq3A_229 : i32
        %jit3A_231 = arith.constant 1 : i32
        %select_n3A_232 = arith.select %eq3A_230, %jit3A_231, %jit3A_228 : i32
        %rem3A_233 = arith.remsi %sub3A_227, %select_n3A_232 : i32
        %ne3A_234 = arith.constant 0 : i32
        %ne3A_235 = arith.cmpi ne, %rem3A_233, %ne3A_234 : i32
        %lt3A_236 = arith.constant 0 : i32
        %lt3A_237 = arith.cmpi slt, %rem3A_233, %lt3A_236 : i32
        %lt3A_238 = arith.constant 0 : i32
        %lt3A_239 = arith.cmpi slt, %select_n3A_232, %lt3A_238 : i32
        %ne3A_240 = arith.xori %lt3A_237, %lt3A_239 : i1
        %and3A_241 = arith.andi %ne3A_240, %ne3A_235 : i1
        %add3A_242 = arith.addi %rem3A_233, %select_n3A_232 : i32
        %select_n3A_243 = arith.select %and3A_241, %add3A_242, %rem3A_233 : i32
        %mul3A_244 = arith.constant 5 : i32
        %mul3A_245 = arith.muli %select_n3A_243, %mul3A_244 : i32
        %mul3A_246 = arith.constant 5 : i32
        %mul3A_247 = arith.muli %sub3A_223, %mul3A_246 : i32
        %add3A_248 = arith.constant 0 : i32
        %add3A_249 = arith.addi %mul3A_247, %add3A_248 : i32
        %add3A_250 = arith.constant 0 : i32
        %add3A_251 = arith.addi %mul3A_245, %add3A_250 : i32
        %dma_start3A_252 = arith.constant 0 : i32
        %dma_start3A_253 = arith.constant 0 : i32
        %dma_start3A_254 = tpu.memref_slice %arg9[%add3A_251, %dma_start3A_252, %dma_start3A_253] : memref<10x80x64xf32, #tpu.memory_space<vmem>> -> memref<1x80x64xf32, #tpu.memory_space<vmem>>
        %dma_start3A_255 = tpu.memref_squeeze %dma_start3A_254 : memref<1x80x64xf32, #tpu.memory_space<vmem>> -> memref<80x64xf32, #tpu.memory_space<vmem>>
        %dma_start3A_256 = arith.constant 0 : i32
        %dma_start3A_257 = tpu.memref_slice %arg7[%add3A_249, %dma_start3A_256] : memref<125x80xi32, #tpu.memory_space<vmem>> -> memref<1x80xi32, #tpu.memory_space<vmem>>
        %dma_start3A_258 = tpu.memref_squeeze %dma_start3A_257 : memref<1x80xi32, #tpu.memory_space<vmem>> -> memref<80xi32, #tpu.memory_space<vmem>>
        %dma_start3A_259 = arith.constant 0 : i32
        %dma_start3A_260 = arith.constant 0 : i32
        %dma_start3A_261 = tpu.memref_slice %arg2[%dma_start3A_259, %dma_start3A_260] : memref<10000x64xf32, #tpu.memory_space<hbm>> -> memref<10000x64xf32, #tpu.memory_space<hbm>>
        tpu.enqueue_indirect_dma source(%dma_start3A_261 : memref<10000x64xf32, #tpu.memory_space<hbm>>) target(%dma_start3A_255 : memref<80x64xf32, #tpu.memory_space<vmem>>) offsets(%dma_start3A_258 : memref<80xi32, #tpu.memory_space<vmem>>) semaphore(%arg12 : memref<!tpu.dma_semaphore, #tpu.memory_space<semaphore_mem>>)
        %mul3A_262 = arith.constant 5 : i32
        %mul3A_263 = arith.muli %sub3A_223, %mul3A_262 : i32
        %add3A_264 = arith.constant 1 : i32
        %add3A_265 = arith.addi %mul3A_263, %add3A_264 : i32
        %add3A_266 = arith.constant 1 : i32
        %add3A_267 = arith.addi %mul3A_245, %add3A_266 : i32
        %dma_start3A_268 = arith.constant 0 : i32
        %dma_start3A_269 = arith.constant 0 : i32
        %dma_start3A_270 = tpu.memref_slice %arg9[%add3A_267, %dma_start3A_268, %dma_start3A_269] : memref<10x80x64xf32, #tpu.memory_space<vmem>> -> memref<1x80x64xf32, #tpu.memory_space<vmem>>
        %dma_start3A_271 = tpu.memref_squeeze %dma_start3A_270 : memref<1x80x64xf32, #tpu.memory_space<vmem>> -> memref<80x64xf32, #tpu.memory_space<vmem>>
        %dma_start3A_272 = arith.constant 0 : i32
        %dma_start3A_273 = tpu.memref_slice %arg7[%add3A_265, %dma_start3A_272] : memref<125x80xi32, #tpu.memory_space<vmem>> -> memref<1x80xi32, #tpu.memory_space<vmem>>
        %dma_start3A_274 = tpu.memref_squeeze %dma_start3A_273 : memref<1x80xi32, #tpu.memory_space<vmem>> -> memref<80xi32, #tpu.memory_space<vmem>>
        %dma_start3A_275 = arith.constant 0 : i32
        %dma_start3A_276 = arith.constant 0 : i32
        %dma_start3A_277 = tpu.memref_slice %arg2[%dma_start3A_275, %dma_start3A_276] : memref<10000x64xf32, #tpu.memory_space<hbm>> -> memref<10000x64xf32, #tpu.memory_space<hbm>>
        tpu.enqueue_indirect_dma source(%dma_start3A_277 : memref<10000x64xf32, #tpu.memory_space<hbm>>) target(%dma_start3A_271 : memref<80x64xf32, #tpu.memory_space<vmem>>) offsets(%dma_start3A_274 : memref<80xi32, #tpu.memory_space<vmem>>) semaphore(%arg12 : memref<!tpu.dma_semaphore, #tpu.memory_space<semaphore_mem>>)
        %mul3A_278 = arith.constant 5 : i32
        %mul3A_279 = arith.muli %sub3A_223, %mul3A_278 : i32
        %add3A_280 = arith.constant 2 : i32
        %add3A_281 = arith.addi %mul3A_279, %add3A_280 : i32
        %add3A_282 = arith.constant 2 : i32
        %add3A_283 = arith.addi %mul3A_245, %add3A_282 : i32
        %dma_start3A_284 = arith.constant 0 : i32
        %dma_start3A_285 = arith.constant 0 : i32
        %dma_start3A_286 = tpu.memref_slice %arg9[%add3A_283, %dma_start3A_284, %dma_start3A_285] : memref<10x80x64xf32, #tpu.memory_space<vmem>> -> memref<1x80x64xf32, #tpu.memory_space<vmem>>
        %dma_start3A_287 = tpu.memref_squeeze %dma_start3A_286 : memref<1x80x64xf32, #tpu.memory_space<vmem>> -> memref<80x64xf32, #tpu.memory_space<vmem>>
        %dma_start3A_288 = arith.constant 0 : i32
        %dma_start3A_289 = tpu.memref_slice %arg7[%add3A_281, %dma_start3A_288] : memref<125x80xi32, #tpu.memory_space<vmem>> -> memref<1x80xi32, #tpu.memory_space<vmem>>
        %dma_start3A_290 = tpu.memref_squeeze %dma_start3A_289 : memref<1x80xi32, #tpu.memory_space<vmem>> -> memref<80xi32, #tpu.memory_space<vmem>>
        %dma_start3A_291 = arith.constant 0 : i32
        %dma_start3A_292 = arith.constant 0 : i32
        %dma_start3A_293 = tpu.memref_slice %arg2[%dma_start3A_291, %dma_start3A_292] : memref<10000x64xf32, #tpu.memory_space<hbm>> -> memref<10000x64xf32, #tpu.memory_space<hbm>>
        tpu.enqueue_indirect_dma source(%dma_start3A_293 : memref<10000x64xf32, #tpu.memory_space<hbm>>) target(%dma_start3A_287 : memref<80x64xf32, #tpu.memory_space<vmem>>) offsets(%dma_start3A_290 : memref<80xi32, #tpu.memory_space<vmem>>) semaphore(%arg12 : memref<!tpu.dma_semaphore, #tpu.memory_space<semaphore_mem>>)
        %mul3A_294 = arith.constant 5 : i32
        %mul3A_295 = arith.muli %sub3A_223, %mul3A_294 : i32
        %add3A_296 = arith.constant 3 : i32
        %add3A_297 = arith.addi %mul3A_295, %add3A_296 : i32
        %add3A_298 = arith.constant 3 : i32
        %add3A_299 = arith.addi %mul3A_245, %add3A_298 : i32
        %dma_start3A_300 = arith.constant 0 : i32
        %dma_start3A_301 = arith.constant 0 : i32
        %dma_start3A_302 = tpu.memref_slice %arg9[%add3A_299, %dma_start3A_300, %dma_start3A_301] : memref<10x80x64xf32, #tpu.memory_space<vmem>> -> memref<1x80x64xf32, #tpu.memory_space<vmem>>
        %dma_start3A_303 = tpu.memref_squeeze %dma_start3A_302 : memref<1x80x64xf32, #tpu.memory_space<vmem>> -> memref<80x64xf32, #tpu.memory_space<vmem>>
        %dma_start3A_304 = arith.constant 0 : i32
        %dma_start3A_305 = tpu.memref_slice %arg7[%add3A_297, %dma_start3A_304] : memref<125x80xi32, #tpu.memory_space<vmem>> -> memref<1x80xi32, #tpu.memory_space<vmem>>
        %dma_start3A_306 = tpu.memref_squeeze %dma_start3A_305 : memref<1x80xi32, #tpu.memory_space<vmem>> -> memref<80xi32, #tpu.memory_space<vmem>>
        %dma_start3A_307 = arith.constant 0 : i32
        %dma_start3A_308 = arith.constant 0 : i32
        %dma_start3A_309 = tpu.memref_slice %arg2[%dma_start3A_307, %dma_start3A_308] : memref<10000x64xf32, #tpu.memory_space<hbm>> -> memref<10000x64xf32, #tpu.memory_space<hbm>>
        tpu.enqueue_indirect_dma source(%dma_start3A_309 : memref<10000x64xf32, #tpu.memory_space<hbm>>) target(%dma_start3A_303 : memref<80x64xf32, #tpu.memory_space<vmem>>) offsets(%dma_start3A_306 : memref<80xi32, #tpu.memory_space<vmem>>) semaphore(%arg12 : memref<!tpu.dma_semaphore, #tpu.memory_space<semaphore_mem>>)
        %mul3A_310 = arith.constant 5 : i32
        %mul3A_311 = arith.muli %sub3A_223, %mul3A_310 : i32
        %add3A_312 = arith.constant 4 : i32
        %add3A_313 = arith.addi %mul3A_311, %add3A_312 : i32
        %add3A_314 = arith.constant 4 : i32
        %add3A_315 = arith.addi %mul3A_245, %add3A_314 : i32
        %dma_start3A_316 = arith.constant 0 : i32
        %dma_start3A_317 = arith.constant 0 : i32
        %dma_start3A_318 = tpu.memref_slice %arg9[%add3A_315, %dma_start3A_316, %dma_start3A_317] : memref<10x80x64xf32, #tpu.memory_space<vmem>> -> memref<1x80x64xf32, #tpu.memory_space<vmem>>
        %dma_start3A_319 = tpu.memref_squeeze %dma_start3A_318 : memref<1x80x64xf32, #tpu.memory_space<vmem>> -> memref<80x64xf32, #tpu.memory_space<vmem>>
        %dma_start3A_320 = arith.constant 0 : i32
        %dma_start3A_321 = tpu.memref_slice %arg7[%add3A_313, %dma_start3A_320] : memref<125x80xi32, #tpu.memory_space<vmem>> -> memref<1x80xi32, #tpu.memory_space<vmem>>
        %dma_start3A_322 = tpu.memref_squeeze %dma_start3A_321 : memref<1x80xi32, #tpu.memory_space<vmem>> -> memref<80xi32, #tpu.memory_space<vmem>>
        %dma_start3A_323 = arith.constant 0 : i32
        %dma_start3A_324 = arith.constant 0 : i32
        %dma_start3A_325 = tpu.memref_slice %arg2[%dma_start3A_323, %dma_start3A_324] : memref<10000x64xf32, #tpu.memory_space<hbm>> -> memref<10000x64xf32, #tpu.memory_space<hbm>>
        tpu.enqueue_indirect_dma source(%dma_start3A_325 : memref<10000x64xf32, #tpu.memory_space<hbm>>) target(%dma_start3A_319 : memref<80x64xf32, #tpu.memory_space<vmem>>) offsets(%dma_start3A_322 : memref<80xi32, #tpu.memory_space<vmem>>) semaphore(%arg12 : memref<!tpu.dma_semaphore, #tpu.memory_space<semaphore_mem>>)
      } else {
      }
      %add3A_125 = arith.constant 0 : i32
      %add3A_126 = arith.addi %mul3A_116, %add3A_125 : i32
      %dma_wait3A_127 = arith.constant 0 : i32
      %dma_wait3A_128 = arith.constant 0 : i32
      %dma_wait3A_129 = arith.constant 0 : i32
      %dma_wait3A_130 = tpu.memref_slice %arg9[%add3A_126, %dma_wait3A_128, %dma_wait3A_129] : memref<10x80x64xf32, #tpu.memory_space<vmem>> -> memref<1x80x64xf32, #tpu.memory_space<vmem>>
      %dma_wait3A_131 = tpu.memref_squeeze %dma_wait3A_130 : memref<1x80x64xf32, #tpu.memory_space<vmem>> -> memref<80x64xf32, #tpu.memory_space<vmem>>
      %dma_wait3A_132 = arith.constant 0 : i32
      %dma_wait3A_133 = tpu.memref_slice %arg7[%dma_wait3A_127, %dma_wait3A_132] : memref<125x80xi32, #tpu.memory_space<vmem>> -> memref<1x80xi32, #tpu.memory_space<vmem>>
      %dma_wait3A_134 = tpu.memref_squeeze %dma_wait3A_133 : memref<1x80xi32, #tpu.memory_space<vmem>> -> memref<80xi32, #tpu.memory_space<vmem>>
      %dma_wait3A_135 = arith.constant 0 : i32
      %dma_wait3A_136 = arith.constant 0 : i32
      %dma_wait3A_137 = tpu.memref_slice %arg2[%dma_wait3A_135, %dma_wait3A_136] : memref<10000x64xf32, #tpu.memory_space<hbm>> -> memref<10000x64xf32, #tpu.memory_space<hbm>>
      tpu.wait_indirect_dma semaphore(%arg12 : memref<!tpu.dma_semaphore, #tpu.memory_space<semaphore_mem>>) src(%dma_wait3A_137 : memref<10000x64xf32, #tpu.memory_space<hbm>>) dst(%dma_wait3A_131 : memref<80x64xf32, #tpu.memory_space<vmem>>)
      %add3A_138 = arith.constant 0 : i32
      %add3A_139 = arith.addi %mul3A_116, %add3A_138 : i32
      %mul3A_140 = arith.constant 5 : i32
      %mul3A_141 = arith.muli %scan3A_104, %mul3A_140 : i32
      %add3A_142 = arith.constant 0 : i32
      %add3A_143 = arith.addi %mul3A_141, %add3A_142 : i32
      "tpu.region"() ({
        %run_scoped3A = tpu.sem_alloc : memref<!tpu.dma_semaphore, #tpu.memory_space<semaphore_mem>>
        %dma_start3A_220 = arith.constant 0 : i32
        %dma_start3A_221 = arith.constant 0 : i32
        %dma_start3A_222 = tpu.memref_slice %arg9[%add3A_139, %dma_start3A_220, %dma_start3A_221] : memref<10x80x64xf32, #tpu.memory_space<vmem>> -> memref<1x80x64xf32, #tpu.memory_space<vmem>>
        %dma_start3A_223 = tpu.memref_squeeze %dma_start3A_222 : memref<1x80x64xf32, #tpu.memory_space<vmem>> -> memref<80x64xf32, #tpu.memory_space<vmem>>
        %dma_start3A_224 = arith.constant 0 : i32
        %dma_start3A_225 = tpu.memref_slice %arg8[%add3A_143, %dma_start3A_224] : memref<125x80xi32, #tpu.memory_space<vmem>> -> memref<1x80xi32, #tpu.memory_space<vmem>>
        %dma_start3A_226 = tpu.memref_squeeze %dma_start3A_225 : memref<1x80xi32, #tpu.memory_space<vmem>> -> memref<80xi32, #tpu.memory_space<vmem>>
        %dma_start3A_227 = arith.constant 0 : i32
        %dma_start3A_228 = arith.constant 0 : i32
        %dma_start3A_229 = tpu.memref_slice %arg10[%dma_start3A_227, %dma_start3A_228] : memref<10000x64xf32, #tpu.memory_space<vmem_shared>> -> memref<10000x64xf32, #tpu.memory_space<vmem_shared>>
        tpu.enqueue_indirect_dma source(%dma_start3A_223 : memref<80x64xf32, #tpu.memory_space<vmem>>) target(%dma_start3A_229 : memref<10000x64xf32, #tpu.memory_space<vmem_shared>>) offsets(%dma_start3A_226 : memref<80xi32, #tpu.memory_space<vmem>>) semaphore(%run_scoped3A : memref<!tpu.dma_semaphore, #tpu.memory_space<semaphore_mem>>) {add = true}
        %dma_wait3A_230 = arith.constant 0 : i32
        %dma_wait3A_231 = arith.constant 0 : i32
        %dma_wait3A_232 = tpu.memref_slice %arg9[%add3A_139, %dma_wait3A_230, %dma_wait3A_231] : memref<10x80x64xf32, #tpu.memory_space<vmem>> -> memref<1x80x64xf32, #tpu.memory_space<vmem>>
        %dma_wait3A_233 = tpu.memref_squeeze %dma_wait3A_232 : memref<1x80x64xf32, #tpu.memory_space<vmem>> -> memref<80x64xf32, #tpu.memory_space<vmem>>
        %dma_wait3A_234 = arith.constant 0 : i32
        %dma_wait3A_235 = tpu.memref_slice %arg8[%add3A_143, %dma_wait3A_234] : memref<125x80xi32, #tpu.memory_space<vmem>> -> memref<1x80xi32, #tpu.memory_space<vmem>>
        %dma_wait3A_236 = tpu.memref_squeeze %dma_wait3A_235 : memref<1x80xi32, #tpu.memory_space<vmem>> -> memref<80xi32, #tpu.memory_space<vmem>>
        %dma_wait3A_237 = arith.constant 0 : i32
        %dma_wait3A_238 = arith.constant 0 : i32
        %dma_wait3A_239 = tpu.memref_slice %arg10[%dma_wait3A_237, %dma_wait3A_238] : memref<10000x64xf32, #tpu.memory_space<vmem_shared>> -> memref<10000x64xf32, #tpu.memory_space<vmem_shared>>
        tpu.wait_indirect_dma semaphore(%run_scoped3A : memref<!tpu.dma_semaphore, #tpu.memory_space<semaphore_mem>>) src(%dma_wait3A_233 : memref<80x64xf32, #tpu.memory_space<vmem>>) dst(%dma_wait3A_239 : memref<10000x64xf32, #tpu.memory_space<vmem_shared>>)
        tpu.yield
      }) : () -> ()
      %add3A_144 = arith.constant 1 : i32
      %add3A_145 = arith.addi %mul3A_116, %add3A_144 : i32
      %dma_wait3A_146 = arith.constant 0 : i32
      %dma_wait3A_147 = arith.constant 0 : i32
      %dma_wait3A_148 = arith.constant 0 : i32
      %dma_wait3A_149 = tpu.memref_slice %arg9[%add3A_145, %dma_wait3A_147, %dma_wait3A_148] : memref<10x80x64xf32, #tpu.memory_space<vmem>> -> memref<1x80x64xf32, #tpu.memory_space<vmem>>
      %dma_wait3A_150 = tpu.memref_squeeze %dma_wait3A_149 : memref<1x80x64xf32, #tpu.memory_space<vmem>> -> memref<80x64xf32, #tpu.memory_space<vmem>>
      %dma_wait3A_151 = arith.constant 0 : i32
      %dma_wait3A_152 = tpu.memref_slice %arg7[%dma_wait3A_146, %dma_wait3A_151] : memref<125x80xi32, #tpu.memory_space<vmem>> -> memref<1x80xi32, #tpu.memory_space<vmem>>
      %dma_wait3A_153 = tpu.memref_squeeze %dma_wait3A_152 : memref<1x80xi32, #tpu.memory_space<vmem>> -> memref<80xi32, #tpu.memory_space<vmem>>
      %dma_wait3A_154 = arith.constant 0 : i32
      %dma_wait3A_155 = arith.constant 0 : i32
      %dma_wait3A_156 = tpu.memref_slice %arg2[%dma_wait3A_154, %dma_wait3A_155] : memref<10000x64xf32, #tpu.memory_space<hbm>> -> memref<10000x64xf32, #tpu.memory_space<hbm>>
      tpu.wait_indirect_dma semaphore(%arg12 : memref<!tpu.dma_semaphore, #tpu.memory_space<semaphore_mem>>) src(%dma_wait3A_156 : memref<10000x64xf32, #tpu.memory_space<hbm>>) dst(%dma_wait3A_150 : memref<80x64xf32, #tpu.memory_space<vmem>>)
      %add3A_157 = arith.constant 1 : i32
      %add3A_158 = arith.addi %mul3A_116, %add3A_157 : i32
      %mul3A_159 = arith.constant 5 : i32
      %mul3A_160 = arith.muli %scan3A_104, %mul3A_159 : i32
      %add3A_161 = arith.constant 1 : i32
      %add3A_162 = arith.addi %mul3A_160, %add3A_161 : i32
      "tpu.region"() ({
        %run_scoped3A = tpu.sem_alloc : memref<!tpu.dma_semaphore, #tpu.memory_space<semaphore_mem>>
        %dma_start3A_220 = arith.constant 0 : i32
        %dma_start3A_221 = arith.constant 0 : i32
        %dma_start3A_222 = tpu.memref_slice %arg9[%add3A_158, %dma_start3A_220, %dma_start3A_221] : memref<10x80x64xf32, #tpu.memory_space<vmem>> -> memref<1x80x64xf32, #tpu.memory_space<vmem>>
        %dma_start3A_223 = tpu.memref_squeeze %dma_start3A_222 : memref<1x80x64xf32, #tpu.memory_space<vmem>> -> memref<80x64xf32, #tpu.memory_space<vmem>>
        %dma_start3A_224 = arith.constant 0 : i32
        %dma_start3A_225 = tpu.memref_slice %arg8[%add3A_162, %dma_start3A_224] : memref<125x80xi32, #tpu.memory_space<vmem>> -> memref<1x80xi32, #tpu.memory_space<vmem>>
        %dma_start3A_226 = tpu.memref_squeeze %dma_start3A_225 : memref<1x80xi32, #tpu.memory_space<vmem>> -> memref<80xi32, #tpu.memory_space<vmem>>
        %dma_start3A_227 = arith.constant 0 : i32
        %dma_start3A_228 = arith.constant 0 : i32
        %dma_start3A_229 = tpu.memref_slice %arg10[%dma_start3A_227, %dma_start3A_228] : memref<10000x64xf32, #tpu.memory_space<vmem_shared>> -> memref<10000x64xf32, #tpu.memory_space<vmem_shared>>
        tpu.enqueue_indirect_dma source(%dma_start3A_223 : memref<80x64xf32, #tpu.memory_space<vmem>>) target(%dma_start3A_229 : memref<10000x64xf32, #tpu.memory_space<vmem_shared>>) offsets(%dma_start3A_226 : memref<80xi32, #tpu.memory_space<vmem>>) semaphore(%run_scoped3A : memref<!tpu.dma_semaphore, #tpu.memory_space<semaphore_mem>>) {add = true}
        %dma_wait3A_230 = arith.constant 0 : i32
        %dma_wait3A_231 = arith.constant 0 : i32
        %dma_wait3A_232 = tpu.memref_slice %arg9[%add3A_158, %dma_wait3A_230, %dma_wait3A_231] : memref<10x80x64xf32, #tpu.memory_space<vmem>> -> memref<1x80x64xf32, #tpu.memory_space<vmem>>
        %dma_wait3A_233 = tpu.memref_squeeze %dma_wait3A_232 : memref<1x80x64xf32, #tpu.memory_space<vmem>> -> memref<80x64xf32, #tpu.memory_space<vmem>>
        %dma_wait3A_234 = arith.constant 0 : i32
        %dma_wait3A_235 = tpu.memref_slice %arg8[%add3A_162, %dma_wait3A_234] : memref<125x80xi32, #tpu.memory_space<vmem>> -> memref<1x80xi32, #tpu.memory_space<vmem>>
        %dma_wait3A_236 = tpu.memref_squeeze %dma_wait3A_235 : memref<1x80xi32, #tpu.memory_space<vmem>> -> memref<80xi32, #tpu.memory_space<vmem>>
        %dma_wait3A_237 = arith.constant 0 : i32
        %dma_wait3A_238 = arith.constant 0 : i32
        %dma_wait3A_239 = tpu.memref_slice %arg10[%dma_wait3A_237, %dma_wait3A_238] : memref<10000x64xf32, #tpu.memory_space<vmem_shared>> -> memref<10000x64xf32, #tpu.memory_space<vmem_shared>>
        tpu.wait_indirect_dma semaphore(%run_scoped3A : memref<!tpu.dma_semaphore, #tpu.memory_space<semaphore_mem>>) src(%dma_wait3A_233 : memref<80x64xf32, #tpu.memory_space<vmem>>) dst(%dma_wait3A_239 : memref<10000x64xf32, #tpu.memory_space<vmem_shared>>)
        tpu.yield
      }) : () -> ()
      %add3A_163 = arith.constant 2 : i32
      %add3A_164 = arith.addi %mul3A_116, %add3A_163 : i32
      %dma_wait3A_165 = arith.constant 0 : i32
      %dma_wait3A_166 = arith.constant 0 : i32
      %dma_wait3A_167 = arith.constant 0 : i32
      %dma_wait3A_168 = tpu.memref_slice %arg9[%add3A_164, %dma_wait3A_166, %dma_wait3A_167] : memref<10x80x64xf32, #tpu.memory_space<vmem>> -> memref<1x80x64xf32, #tpu.memory_space<vmem>>
      %dma_wait3A_169 = tpu.memref_squeeze %dma_wait3A_168 : memref<1x80x64xf32, #tpu.memory_space<vmem>> -> memref<80x64xf32, #tpu.memory_space<vmem>>
      %dma_wait3A_170 = arith.constant 0 : i32
      %dma_wait3A_171 = tpu.memref_slice %arg7[%dma_wait3A_165, %dma_wait3A_170] : memref<125x80xi32, #tpu.memory_space<vmem>> -> memref<1x80xi32, #tpu.memory_space<vmem>>
      %dma_wait3A_172 = tpu.memref_squeeze %dma_wait3A_171 : memref<1x80xi32, #tpu.memory_space<vmem>> -> memref<80xi32, #tpu.memory_space<vmem>>
      %dma_wait3A_173 = arith.constant 0 : i32
      %dma_wait3A_174 = arith.constant 0 : i32
      %dma_wait3A_175 = tpu.memref_slice %arg2[%dma_wait3A_173, %dma_wait3A_174] : memref<10000x64xf32, #tpu.memory_space<hbm>> -> memref<10000x64xf32, #tpu.memory_space<hbm>>
      tpu.wait_indirect_dma semaphore(%arg12 : memref<!tpu.dma_semaphore, #tpu.memory_space<semaphore_mem>>) src(%dma_wait3A_175 : memref<10000x64xf32, #tpu.memory_space<hbm>>) dst(%dma_wait3A_169 : memref<80x64xf32, #tpu.memory_space<vmem>>)
      %add3A_176 = arith.constant 2 : i32
      %add3A_177 = arith.addi %mul3A_116, %add3A_176 : i32
      %mul3A_178 = arith.constant 5 : i32
      %mul3A_179 = arith.muli %scan3A_104, %mul3A_178 : i32
      %add3A_180 = arith.constant 2 : i32
      %add3A_181 = arith.addi %mul3A_179, %add3A_180 : i32
      "tpu.region"() ({
        %run_scoped3A = tpu.sem_alloc : memref<!tpu.dma_semaphore, #tpu.memory_space<semaphore_mem>>
        %dma_start3A_220 = arith.constant 0 : i32
        %dma_start3A_221 = arith.constant 0 : i32
        %dma_start3A_222 = tpu.memref_slice %arg9[%add3A_177, %dma_start3A_220, %dma_start3A_221] : memref<10x80x64xf32, #tpu.memory_space<vmem>> -> memref<1x80x64xf32, #tpu.memory_space<vmem>>
        %dma_start3A_223 = tpu.memref_squeeze %dma_start3A_222 : memref<1x80x64xf32, #tpu.memory_space<vmem>> -> memref<80x64xf32, #tpu.memory_space<vmem>>
        %dma_start3A_224 = arith.constant 0 : i32
        %dma_start3A_225 = tpu.memref_slice %arg8[%add3A_181, %dma_start3A_224] : memref<125x80xi32, #tpu.memory_space<vmem>> -> memref<1x80xi32, #tpu.memory_space<vmem>>
        %dma_start3A_226 = tpu.memref_squeeze %dma_start3A_225 : memref<1x80xi32, #tpu.memory_space<vmem>> -> memref<80xi32, #tpu.memory_space<vmem>>
        %dma_start3A_227 = arith.constant 0 : i32
        %dma_start3A_228 = arith.constant 0 : i32
        %dma_start3A_229 = tpu.memref_slice %arg10[%dma_start3A_227, %dma_start3A_228] : memref<10000x64xf32, #tpu.memory_space<vmem_shared>> -> memref<10000x64xf32, #tpu.memory_space<vmem_shared>>
        tpu.enqueue_indirect_dma source(%dma_start3A_223 : memref<80x64xf32, #tpu.memory_space<vmem>>) target(%dma_start3A_229 : memref<10000x64xf32, #tpu.memory_space<vmem_shared>>) offsets(%dma_start3A_226 : memref<80xi32, #tpu.memory_space<vmem>>) semaphore(%run_scoped3A : memref<!tpu.dma_semaphore, #tpu.memory_space<semaphore_mem>>) {add = true}
        %dma_wait3A_230 = arith.constant 0 : i32
        %dma_wait3A_231 = arith.constant 0 : i32
        %dma_wait3A_232 = tpu.memref_slice %arg9[%add3A_177, %dma_wait3A_230, %dma_wait3A_231] : memref<10x80x64xf32, #tpu.memory_space<vmem>> -> memref<1x80x64xf32, #tpu.memory_space<vmem>>
        %dma_wait3A_233 = tpu.memref_squeeze %dma_wait3A_232 : memref<1x80x64xf32, #tpu.memory_space<vmem>> -> memref<80x64xf32, #tpu.memory_space<vmem>>
        %dma_wait3A_234 = arith.constant 0 : i32
        %dma_wait3A_235 = tpu.memref_slice %arg8[%add3A_181, %dma_wait3A_234] : memref<125x80xi32, #tpu.memory_space<vmem>> -> memref<1x80xi32, #tpu.memory_space<vmem>>
        %dma_wait3A_236 = tpu.memref_squeeze %dma_wait3A_235 : memref<1x80xi32, #tpu.memory_space<vmem>> -> memref<80xi32, #tpu.memory_space<vmem>>
        %dma_wait3A_237 = arith.constant 0 : i32
        %dma_wait3A_238 = arith.constant 0 : i32
        %dma_wait3A_239 = tpu.memref_slice %arg10[%dma_wait3A_237, %dma_wait3A_238] : memref<10000x64xf32, #tpu.memory_space<vmem_shared>> -> memref<10000x64xf32, #tpu.memory_space<vmem_shared>>
        tpu.wait_indirect_dma semaphore(%run_scoped3A : memref<!tpu.dma_semaphore, #tpu.memory_space<semaphore_mem>>) src(%dma_wait3A_233 : memref<80x64xf32, #tpu.memory_space<vmem>>) dst(%dma_wait3A_239 : memref<10000x64xf32, #tpu.memory_space<vmem_shared>>)
        tpu.yield
      }) : () -> ()
      %add3A_182 = arith.constant 3 : i32
      %add3A_183 = arith.addi %mul3A_116, %add3A_182 : i32
      %dma_wait3A_184 = arith.constant 0 : i32
      %dma_wait3A_185 = arith.constant 0 : i32
      %dma_wait3A_186 = arith.constant 0 : i32
      %dma_wait3A_187 = tpu.memref_slice %arg9[%add3A_183, %dma_wait3A_185, %dma_wait3A_186] : memref<10x80x64xf32, #tpu.memory_space<vmem>> -> memref<1x80x64xf32, #tpu.memory_space<vmem>>
      %dma_wait3A_188 = tpu.memref_squeeze %dma_wait3A_187 : memref<1x80x64xf32, #tpu.memory_space<vmem>> -> memref<80x64xf32, #tpu.memory_space<vmem>>
      %dma_wait3A_189 = arith.constant 0 : i32
      %dma_wait3A_190 = tpu.memref_slice %arg7[%dma_wait3A_184, %dma_wait3A_189] : memref<125x80xi32, #tpu.memory_space<vmem>> -> memref<1x80xi32, #tpu.memory_space<vmem>>
      %dma_wait3A_191 = tpu.memref_squeeze %dma_wait3A_190 : memref<1x80xi32, #tpu.memory_space<vmem>> -> memref<80xi32, #tpu.memory_space<vmem>>
      %dma_wait3A_192 = arith.constant 0 : i32
      %dma_wait3A_193 = arith.constant 0 : i32
      %dma_wait3A_194 = tpu.memref_slice %arg2[%dma_wait3A_192, %dma_wait3A_193] : memref<10000x64xf32, #tpu.memory_space<hbm>> -> memref<10000x64xf32, #tpu.memory_space<hbm>>
      tpu.wait_indirect_dma semaphore(%arg12 : memref<!tpu.dma_semaphore, #tpu.memory_space<semaphore_mem>>) src(%dma_wait3A_194 : memref<10000x64xf32, #tpu.memory_space<hbm>>) dst(%dma_wait3A_188 : memref<80x64xf32, #tpu.memory_space<vmem>>)
      %add3A_195 = arith.constant 3 : i32
      %add3A_196 = arith.addi %mul3A_116, %add3A_195 : i32
      %mul3A_197 = arith.constant 5 : i32
      %mul3A_198 = arith.muli %scan3A_104, %mul3A_197 : i32
      %add3A_199 = arith.constant 3 : i32
      %add3A_200 = arith.addi %mul3A_198, %add3A_199 : i32
      "tpu.region"() ({
        %run_scoped3A = tpu.sem_alloc : memref<!tpu.dma_semaphore, #tpu.memory_space<semaphore_mem>>
        %dma_start3A_220 = arith.constant 0 : i32
        %dma_start3A_221 = arith.constant 0 : i32
        %dma_start3A_222 = tpu.memref_slice %arg9[%add3A_196, %dma_start3A_220, %dma_start3A_221] : memref<10x80x64xf32, #tpu.memory_space<vmem>> -> memref<1x80x64xf32, #tpu.memory_space<vmem>>
        %dma_start3A_223 = tpu.memref_squeeze %dma_start3A_222 : memref<1x80x64xf32, #tpu.memory_space<vmem>> -> memref<80x64xf32, #tpu.memory_space<vmem>>
        %dma_start3A_224 = arith.constant 0 : i32
        %dma_start3A_225 = tpu.memref_slice %arg8[%add3A_200, %dma_start3A_224] : memref<125x80xi32, #tpu.memory_space<vmem>> -> memref<1x80xi32, #tpu.memory_space<vmem>>
        %dma_start3A_226 = tpu.memref_squeeze %dma_start3A_225 : memref<1x80xi32, #tpu.memory_space<vmem>> -> memref<80xi32, #tpu.memory_space<vmem>>
        %dma_start3A_227 = arith.constant 0 : i32
        %dma_start3A_228 = arith.constant 0 : i32
        %dma_start3A_229 = tpu.memref_slice %arg10[%dma_start3A_227, %dma_start3A_228] : memref<10000x64xf32, #tpu.memory_space<vmem_shared>> -> memref<10000x64xf32, #tpu.memory_space<vmem_shared>>
        tpu.enqueue_indirect_dma source(%dma_start3A_223 : memref<80x64xf32, #tpu.memory_space<vmem>>) target(%dma_start3A_229 : memref<10000x64xf32, #tpu.memory_space<vmem_shared>>) offsets(%dma_start3A_226 : memref<80xi32, #tpu.memory_space<vmem>>) semaphore(%run_scoped3A : memref<!tpu.dma_semaphore, #tpu.memory_space<semaphore_mem>>) {add = true}
        %dma_wait3A_230 = arith.constant 0 : i32
        %dma_wait3A_231 = arith.constant 0 : i32
        %dma_wait3A_232 = tpu.memref_slice %arg9[%add3A_196, %dma_wait3A_230, %dma_wait3A_231] : memref<10x80x64xf32, #tpu.memory_space<vmem>> -> memref<1x80x64xf32, #tpu.memory_space<vmem>>
        %dma_wait3A_233 = tpu.memref_squeeze %dma_wait3A_232 : memref<1x80x64xf32, #tpu.memory_space<vmem>> -> memref<80x64xf32, #tpu.memory_space<vmem>>
        %dma_wait3A_234 = arith.constant 0 : i32
        %dma_wait3A_235 = tpu.memref_slice %arg8[%add3A_200, %dma_wait3A_234] : memref<125x80xi32, #tpu.memory_space<vmem>> -> memref<1x80xi32, #tpu.memory_space<vmem>>
        %dma_wait3A_236 = tpu.memref_squeeze %dma_wait3A_235 : memref<1x80xi32, #tpu.memory_space<vmem>> -> memref<80xi32, #tpu.memory_space<vmem>>
        %dma_wait3A_237 = arith.constant 0 : i32
        %dma_wait3A_238 = arith.constant 0 : i32
        %dma_wait3A_239 = tpu.memref_slice %arg10[%dma_wait3A_237, %dma_wait3A_238] : memref<10000x64xf32, #tpu.memory_space<vmem_shared>> -> memref<10000x64xf32, #tpu.memory_space<vmem_shared>>
        tpu.wait_indirect_dma semaphore(%run_scoped3A : memref<!tpu.dma_semaphore, #tpu.memory_space<semaphore_mem>>) src(%dma_wait3A_233 : memref<80x64xf32, #tpu.memory_space<vmem>>) dst(%dma_wait3A_239 : memref<10000x64xf32, #tpu.memory_space<vmem_shared>>)
        tpu.yield
      }) : () -> ()
      %add3A_201 = arith.constant 4 : i32
      %add3A_202 = arith.addi %mul3A_116, %add3A_201 : i32
      %dma_wait3A_203 = arith.constant 0 : i32
      %dma_wait3A_204 = arith.constant 0 : i32
      %dma_wait3A_205 = arith.constant 0 : i32
      %dma_wait3A_206 = tpu.memref_slice %arg9[%add3A_202, %dma_wait3A_204, %dma_wait3A_205] : memref<10x80x64xf32, #tpu.memory_space<vmem>> -> memref<1x80x64xf32, #tpu.memory_space<vmem>>
      %dma_wait3A_207 = tpu.memref_squeeze %dma_wait3A_206 : memref<1x80x64xf32, #tpu.memory_space<vmem>> -> memref<80x64xf32, #tpu.memory_space<vmem>>
      %dma_wait3A_208 = arith.constant 0 : i32
      %dma_wait3A_209 = tpu.memref_slice %arg7[%dma_wait3A_203, %dma_wait3A_208] : memref<125x80xi32, #tpu.memory_space<vmem>> -> memref<1x80xi32, #tpu.memory_space<vmem>>
      %dma_wait3A_210 = tpu.memref_squeeze %dma_wait3A_209 : memref<1x80xi32, #tpu.memory_space<vmem>> -> memref<80xi32, #tpu.memory_space<vmem>>
      %dma_wait3A_211 = arith.constant 0 : i32
      %dma_wait3A_212 = arith.constant 0 : i32
      %dma_wait3A_213 = tpu.memref_slice %arg2[%dma_wait3A_211, %dma_wait3A_212] : memref<10000x64xf32, #tpu.memory_space<hbm>> -> memref<10000x64xf32, #tpu.memory_space<hbm>>
      tpu.wait_indirect_dma semaphore(%arg12 : memref<!tpu.dma_semaphore, #tpu.memory_space<semaphore_mem>>) src(%dma_wait3A_213 : memref<10000x64xf32, #tpu.memory_space<hbm>>) dst(%dma_wait3A_207 : memref<80x64xf32, #tpu.memory_space<vmem>>)
      %add3A_214 = arith.constant 4 : i32
      %add3A_215 = arith.addi %mul3A_116, %add3A_214 : i32
      %mul3A_216 = arith.constant 5 : i32
      %mul3A_217 = arith.muli %scan3A_104, %mul3A_216 : i32
      %add3A_218 = arith.constant 4 : i32
      %add3A_219 = arith.addi %mul3A_217, %add3A_218 : i32
      "tpu.region"() ({
        %run_scoped3A = tpu.sem_alloc : memref<!tpu.dma_semaphore, #tpu.memory_space<semaphore_mem>>
        %dma_start3A_220 = arith.constant 0 : i32
        %dma_start3A_221 = arith.constant 0 : i32
        %dma_start3A_222 = tpu.memref_slice %arg9[%add3A_215, %dma_start3A_220, %dma_start3A_221] : memref<10x80x64xf32, #tpu.memory_space<vmem>> -> memref<1x80x64xf32, #tpu.memory_space<vmem>>
        %dma_start3A_223 = tpu.memref_squeeze %dma_start3A_222 : memref<1x80x64xf32, #tpu.memory_space<vmem>> -> memref<80x64xf32, #tpu.memory_space<vmem>>
        %dma_start3A_224 = arith.constant 0 : i32
        %dma_start3A_225 = tpu.memref_slice %arg8[%add3A_219, %dma_start3A_224] : memref<125x80xi32, #tpu.memory_space<vmem>> -> memref<1x80xi32, #tpu.memory_space<vmem>>
        %dma_start3A_226 = tpu.memref_squeeze %dma_start3A_225 : memref<1x80xi32, #tpu.memory_space<vmem>> -> memref<80xi32, #tpu.memory_space<vmem>>
        %dma_start3A_227 = arith.constant 0 : i32
        %dma_start3A_228 = arith.constant 0 : i32
        %dma_start3A_229 = tpu.memref_slice %arg10[%dma_start3A_227, %dma_start3A_228] : memref<10000x64xf32, #tpu.memory_space<vmem_shared>> -> memref<10000x64xf32, #tpu.memory_space<vmem_shared>>
        tpu.enqueue_indirect_dma source(%dma_start3A_223 : memref<80x64xf32, #tpu.memory_space<vmem>>) target(%dma_start3A_229 : memref<10000x64xf32, #tpu.memory_space<vmem_shared>>) offsets(%dma_start3A_226 : memref<80xi32, #tpu.memory_space<vmem>>) semaphore(%run_scoped3A : memref<!tpu.dma_semaphore, #tpu.memory_space<semaphore_mem>>) {add = true}
        %dma_wait3A_230 = arith.constant 0 : i32
        %dma_wait3A_231 = arith.constant 0 : i32
        %dma_wait3A_232 = tpu.memref_slice %arg9[%add3A_215, %dma_wait3A_230, %dma_wait3A_231] : memref<10x80x64xf32, #tpu.memory_space<vmem>> -> memref<1x80x64xf32, #tpu.memory_space<vmem>>
        %dma_wait3A_233 = tpu.memref_squeeze %dma_wait3A_232 : memref<1x80x64xf32, #tpu.memory_space<vmem>> -> memref<80x64xf32, #tpu.memory_space<vmem>>
        %dma_wait3A_234 = arith.constant 0 : i32
        %dma_wait3A_235 = tpu.memref_slice %arg8[%add3A_219, %dma_wait3A_234] : memref<125x80xi32, #tpu.memory_space<vmem>> -> memref<1x80xi32, #tpu.memory_space<vmem>>
        %dma_wait3A_236 = tpu.memref_squeeze %dma_wait3A_235 : memref<1x80xi32, #tpu.memory_space<vmem>> -> memref<80xi32, #tpu.memory_space<vmem>>
        %dma_wait3A_237 = arith.constant 0 : i32
        %dma_wait3A_238 = arith.constant 0 : i32
        %dma_wait3A_239 = tpu.memref_slice %arg10[%dma_wait3A_237, %dma_wait3A_238] : memref<10000x64xf32, #tpu.memory_space<vmem_shared>> -> memref<10000x64xf32, #tpu.memory_space<vmem_shared>>
        tpu.wait_indirect_dma semaphore(%run_scoped3A : memref<!tpu.dma_semaphore, #tpu.memory_space<semaphore_mem>>) src(%dma_wait3A_233 : memref<80x64xf32, #tpu.memory_space<vmem>>) dst(%dma_wait3A_239 : memref<10000x64xf32, #tpu.memory_space<vmem_shared>>)
        tpu.yield
      }) : () -> ()
    }
    %scan3A_97 = arith.constant 25 : i32
    %barrier3A_98 = arith.constant 0 : index
    tpu.barrier barrier_id(%barrier3A_98)
    %lt3A_99 = arith.constant 10 : i32
    %lt3A_100 = arith.cmpi slt, %arg1, %lt3A_99 : i32
    %convert_element_type3A_101 = arith.extui %lt3A_100 : i1 to i32
    %cond3A_102 = arith.constant 0 : i32
    %cond3A_103 = arith.cmpi ne, %convert_element_type3A_101, %cond3A_102 : i32
    scf.if %cond3A_103 {
      %mul3A_104 = arith.constant 1000 : i32
      %mul3A_105 = arith.muli %arg1, %mul3A_104 : i32
      %mul3A_106 = arith.constant 1000 : i32
      %mul3A_107 = arith.muli %arg1, %mul3A_106 : i32
      "tpu.region"() ({
        %run_scoped3A = tpu.sem_alloc : memref<!tpu.dma_semaphore, #tpu.memory_space<semaphore_mem>>
        %dma_start3A_108 = arith.constant 0 : i32
        %dma_start3A_109 = tpu.memref_slice %arg6[%arg0, %mul3A_107, %dma_start3A_108] : memref<2x10000x64xf32, #tpu.memory_space<hbm>> -> memref<1x1000x64xf32, #tpu.memory_space<hbm>>
        %dma_start3A_110 = tpu.memref_squeeze %dma_start3A_109 : memref<1x1000x64xf32, #tpu.memory_space<hbm>> -> memref<1000x64xf32, #tpu.memory_space<hbm>>
        %dma_start3A_111 = arith.constant 0 : i32
        %dma_start3A_112 = tpu.memref_slice %arg10[%mul3A_105, %dma_start3A_111] : memref<10000x64xf32, #tpu.memory_space<vmem_shared>> -> memref<1000x64xf32, #tpu.memory_space<vmem_shared>>
        tpu.enqueue_dma source(%dma_start3A_112 : memref<1000x64xf32, #tpu.memory_space<vmem_shared>>) target(%dma_start3A_110 : memref<1000x64xf32, #tpu.memory_space<hbm>>) target_semaphore(%run_scoped3A : memref<!tpu.dma_semaphore, #tpu.memory_space<semaphore_mem>>)
        %dma_wait3A_113 = arith.constant 0 : i32
        %dma_wait3A_114 = tpu.memref_slice %arg6[%arg0, %mul3A_107, %dma_wait3A_113] : memref<2x10000x64xf32, #tpu.memory_space<hbm>> -> memref<1x1000x64xf32, #tpu.memory_space<hbm>>
        %dma_wait3A_115 = tpu.memref_squeeze %dma_wait3A_114 : memref<1x1000x64xf32, #tpu.memory_space<hbm>> -> memref<1000x64xf32, #tpu.memory_space<hbm>>
        %dma_wait3A_116 = arith.constant 0 : i32
        %dma_wait3A_117 = tpu.memref_slice %arg10[%mul3A_105, %dma_wait3A_116] : memref<10000x64xf32, #tpu.memory_space<vmem_shared>> -> memref<1000x64xf32, #tpu.memory_space<vmem_shared>>
        tpu.wait_dma2 semaphore(%run_scoped3A : memref<!tpu.dma_semaphore, #tpu.memory_space<semaphore_mem>>) src(%dma_wait3A_117 : memref<1000x64xf32, #tpu.memory_space<vmem_shared>>) dst(%dma_wait3A_115 : memref<1000x64xf32, #tpu.memory_space<hbm>>)
        tpu.yield
      }) : () -> ()
    } else {
    }
    return
  }
}

#map = affine_map<(d0, d1) -> (0, 0, 0)>
#map1 = affine_map<(d0, d1) -> (0)>
#map2 = affine_map<(d0, d1) -> (0, 0)>
module attributes {stable_mosaic.version = 14 : i64} {
  func.func @_sc_deg_body(%arg0: i32, %arg1: i32, %arg2: memref<32x125x80xi32, #tpu.memory_space<hbm>>, %arg3: memref<10000xf32, #tpu.memory_space<hbm>>, %arg4: memref<2x10000xf32, #tpu.memory_space<hbm>>, %arg5: memref<125x80xi32, #tpu.memory_space<vmem>>, %arg6: memref<80xf32, #tpu.memory_space<vmem>>, %arg7: memref<10000xf32, #tpu.memory_space<vmem_shared>>, %arg8: memref<!tpu.dma_semaphore, #tpu.memory_space<semaphore_mem>>) attributes {dimension_semantics = [#tpu.dimension_semantics<core_parallel>, #tpu.dimension_semantics<subcore_parallel>], iteration_bounds = array<i64: 2, 16>, scalar_prefetch = 0 : i64, scratch_operands = 4 : i64, tpu.core_type = #tpu.core_type<sc_vector_subcore>, window_params = [{transform_indices = #map}, {transform_indices = #map1}, {transform_indices = #map2}]} {
    %mul3A = arith.constant 16 : i32
    %mul3A_0 = arith.muli %arg0, %mul3A : i32
    %add3A = arith.addi %mul3A_0, %arg1 : i32
    %dma_start3A = arith.constant 0 : i32
    %dma_start3A_1 = arith.constant 0 : i32
    %dma_start3A_2 = tpu.memref_slice %arg2[%add3A, %dma_start3A, %dma_start3A_1] : memref<32x125x80xi32, #tpu.memory_space<hbm>> -> memref<1x125x80xi32, #tpu.memory_space<hbm>>
    %dma_start3A_3 = tpu.memref_squeeze %dma_start3A_2 : memref<1x125x80xi32, #tpu.memory_space<hbm>> -> memref<125x80xi32, #tpu.memory_space<hbm>>
    %dma_start3A_4 = arith.constant 0 : i32
    %dma_start3A_5 = arith.constant 0 : i32
    %dma_start3A_6 = tpu.memref_slice %arg2[%add3A, %dma_start3A_4, %dma_start3A_5] : memref<32x125x80xi32, #tpu.memory_space<hbm>> -> memref<1x125x80xi32, #tpu.memory_space<hbm>>
    %dma_start3A_7 = tpu.memref_squeeze %dma_start3A_6 : memref<1x125x80xi32, #tpu.memory_space<hbm>> -> memref<125x80xi32, #tpu.memory_space<hbm>>
    tpu.enqueue_dma source(%dma_start3A_7 : memref<125x80xi32, #tpu.memory_space<hbm>>) target(%arg5 : memref<125x80xi32, #tpu.memory_space<vmem>>) target_semaphore(%arg8 : memref<!tpu.dma_semaphore, #tpu.memory_space<semaphore_mem>>)
    %broadcast_in_dim3A = arith.constant 1.000000e+00 : f32
    %broadcast_in_dim3A_8 = vector.broadcast %broadcast_in_dim3A : f32 to vector<16xf32>
    %swap3A = arith.constant 0 : index
    %swap3A_9 = tpu.vector_load %arg6[%swap3A] {strides = array<i32>} : memref<80xf32, #tpu.memory_space<vmem>>, vector<16xf32>,
    %swap3A_10 = vector.shape_cast %swap3A_9 : vector<16xf32> to vector<16xf32>
    %swap3A_11 = vector.shape_cast %broadcast_in_dim3A_8 : vector<16xf32> to vector<16xf32>
    tpu.vector_store %arg6[%swap3A], %swap3A_11 {strides = array<i32>} : memref<80xf32, #tpu.memory_space<vmem>>, vector<16xf32>,
    %swap3A_12 = arith.constant 16 : index
    %swap3A_13 = tpu.vector_load %arg6[%swap3A_12] {strides = array<i32>} : memref<80xf32, #tpu.memory_space<vmem>>, vector<16xf32>,
    %swap3A_14 = vector.shape_cast %swap3A_13 : vector<16xf32> to vector<16xf32>
    %swap3A_15 = vector.shape_cast %broadcast_in_dim3A_8 : vector<16xf32> to vector<16xf32>
    tpu.vector_store %arg6[%swap3A_12], %swap3A_15 {strides = array<i32>} : memref<80xf32, #tpu.memory_space<vmem>>, vector<16xf32>,
    %swap3A_16 = arith.constant 32 : index
    %swap3A_17 = tpu.vector_load %arg6[%swap3A_16] {strides = array<i32>} : memref<80xf32, #tpu.memory_space<vmem>>, vector<16xf32>,
    %swap3A_18 = vector.shape_cast %swap3A_17 : vector<16xf32> to vector<16xf32>
    %swap3A_19 = vector.shape_cast %broadcast_in_dim3A_8 : vector<16xf32> to vector<16xf32>
    tpu.vector_store %arg6[%swap3A_16], %swap3A_19 {strides = array<i32>} : memref<80xf32, #tpu.memory_space<vmem>>, vector<16xf32>,
    %swap3A_20 = arith.constant 48 : index
    %swap3A_21 = tpu.vector_load %arg6[%swap3A_20] {strides = array<i32>} : memref<80xf32, #tpu.memory_space<vmem>>, vector<16xf32>,
    %swap3A_22 = vector.shape_cast %swap3A_21 : vector<16xf32> to vector<16xf32>
    %swap3A_23 = vector.shape_cast %broadcast_in_dim3A_8 : vector<16xf32> to vector<16xf32>
    tpu.vector_store %arg6[%swap3A_20], %swap3A_23 {strides = array<i32>} : memref<80xf32, #tpu.memory_space<vmem>>, vector<16xf32>,
    %swap3A_24 = arith.constant 64 : index
    %swap3A_25 = tpu.vector_load %arg6[%swap3A_24] {strides = array<i32>} : memref<80xf32, #tpu.memory_space<vmem>>, vector<16xf32>,
    %swap3A_26 = vector.shape_cast %swap3A_25 : vector<16xf32> to vector<16xf32>
    %swap3A_27 = vector.shape_cast %broadcast_in_dim3A_8 : vector<16xf32> to vector<16xf32>
    tpu.vector_store %arg6[%swap3A_24], %swap3A_27 {strides = array<i32>} : memref<80xf32, #tpu.memory_space<vmem>>, vector<16xf32>,
    %eq3A = arith.constant 0 : i32
    %eq3A_28 = arith.cmpi eq, %arg1, %eq3A : i32
    %convert_element_type3A = arith.extui %eq3A_28 : i1 to i32
    %cond3A = arith.constant 0 : i32
    %cond3A_29 = arith.cmpi ne, %convert_element_type3A, %cond3A : i32
    scf.if %cond3A_29 {
      "tpu.region"() ({
        %run_scoped3A = tpu.sem_alloc : memref<!tpu.dma_semaphore, #tpu.memory_space<semaphore_mem>>
        tpu.enqueue_dma source(%arg3 : memref<10000xf32, #tpu.memory_space<hbm>>) target(%arg7 : memref<10000xf32, #tpu.memory_space<vmem_shared>>) target_semaphore(%run_scoped3A : memref<!tpu.dma_semaphore, #tpu.memory_space<semaphore_mem>>)
        tpu.wait_dma2 semaphore(%run_scoped3A : memref<!tpu.dma_semaphore, #tpu.memory_space<semaphore_mem>>) src(%arg3 : memref<10000xf32, #tpu.memory_space<hbm>>) dst(%arg7 : memref<10000xf32, #tpu.memory_space<vmem_shared>>)
        tpu.yield
      }) : () -> ()
    } else {
    }
    %dma_wait3A = arith.constant 0 : i32
    %dma_wait3A_30 = arith.constant 0 : i32
    %dma_wait3A_31 = tpu.memref_slice %arg2[%add3A, %dma_wait3A, %dma_wait3A_30] : memref<32x125x80xi32, #tpu.memory_space<hbm>> -> memref<1x125x80xi32, #tpu.memory_space<hbm>>
    %dma_wait3A_32 = tpu.memref_squeeze %dma_wait3A_31 : memref<1x125x80xi32, #tpu.memory_space<hbm>> -> memref<125x80xi32, #tpu.memory_space<hbm>>
    %dma_wait3A_33 = arith.constant 0 : i32
    %dma_wait3A_34 = arith.constant 0 : i32
    %dma_wait3A_35 = tpu.memref_slice %arg2[%add3A, %dma_wait3A_33, %dma_wait3A_34] : memref<32x125x80xi32, #tpu.memory_space<hbm>> -> memref<1x125x80xi32, #tpu.memory_space<hbm>>
    %dma_wait3A_36 = tpu.memref_squeeze %dma_wait3A_35 : memref<1x125x80xi32, #tpu.memory_space<hbm>> -> memref<125x80xi32, #tpu.memory_space<hbm>>
    tpu.wait_dma2 semaphore(%arg8 : memref<!tpu.dma_semaphore, #tpu.memory_space<semaphore_mem>>) src(%dma_wait3A_36 : memref<125x80xi32, #tpu.memory_space<hbm>>) dst(%arg5 : memref<125x80xi32, #tpu.memory_space<vmem>>)
    %barrier3A = arith.constant 0 : index
    tpu.barrier barrier_id(%barrier3A)
    %scan3A = arith.constant 0 : i32
    %scan3A_37 = arith.constant 0 : i32
    %scan3A_38 = arith.constant 125 : i32
    %scan3A_39 = arith.addi %scan3A_37, %scan3A_38 : i32
    %scan3A_40 = arith.constant 1 : i32
    scf.for %scan3A_54 = %scan3A_37 to %scan3A_39 step %scan3A_40  : i32 {
      %dma_start3A_55 = arith.constant 0 : i32
      %dma_start3A_56 = tpu.memref_slice %arg5[%scan3A_54, %dma_start3A_55] : memref<125x80xi32, #tpu.memory_space<vmem>> -> memref<1x80xi32, #tpu.memory_space<vmem>>
      %dma_start3A_57 = tpu.memref_squeeze %dma_start3A_56 : memref<1x80xi32, #tpu.memory_space<vmem>> -> memref<80xi32, #tpu.memory_space<vmem>>
      %dma_start3A_58 = arith.constant 0 : i32
      %dma_start3A_59 = tpu.memref_slice %arg7[%dma_start3A_58] : memref<10000xf32, #tpu.memory_space<vmem_shared>> -> memref<10000xf32, #tpu.memory_space<vmem_shared>>
      tpu.enqueue_indirect_dma source(%arg6 : memref<80xf32, #tpu.memory_space<vmem>>) target(%dma_start3A_59 : memref<10000xf32, #tpu.memory_space<vmem_shared>>) offsets(%dma_start3A_57 : memref<80xi32, #tpu.memory_space<vmem>>) semaphore(%arg8 : memref<!tpu.dma_semaphore, #tpu.memory_space<semaphore_mem>>) {add = true}
    }
    %scan3A_41 = arith.constant 125 : i32
    %scan3A_42 = arith.constant 0 : i32
    %scan3A_43 = arith.constant 0 : i32
    %scan3A_44 = arith.constant 125 : i32
    %scan3A_45 = arith.addi %scan3A_43, %scan3A_44 : i32
    %scan3A_46 = arith.constant 1 : i32
    scf.for %scan3A_54 = %scan3A_43 to %scan3A_45 step %scan3A_46  : i32 {
      %dma_wait3A_55 = arith.constant 0 : i32
      %dma_wait3A_56 = tpu.memref_slice %arg7[%dma_wait3A_55] : memref<10000xf32, #tpu.memory_space<vmem_shared>> -> memref<80xf32, #tpu.memory_space<vmem_shared>>
      %dma_wait3A_57 = arith.constant 0 : i32
      %dma_wait3A_58 = tpu.memref_slice %arg7[%dma_wait3A_57] : memref<10000xf32, #tpu.memory_space<vmem_shared>> -> memref<80xf32, #tpu.memory_space<vmem_shared>>
      tpu.wait_dma2 semaphore(%arg8 : memref<!tpu.dma_semaphore, #tpu.memory_space<semaphore_mem>>) src(%arg6 : memref<80xf32, #tpu.memory_space<vmem>>) dst(%dma_wait3A_58 : memref<80xf32, #tpu.memory_space<vmem_shared>>)
    }
    %scan3A_47 = arith.constant 125 : i32
    %barrier3A_48 = arith.constant 0 : index
    tpu.barrier barrier_id(%barrier3A_48)
    %eq3A_49 = arith.constant 0 : i32
    %eq3A_50 = arith.cmpi eq, %arg1, %eq3A_49 : i32
    %convert_element_type3A_51 = arith.extui %eq3A_50 : i1 to i32
    %cond3A_52 = arith.constant 0 : i32
    %cond3A_53 = arith.cmpi ne, %convert_element_type3A_51, %cond3A_52 : i32
    scf.if %cond3A_53 {
      "tpu.region"() ({
        %run_scoped3A = tpu.sem_alloc : memref<!tpu.dma_semaphore, #tpu.memory_space<semaphore_mem>>
        %dma_start3A_54 = arith.constant 0 : i32
        %dma_start3A_55 = tpu.memref_slice %arg4[%arg0, %dma_start3A_54] : memref<2x10000xf32, #tpu.memory_space<hbm>> -> memref<1x10000xf32, #tpu.memory_space<hbm>>
        %dma_start3A_56 = tpu.memref_squeeze %dma_start3A_55 : memref<1x10000xf32, #tpu.memory_space<hbm>> -> memref<10000xf32, #tpu.memory_space<hbm>>
        tpu.enqueue_dma source(%arg7 : memref<10000xf32, #tpu.memory_space<vmem_shared>>) target(%dma_start3A_56 : memref<10000xf32, #tpu.memory_space<hbm>>) target_semaphore(%run_scoped3A : memref<!tpu.dma_semaphore, #tpu.memory_space<semaphore_mem>>)
        %dma_wait3A_57 = arith.constant 0 : i32
        %dma_wait3A_58 = tpu.memref_slice %arg4[%arg0, %dma_wait3A_57] : memref<2x10000xf32, #tpu.memory_space<hbm>> -> memref<1x10000xf32, #tpu.memory_space<hbm>>
        %dma_wait3A_59 = tpu.memref_squeeze %dma_wait3A_58 : memref<1x10000xf32, #tpu.memory_space<hbm>> -> memref<10000xf32, #tpu.memory_space<hbm>>
        tpu.wait_dma2 semaphore(%run_scoped3A : memref<!tpu.dma_semaphore, #tpu.memory_space<semaphore_mem>>) src(%arg7 : memref<10000xf32, #tpu.memory_space<vmem_shared>>) dst(%dma_wait3A_59 : memref<10000xf32, #tpu.memory_space<hbm>>)
        tpu.yield
      }) : () -> ()
    } else {
    }
    return
  }
}

module attributes {stable_mosaic.version = 14 : i64} {
  func.func @_tc1_body(%arg0: memref<10000x128xf32, #tpu.memory_space<vmem>>, %arg1: memref<128x64xf32, #tpu.memory_space<vmem>>, %arg2: memref<2x10000x1xf32, #tpu.memory_space<vmem>>, %arg3: memref<10000x1xf32, #tpu.memory_space<vmem>>, %arg4: memref<10000x64xf32, #tpu.memory_space<vmem>>) attributes {dimension_semantics = [], scalar_prefetch = 0 : i64, scratch_operands = 0 : i64, tpu.core_type = #tpu.core_type<tc>} {
    %get3A = arith.constant 0 : index
    %get3A_0 = arith.constant 0 : index
    %get3A_1 = arith.constant 0 : index
    %get3A_2 = vector.load %arg2[%get3A, %get3A_0, %get3A_1] : memref<2x10000x1xf32, #tpu.memory_space<vmem>>, vector<1x10000x1xf32>
    %get3A_3 = vector.shape_cast %get3A_2 : vector<1x10000x1xf32> to vector<10000x1xf32>
    %get3A_4 = arith.constant 1 : index
    %get3A_5 = arith.constant 0 : index
    %get3A_6 = arith.constant 0 : index
    %get3A_7 = vector.load %arg2[%get3A_4, %get3A_5, %get3A_6] : memref<2x10000x1xf32, #tpu.memory_space<vmem>>, vector<1x10000x1xf32>
    %get3A_8 = vector.shape_cast %get3A_7 : vector<1x10000x1xf32> to vector<10000x1xf32>
    %add3A = arith.addf %get3A_3, %get3A_8 : vector<10000x1xf32>
    %add3A_9 = arith.constant 1.000000e+00 : f32
    %add3A_10 = vector.broadcast %add3A_9 : f32 to vector<10000x1xf32>
    %add3A_11 = arith.addf %add3A, %add3A_10 : vector<10000x1xf32>
    %rsqrt3A = math.rsqrt %add3A_11 : vector<10000x1xf32>
    %get3A_12 = arith.constant 0 : index
    %get3A_13 = arith.constant 0 : index
    %get3A_14 = vector.load %arg0[%get3A_12, %get3A_13] : memref<10000x128xf32, #tpu.memory_space<vmem>>, vector<10000x128xf32>
    %get3A_15 = arith.constant 0 : index
    %get3A_16 = arith.constant 0 : index
    %get3A_17 = vector.load %arg1[%get3A_15, %get3A_16] : memref<128x64xf32, #tpu.memory_space<vmem>>, vector<128x64xf32>
    %dot_general3A = arith.constant dense<0.000000e+00> : vector<10000x64xf32>
    %dot_general3A_18 = tpu.matmul %get3A_14, %get3A_17, %dot_general3A {dimension_numbers = #tpu.dot_dimension_numbers<[1], [0], [0], [1], [0, 0, 1, 1], [], []>, transpose_lhs_hint = false} : vector<10000x128xf32>, vector<128x64xf32>, vector<10000x64xf32> -> vector<10000x64xf32>
    %swap3A = arith.constant 0 : index
    %swap3A_19 = arith.constant 0 : index
    %swap3A_20 = vector.load %arg3[%swap3A, %swap3A_19] : memref<10000x1xf32, #tpu.memory_space<vmem>>, vector<10000x1xf32>
    tpu.vector_store %arg3[%swap3A, %swap3A_19], %rsqrt3A {strides = array<i32>} : memref<10000x1xf32, #tpu.memory_space<vmem>>, vector<10000x1xf32>,
    %mul3A = vector.broadcast %rsqrt3A : vector<10000x1xf32> to vector<10000x64xf32>
    %mul3A_21 = arith.mulf %dot_general3A_18, %mul3A : vector<10000x64xf32>
    %swap3A_22 = arith.constant 0 : index
    %swap3A_23 = arith.constant 0 : index
    %swap3A_24 = vector.load %arg4[%swap3A_22, %swap3A_23] : memref<10000x64xf32, #tpu.memory_space<vmem>>, vector<10000x64xf32>
    tpu.vector_store %arg4[%swap3A_22, %swap3A_23], %mul3A_21 {strides = array<i32>} : memref<10000x64xf32, #tpu.memory_space<vmem>>, vector<10000x64xf32>,
    return
  }
}

module attributes {stable_mosaic.version = 14 : i64} {
  func.func @_tc2_body(%arg0: memref<2x10000x64xf32, #tpu.memory_space<vmem>>, %arg1: memref<10000x64xf32, #tpu.memory_space<vmem>>, %arg2: memref<10000x1xf32, #tpu.memory_space<vmem>>, %arg3: memref<1x64xf32, #tpu.memory_space<vmem>>, %arg4: memref<64x64xf32, #tpu.memory_space<vmem>>, %arg5: memref<10000x64xf32, #tpu.memory_space<vmem>>) attributes {dimension_semantics = [], scalar_prefetch = 0 : i64, scratch_operands = 0 : i64, tpu.core_type = #tpu.core_type<tc>} {
    %get3A = arith.constant 0 : index
    %get3A_0 = arith.constant 0 : index
    %get3A_1 = arith.constant 0 : index
    %get3A_2 = vector.load %arg0[%get3A, %get3A_0, %get3A_1] : memref<2x10000x64xf32, #tpu.memory_space<vmem>>, vector<1x10000x64xf32>
    %get3A_3 = vector.shape_cast %get3A_2 : vector<1x10000x64xf32> to vector<10000x64xf32>
    %get3A_4 = arith.constant 1 : index
    %get3A_5 = arith.constant 0 : index
    %get3A_6 = arith.constant 0 : index
    %get3A_7 = vector.load %arg0[%get3A_4, %get3A_5, %get3A_6] : memref<2x10000x64xf32, #tpu.memory_space<vmem>>, vector<1x10000x64xf32>
    %get3A_8 = vector.shape_cast %get3A_7 : vector<1x10000x64xf32> to vector<10000x64xf32>
    %add3A = arith.addf %get3A_3, %get3A_8 : vector<10000x64xf32>
    %get3A_9 = arith.constant 0 : index
    %get3A_10 = arith.constant 0 : index
    %get3A_11 = vector.load %arg1[%get3A_9, %get3A_10] : memref<10000x64xf32, #tpu.memory_space<vmem>>, vector<10000x64xf32>
    %add3A_12 = arith.addf %add3A, %get3A_11 : vector<10000x64xf32>
    %get3A_13 = arith.constant 0 : index
    %get3A_14 = arith.constant 0 : index
    %get3A_15 = vector.load %arg2[%get3A_13, %get3A_14] : memref<10000x1xf32, #tpu.memory_space<vmem>>, vector<10000x1xf32>
    %mul3A = vector.broadcast %get3A_15 : vector<10000x1xf32> to vector<10000x64xf32>
    %mul3A_16 = arith.mulf %add3A_12, %mul3A : vector<10000x64xf32>
    %get3A_17 = arith.constant 0 : index
    %get3A_18 = arith.constant 0 : index
    %get3A_19 = vector.load %arg3[%get3A_17, %get3A_18] : memref<1x64xf32, #tpu.memory_space<vmem>>, vector<1x64xf32>
    %add3A_20 = vector.broadcast %get3A_19 : vector<1x64xf32> to vector<10000x64xf32>
    %add3A_21 = arith.addf %mul3A_16, %add3A_20 : vector<10000x64xf32>
    %max3A = arith.constant 0.000000e+00 : f32
    %max3A_22 = vector.broadcast %max3A : f32 to vector<10000x64xf32>
    %max3A_23 = arith.maximumf %add3A_21, %max3A_22 : vector<10000x64xf32>
    %get3A_24 = arith.constant 0 : index
    %get3A_25 = arith.constant 0 : index
    %get3A_26 = vector.load %arg4[%get3A_24, %get3A_25] : memref<64x64xf32, #tpu.memory_space<vmem>>, vector<64x64xf32>
    %dot_general3A = arith.constant dense<0.000000e+00> : vector<10000x64xf32>
    %dot_general3A_27 = tpu.matmul %max3A_23, %get3A_26, %dot_general3A {dimension_numbers = #tpu.dot_dimension_numbers<[1], [0], [0], [1], [0, 0, 1, 1], [], []>, transpose_lhs_hint = false} : vector<10000x64xf32>, vector<64x64xf32>, vector<10000x64xf32> -> vector<10000x64xf32>
    %get3A_28 = arith.constant 0 : index
    %get3A_29 = arith.constant 0 : index
    %get3A_30 = vector.load %arg2[%get3A_28, %get3A_29] : memref<10000x1xf32, #tpu.memory_space<vmem>>, vector<10000x1xf32>
    %mul3A_31 = vector.broadcast %get3A_30 : vector<10000x1xf32> to vector<10000x64xf32>
    %mul3A_32 = arith.mulf %dot_general3A_27, %mul3A_31 : vector<10000x64xf32>
    %swap3A = arith.constant 0 : index
    %swap3A_33 = arith.constant 0 : index
    %swap3A_34 = vector.load %arg5[%swap3A, %swap3A_33] : memref<10000x64xf32, #tpu.memory_space<vmem>>, vector<10000x64xf32>
    tpu.vector_store %arg5[%swap3A, %swap3A_33], %mul3A_32 {strides = array<i32>} : memref<10000x64xf32, #tpu.memory_space<vmem>>, vector<10000x64xf32>,
    return
  }
}

module attributes {stable_mosaic.version = 14 : i64} {
  func.func @_tc3_body(%arg0: memref<2x10000x64xf32, #tpu.memory_space<vmem>>, %arg1: memref<10000x64xf32, #tpu.memory_space<vmem>>, %arg2: memref<10000x1xf32, #tpu.memory_space<vmem>>, %arg3: memref<1x64xf32, #tpu.memory_space<vmem>>, %arg4: memref<10000x1xi32, #tpu.memory_space<vmem>>, %arg5: memref<64x2xf32, #tpu.memory_space<vmem>>, %arg6: memref<1x2xf32, #tpu.memory_space<vmem>>, %arg7: memref<64x2xf32, #tpu.memory_space<vmem>>) attributes {dimension_semantics = [], scalar_prefetch = 0 : i64, scratch_operands = 0 : i64, tpu.core_type = #tpu.core_type<tc>} {
    %get3A = arith.constant 0 : index
    %get3A_0 = arith.constant 0 : index
    %get3A_1 = arith.constant 0 : index
    %get3A_2 = vector.load %arg0[%get3A, %get3A_0, %get3A_1] : memref<2x10000x64xf32, #tpu.memory_space<vmem>>, vector<1x10000x64xf32>
    %get3A_3 = vector.shape_cast %get3A_2 : vector<1x10000x64xf32> to vector<10000x64xf32>
    %get3A_4 = arith.constant 1 : index
    %get3A_5 = arith.constant 0 : index
    %get3A_6 = arith.constant 0 : index
    %get3A_7 = vector.load %arg0[%get3A_4, %get3A_5, %get3A_6] : memref<2x10000x64xf32, #tpu.memory_space<vmem>>, vector<1x10000x64xf32>
    %get3A_8 = vector.shape_cast %get3A_7 : vector<1x10000x64xf32> to vector<10000x64xf32>
    %add3A = arith.addf %get3A_3, %get3A_8 : vector<10000x64xf32>
    %get3A_9 = arith.constant 0 : index
    %get3A_10 = arith.constant 0 : index
    %get3A_11 = vector.load %arg1[%get3A_9, %get3A_10] : memref<10000x64xf32, #tpu.memory_space<vmem>>, vector<10000x64xf32>
    %add3A_12 = arith.addf %add3A, %get3A_11 : vector<10000x64xf32>
    %get3A_13 = arith.constant 0 : index
    %get3A_14 = arith.constant 0 : index
    %get3A_15 = vector.load %arg2[%get3A_13, %get3A_14] : memref<10000x1xf32, #tpu.memory_space<vmem>>, vector<10000x1xf32>
    %mul3A = vector.broadcast %get3A_15 : vector<10000x1xf32> to vector<10000x64xf32>
    %mul3A_16 = arith.mulf %add3A_12, %mul3A : vector<10000x64xf32>
    %get3A_17 = arith.constant 0 : index
    %get3A_18 = arith.constant 0 : index
    %get3A_19 = vector.load %arg3[%get3A_17, %get3A_18] : memref<1x64xf32, #tpu.memory_space<vmem>>, vector<1x64xf32>
    %add3A_20 = vector.broadcast %get3A_19 : vector<1x64xf32> to vector<10000x64xf32>
    %add3A_21 = arith.addf %mul3A_16, %add3A_20 : vector<10000x64xf32>
    %max3A = arith.constant 0.000000e+00 : f32
    %max3A_22 = vector.broadcast %max3A : f32 to vector<10000x64xf32>
    %max3A_23 = arith.maximumf %add3A_21, %max3A_22 : vector<10000x64xf32>
    %get3A_24 = arith.constant 0 : index
    %get3A_25 = arith.constant 0 : index
    %get3A_26 = vector.load %arg4[%get3A_24, %get3A_25] : memref<10000x1xi32, #tpu.memory_space<vmem>>, vector<10000x1xi32>
    %iota3A = tpu.iota {dimensions = array<i32: 1>} : vector<10000x64xi32>
    %eq3A = vector.broadcast %get3A_26 : vector<10000x1xi32> to vector<10000x64xi32>
    %eq3A_27 = arith.cmpi eq, %eq3A, %iota3A : vector<10000x64xi32>
    %convert_element_type3A = arith.extui %eq3A_27 : vector<10000x64xi1> to vector<10000x64xi32>
    %convert_element_type3A_28 = arith.sitofp %convert_element_type3A : vector<10000x64xi32> to vector<10000x64xf32>
    %dot_general3A = arith.constant dense<0.000000e+00> : vector<64x64xf32>
    %dot_general3A_29 = tpu.matmul %convert_element_type3A_28, %max3A_23, %dot_general3A {dimension_numbers = #tpu.dot_dimension_numbers<[0], [0], [1], [1], [0, 1, 1, 1], [], []>, transpose_lhs_hint = false} : vector<10000x64xf32>, vector<10000x64xf32>, vector<64x64xf32> -> vector<64x64xf32>
    %broadcast_in_dim3A = arith.constant 1.000000e+00 : f32
    %broadcast_in_dim3A_30 = vector.broadcast %broadcast_in_dim3A : f32 to vector<10000x1xf32>
    %dot_general3A_31 = arith.constant dense<0.000000e+00> : vector<64x1xf32>
    %dot_general3A_32 = tpu.matmul %convert_element_type3A_28, %broadcast_in_dim3A_30, %dot_general3A_31 {dimension_numbers = #tpu.dot_dimension_numbers<[0], [0], [1], [1], [0, 1, 1, 1], [], []>, transpose_lhs_hint = false} : vector<10000x64xf32>, vector<10000x1xf32>, vector<64x1xf32> -> vector<64x1xf32>
    %max3A_33 = arith.constant 1.000000e+00 : f32
    %max3A_34 = vector.broadcast %max3A_33 : f32 to vector<64x1xf32>
    %max3A_35 = arith.maximumf %dot_general3A_32, %max3A_34 : vector<64x1xf32>
    %div3A = vector.broadcast %max3A_35 : vector<64x1xf32> to vector<64x64xf32>
    %div3A_36 = arith.divf %dot_general3A_29, %div3A : vector<64x64xf32>
    %get3A_37 = arith.constant 0 : index
    %get3A_38 = arith.constant 0 : index
    %get3A_39 = vector.load %arg5[%get3A_37, %get3A_38] : memref<64x2xf32, #tpu.memory_space<vmem>>, vector<64x2xf32>
    %dot_general3A_40 = arith.constant dense<0.000000e+00> : vector<64x2xf32>
    %dot_general3A_41 = tpu.matmul %div3A_36, %get3A_39, %dot_general3A_40 {dimension_numbers = #tpu.dot_dimension_numbers<[1], [0], [0], [1], [0, 0, 1, 1], [], []>, transpose_lhs_hint = false} : vector<64x64xf32>, vector<64x2xf32>, vector<64x2xf32> -> vector<64x2xf32>
    %get3A_42 = arith.constant 0 : index
    %get3A_43 = arith.constant 0 : index
    %get3A_44 = vector.load %arg6[%get3A_42, %get3A_43] : memref<1x2xf32, #tpu.memory_space<vmem>>, vector<1x2xf32>
    %add3A_45 = vector.broadcast %get3A_44 : vector<1x2xf32> to vector<64x2xf32>
    %add3A_46 = arith.addf %dot_general3A_41, %add3A_45 : vector<64x2xf32>
    %swap3A = arith.constant 0 : index
    %swap3A_47 = arith.constant 0 : index
    %swap3A_48 = vector.load %arg7[%swap3A, %swap3A_47] : memref<64x2xf32, #tpu.memory_space<vmem>>, vector<64x2xf32>
    tpu.vector_store %arg7[%swap3A, %swap3A_47], %add3A_46 {strides = array<i32>} : memref<64x2xf32, #tpu.memory_space<vmem>>, vector<64x2xf32>,
    return
  }
}

</mosaic_0001>

<sc_bundles>
// kernel: kernel.11.cloned.1.call-start
scs
__scs_entry_jumppad:
0x0: {  	(pc) =	sbr.rel $0x88, $3  }
0x1: {  	(tag) =	ssettag $0x0;
	lr =	simm.s32 $0x1  }
0x2: {  	[smem:$0x3F98] =	sst lr;
	_ =	strace $0xD0000000  }
0x3: {  	_ = 	snop  }
0x4: {  	_ = 	snop  }
0x5: {  	_ = 	snop  }
0x6: {  	_ = 	snop  }
0x7: {  	_ = 	snop  }
__scs_overlays_trampoline_lowered:
0x8: {  	[smem:$0x3FA7] =	sst s0  }
0x9: {  	[smem:$0x3FA8] =	sst s1  }
0xa: {  	[smem:$0x3FA9] =	sst s2  }
0xb: {  	[smem:$0x3FAA] =	sst s3  }
0xc: {  	[smem:$0x3FAB] =	sst s4  }
0xd: {  	[smem:$0x3FAC] =	sst s5  }
0xe: {  	[smem:$0x3FAD] =	sst s6  }
0xf: {  	[smem:$0x3FAE] =	sst s7  }
0x10: {  	[smem:$0x3FAF] =	sst s8  }
0x11: {  	[smem:$0x3FB0] =	sst s9;
	s0 =	simm.s32 @!p0 $0x0  }
0x12: {  	s1 =	sld [smem:$0x3F96];
	s0 =	simm.s32 @p0 $0x1  }
0x13: {  	[smem:$0x3FB1] =	sst s0;
	s0 =	simm.s32 @!p1 $0x0  }
0x14: {  	s2 =	sld [smem:$0x3F95];
	s0 =	simm.s32 @p1 $0x1  }
0x15: {  	[smem:$0x3FB2] =	sst s0;
	s0 =	simm.s32 @!p2 $0x0  }
0x16: {  	s3 =	sld [smem:$0x3FDB];
	s0 =	simm.s32 @p2 $0x1  }
0x17: {  	s4 =	simm.s32 $0x1BF5;
	[smem:$0x3FB4] =	sst s0  }
0x18: {  	s0 =	sld [smem:$0x3F97];
	_ =	swait.ge [sflag:s4], $0x0  }
0x19: {  	s7 =	sld [smem:$0x3F98]  }
0x1a: {  	s8 =	sadd.s32 $0xFFFFE003, lr  }
0x1b: {  	s9 =	sadd.s32 $0xFFFFFEF7, lr;
	s5 =	simm.s32 $0xFFFFFFFF;
	p2 =	slt.u32 s8, $0xFFFFF086  }
0x1c: {  	p1 =	slt.u32 s9, $0xF7A;
	s5 =	simm.s32 @!p2 $0x0  }
0x1d: {  	s5 =	simm.s32 @p1 $0x1;
	p0 =	seq.s32 s7, s2  }
0x1e: {  	s7 =	smul.u32 @!p0 $0xF7A, s2;
	p2 =	seq.s32 @!p0 s5, $0x0  }
0x1f: {  	s9 =	smul.u32 $0xF7A, s1;
	s8 =	simm.s32 @!p0 $0x1BF5;
	p2 =	por !p2, p0  }
0x20: {  	[sflag:s8] =	ssyncset.s32 @!p0 $0xFFFFF086;
	s6 =	sadd.s32 @!p0 s3, s7;
	s7 =	simm.s32 @!p0 $0x108  }
0x21: {  	s3 =	sadd.s32 s3, s9;
	s6 =	sadd.s32 @!p0 $0x88, s6;
	s7 =	simm.s32 @p2 $0x1082  }
0x22: {  	[simem:s7], [sflag:s8] =	dma.local @!p0 [hbm:s6], $0xF7A  }
0x23: {  	s9 =	sor.u32 $0xD0000000, s2;
	s6 =	simm.s32 $0x108;
	_ =	swait.ge @!p0 [sflag:s8], $0x0  }
0x24: {  	s3 =	sadd.s32 $0x88, s3;
	s6 =	simm.s32 @!p1 $0x1082;
	[sflag:s4] =	ssyncset.s32 $0xFFFFF086  }
0x25: {  	[simem:s6], [sflag:s4] =	dma.local [hbm:s3], $0xF7A  }
0x26: {  	[smem:$0x3F98] =	sst s1;
	(tag) =	ssettag s2;
	_ =	strace s9  }
0x27: {  	s1 =	sld [smem:$0x3FA8]  }
0x28: {  	s2 =	sld [smem:$0x3FA9]  }
0x29: {  	s4 =	sld [smem:$0x3FAB]  }
0x2a: {  	p0 =	seq.s32 s5, $0x0;
	s5 =	sld [smem:$0x3FAC]  }
0x2b: {  	s6 =	sld [smem:$0x3FAD]  }
0x2c: {  	s7 =	sld [smem:$0x3FAE]  }
0x2d: {  	s3 =	simm.s32 $0x108;
	s8 =	sld [smem:$0x3FAF]  }
0x2e: {  	s3 =	simm.s32 @!p0 $0x1082;
	s9 =	sld [smem:$0x3FB0]  }
0x2f: {  	lr =	sadd.s32 s0, s3;
	s0 =	sld [smem:$0x3FA7]  }
0x30: {  	s3 =	sld [smem:$0x3FAA]  }
0x31: {  	[smem:$0x3FB3] =	sst s10  }
0x32: {  	s10 =	sld [smem:$0x3FB1];
	_ =	sdelay $0x3  }
0x33: {  	p0 =	seq.s32 s10, $0x1;
	s10 =	sld [smem:$0x3FB3];
	_ =	sdelay $0x3  }
0x34: {  	[smem:$0x3FB3] =	sst s10  }
0x35: {  	s10 =	sld [smem:$0x3FB2];
	_ =	sdelay $0x3  }
0x36: {  	p1 =	seq.s32 s10, $0x1;
	s10 =	sld [smem:$0x3FB3];
	_ =	sdelay $0x3  }
0x37: {  	[smem:$0x3FB3] =	sst s10  }
0x38: {  	s10 =	sld [smem:$0x3FB4]  }
0x39: {  	_ = 	snop;
	(pc) =	sbr.ind lr, $3  }
0x3a: {  	_ = 	snop  }
0x3b: {  	_ = 	snop  }
0x3c: {  	p2 =	seq.s32 s10, $0x1;
	s10 =	sld [smem:$0x3FB3]  }
0x3d: {  	_ =	shalt  }
0x3e: {  	_ =	shalt  }
0x3f: {  	_ =	shalt  }
0x40: {  	_ =	shalt  }
0x41: {  	_ =	shalt  }
0x42: {  	_ =	shalt  }
0x43: {  	_ =	shalt  }
0x44: {  	_ =	shalt  }
0x45: {  	_ =	shalt  }
0x46: {  	_ =	shalt  }
0x47: {  	_ =	shalt  }
0x48: {  	_ =	shalt  }
0x49: {  	_ =	shalt  }
0x4a: {  	_ =	shalt  }
0x4b: {  	_ =	shalt  }
0x4c: {  	_ =	shalt  }
0x4d: {  	_ =	shalt  }
0x4e: {  	_ =	shalt  }
0x4f: {  	_ =	shalt  }
0x50: {  	_ =	shalt  }
0x51: {  	_ =	shalt  }
0x52: {  	_ =	shalt  }
0x53: {  	_ =	shalt  }
0x54: {  	_ =	shalt  }
0x55: {  	_ =	shalt  }
0x56: {  	_ =	shalt  }
0x57: {  	_ =	shalt  }
0x58: {  	_ =	shalt  }
0x59: {  	_ =	shalt  }
0x5a: {  	_ =	shalt  }
0x5b: {  	_ =	shalt  }
0x5c: {  	_ =	shalt  }
0x5d: {  	_ =	shalt  }
0x5e: {  	_ =	shalt  }
0x5f: {  	_ =	shalt  }
0x60: {  	_ =	shalt  }
0x61: {  	_ =	shalt  }
0x62: {  	_ =	shalt  }
0x63: {  	_ =	shalt  }
0x64: {  	_ =	shalt  }
0x65: {  	_ =	shalt  }
0x66: {  	_ =	shalt  }
0x67: {  	_ =	shalt  }
0x68: {  	_ =	shalt  }
0x69: {  	_ =	shalt  }
0x6a: {  	_ =	shalt  }
0x6b: {  	_ =	shalt  }
0x6c: {  	_ =	shalt  }
0x6d: {  	_ =	shalt  }
0x6e: {  	_ =	shalt  }
0x6f: {  	_ =	shalt  }
0x70: {  	_ =	shalt  }
0x71: {  	_ =	shalt  }
0x72: {  	_ =	shalt  }
0x73: {  	_ =	shalt  }
0x74: {  	_ =	shalt  }
0x75: {  	_ =	shalt  }
0x76: {  	_ =	shalt  }
0x77: {  	_ =	shalt  }
0x78: {  	_ =	shalt  }
0x79: {  	_ =	shalt  }
0x7a: {  	_ =	shalt  }
0x7b: {  	_ =	shalt  }
0x7c: {  	_ =	shalt  }
0x7d: {  	_ =	shalt  }
0x7e: {  	_ =	shalt  }
0x7f: {  	_ =	shalt  }
0x80: {  	_ =	shalt  }
0x81: {  	_ =	shalt  }
0x82: {  	_ =	shalt  }
0x83: {  	_ =	shalt  }
0x84: {  	_ =	shalt  }
0x85: {  	_ =	shalt  }
0x86: {  	_ =	shalt  }
0x87: {  	_ =	shalt  }
.Lfunc_end0:
.L_simem_size_0:
called_computation.1_lowered:
.L_overlay_start_0:
0x88: {  	s2 =	sld [smem:$0x3FD9]  }
0x89: {  	s3 =	sld [smem:$0x3FFE];
	_ =	sdelay $0x1  }
0x8a: {  	s1 =	srdreg.scid  }
0x8b: {  	s0 =	sand.u32 $0x1, s1  }
0x8c: {  	s16 =	sshll.u32 s0, $0xA;
	s2 =	sadd.s32 s3, s2  }
0x8d: {  	s2 =	sadd.s32 s2, s16  }
0x8e: {  	[smem:$0x3FBF] =	sst s2  }
0x8f: {  	_ = 	snop  }
0x90: {  	(tm) =	ssettm $0x1  }
0x91: {  	s17 =	sld [smem:$0x3FFB];
	_ =	sdelay $0x3  }
0x92: {  	_ =	strace s17  }
0x93: {  	s2 =	sld [smem:$0x3FFC];
	_ =	sdelay $0x3  }
0x94: {  	_ =	strace s2  }
0x95: {  	s2 =	sld [smem:$0x3FFD];
	_ =	sdelay $0x3  }
0x96: {  	_ =	strace s2  }
0x97: {  	_ =	strace $0x8FFFFFFF  }
0x98: {  	s18 =	sld [smem:$0x3FDB];
	_ =	sdelay $0x1  }
0x99: {  	s19 =	simm.s32 $_scs_section_size  }
0x9a: {  	s4 =	simm.s32 $_size__tile_overlayer_lowered;
	s5 =	simm.s32 $_tile_overlayer_lowered  }
0x9b: {  	s22 =	simm.s32 $0x1BFF;
	s21 =	sshll.u32 s5, $0x1;
	s2 =	sadd.s32 s19, s18  }
0x9c: {  	s6 =	simm.s32 $0x0;
	s20 =	sshll.u32 s4, $0x1;
	s4 =	sadd.s32 s21, s2  }
0x9d: {  	[timem:s6], [sflag:s22] =	dma.local [hbm:s4], s20  }
0x9e: {  	_ =	swait.ge [sflag:s22], s20  }
0x9f: {  	s3 =	ssub.s32 $0x0, s20;
	[sflag:s22] =	ssyncset.done $0x0  }
0xa0: {  	[sflag:s22] =	ssyncadd.s32 s3;
	_ =	sdelay $0x1  }
0xa1: {  	s23 =	simm.s32 $0x1B8B  }
0xa2: {  	_ =	swait.ge [sflag:s23], $0x1  }
0xa3: {  	[sflag:s23] =	ssyncset.done $0x0  }
0xa4: {  	s25 =	simm.s32 $0x1B8E;
	s24 =	sld [smem:$0x3FFE];
	[sflag:s23] =	ssyncadd.s32 $0xFFFFFFFF  }
0xa5: {  	s26 =	simm.s32 $execute0_lowered;
	[smem:$0x3FD2] =	sst s25  }
0xa6: {  	s4 =	sshll.u32 s26, $0x1;
	_ =	strace $0x80000049;
	[dreg:$0x1] =	wrdreg $0xFFFFFFFF  }
0xa7: {  	s28 =	simm.s32 $_size_execute0_lowered;
	s2 =	sadd.s32 s2, s4;
	[dreg:$0x0] =	wrdreg $0x0  }
0xa8: {  	s4 =	sshll.u32 s28, $0x1;
	[dreg:$0x2] =	wrdreg s2  }
0xa9: {  	[dreg:$0x3] =	wrdreg s4  }
0xaa: {  	[dreg:$0x4] =	wrdreg $0xC0  }
0xab: {  	_ =	task [dreg:s6], $0x5FFFF  }
0xac: {  	[dreg:$0x1] =	wrdreg $0xFFFFFFFF  }
0xad: {  	[dreg:$0x0] =	wrdreg $0x60  }
0xae: {  	[dreg:$0x2] =	wrdreg s24  }
0xaf: {  	[dreg:$0x3] =	wrdreg $0x116200  }
0xb0: {  	[dreg:$0x4] =	wrdreg $0x9  }
0xb1: {  	_ =	task.clear_ibuf [dreg:s6], $0x5FFFF;
	_ =	strace $0x90000049  }
0xb2: {  	s29 =	simm.s32 $0x9;
	_ =	strace $0x8000004B  }
0xb3: {  	_ =	swait.ge [sflag:s29], $0x1  }
0xb4: {  	[sflag:s29] =	ssyncadd.s32 $0xFFFFFFFF  }
0xb5: {  	_ =	strace $0x9000004B  }
0xb6: {  	_ =	sfence  }
0xb7: {  	s30 =	sld [smem:$0x0];
	_ =	sdelay $0x2  }
0xb8: {  	s31 =	sshll.u32 s1, $0xD;
	s1 =	sshrl.u32 s1, $0x2  }
0xb9: {  	s3 =	sand.u32 $0x4000, s31;
	s1 =	sadd.s32 s1, s30  }
0xba: {  	s0 =	sor.u32 s3, s0;
	s1 =	sshll.u32 s1, $0x11  }
0xbb: {  	s0 =	sor.u32 s1, s0  }
0xbc: {  	s0 =	sadd.s32 $0x8F2B, s0  }
0xbd: {  	[sflag:s0] =	ssyncadd.remote.s32 $0x1  }
0xbe: {  	_ =	sfence.sel $0xFFFF  }
0xbf: {  	[dreg:$0x0] =	wrdreg $0xFFFFFFFF;
	(pc) =	sbr.abs _section_cstart, $3  }
0xc0: {  	[dreg:$0x1] =	wrdreg $0xFFFFFFFF  }
0xc1: {  	_ =	task.clear_ibuf [dreg:s6], $0x2FFFF;
	_ =	strace $0x9FFFFFFF  }
0xc2: {  	(tm) =	ssettm $0x7FFFFFFF  }
0xc3: {  	_ =	shalt  }
tec
execute0_lowered:
.L_overlay_start_1:
0x0: {  	(tag) =	ssettag $0x1  }
0x1: {  	s0 =	srdreg.scid;
	s5 =	rddreg [dreg:$0x0]  }
0x2: {  	s11 =	stileid.u32;
	s2 =	rddreg [dreg:$0x1]  }
0x3: {  	s3 =	simm.s32 $0x0;
	s13 =	simm.s32 $0x50;
	s14 =	simm.s32 $0x4E20  }
0x4: {  	s15 =	simm.s32 $0x6220;
	s17 =	simm.s32 $0x7620;
	s19 =	simm.s32 $0x8A20  }
0x5: {  	s21 =	simm.s32 $0x9E20;
	s22 =	simm.s32 $0x2;
	s23 =	simm.s32 $0x3  }
0x6: {  	s25 =	simm.s32 $0x4CE0;
	s26 =	simm.s32 $0x4D30;
	s28 =	simm.s32 $0x4D80  }
0x7: {  	s29 =	simm.s32 $0x4DD0;
	s30 =	simm.s32 $0x0;
	s0 =	sand.u32 $0x1, s0  }
0x8: {  	s7 =	smul.u32 $0xFA00, s11;
	[smem:$0x7FF] =	sst s3;
	s4 =	sadd.s32 $0x15800, s5  }
0x9: {  	p0 =	sgt.u32 s11, $0x9;
	s1 =	sshll.u32 s0, $0x4;
	s6 =	smul.u32 $0x9C400, s0  }
0xa: {  	_ =	strace $0x8000004A;
	s0 =	ssub.s32 $0x2, s0;
	s1 =	sor.u32 s11, s1  }
0xb: {  	s8 =	sshrl.u32 s7, $0x3;
	s1 =	smul.u32 $0x4E2, s1;
	s6 =	sadd.s32 s7, s6  }
0xc: {  	s9 =	sshrl.u32 s0, $0x1;
	s8 =	sadd.s32 s8, s5;
	s6 =	sshrl.u32 s6, $0x3  }
0xd: {  	s0 =	ssub.s32 s0, s9;
	s1 =	sadd.s32 s1, s5;
	s10 =	sadd.s32 s6, s5  }
0xe: {  	s5 =	sadd.s32 $0x1C00, s1;
	s6 =	sadd.s32 $0xBA00, s1;
	s1 =	sadd.s32 s7, s2  }
0xf: {  	s7 =	sadd.s32 $0x29200, s8;
	s8 =	sadd.s32 $0x3CC00, s10;
	s10 =	sshll.u32 @!p0 s11, $0x6  }
0x10: {  	s9 =	smax.u32 s0, $0x1;
	s11 =	sor.u32 @!p0 $0x1C03, s10;
	s12 =	sshrl.u32 @!p0 s1, $0x3  }
.LBB2_1:
0x11: {  	[tilespmem:s3], [sflag:$0x1] =	stream.linear.gather [hbm4b:s5+s3], $0x2710, $0x38;
	[tilespmem:$0x1B260] =	vst v63  }
0x12: {  	s0 =	simm.s32 $0x2710  }
0x13: {  	[tilespmem:s0], [sflag:$0x1] =	stream.linear.gather [hbm4b:s6+s3], $0x2710, $0x38;
	[tilespmem:$0x1B260] =	vst v63  }
0x14: {  	s0 =	simm.s32 @!p0 $0x3  }
0x15: {  	[spmem:s12], [sflag:s11] =	dma.local @!p0 [hbm:s7], $0x1F40  }
0x16: {  	_ =	swait.ge @!p0 [sflag:s0], $0x1F40  }
0x17: {  	[sflag:s0] =	ssyncset.done @!p0 $0x0  }
0x18: {  	s20 =	simm.s32 $0x1;
	[sflag:s0] =	ssyncadd.s32 @!p0 $0xFFFFE0C0  }
0x19: {  	_ =	swait.ge [sflag:s20], $0x2710  }
0x1a: {  	[sflag:s20] =	ssyncset.done $0x0  }
0x1b: {  	[sflag:s20] =	ssyncadd.s32 $0xFFFFD8F0  }
0x1c: {  	[tilespmem:s14], [sflag:$0x2] =	stream.indirect.gather [hbm4b:s4+s13], $0x40, s3, s13, $0xb8;
	[tilespmem:$0x1B260] =	vst v63  }
0x1d: {  	_ = 	snop  }
0x1e: {  	[tilespmem:s15], [sflag:$0x2] =	stream.indirect.gather [hbm4b:s4+s13], $0x40, s13, s13, $0xb8;
	[tilespmem:$0x1B260] =	vst v63  }
0x1f: {  	s1 =	simm.s32 $0xA0  }
0x20: {  	[tilespmem:s17], [sflag:$0x2] =	stream.indirect.gather [hbm4b:s4+s13], $0x40, s1, s13, $0xb8;
	[tilespmem:$0x1B260] =	vst v63  }
0x21: {  	s24 =	simm.s32 $0xF0  }
0x22: {  	[tilespmem:s19], [sflag:$0x2] =	stream.indirect.gather [hbm4b:s4+s13], $0x40, s24, s13, $0xb8;
	[tilespmem:$0x1B260] =	vst v63  }
0x23: {  	s10 =	simm.s32 $0x140  }
0x24: {  	[tilespmem:s21], [sflag:$0x2] =	stream.indirect.gather [hbm4b:s4+s13], $0x40, s10, s13, $0xb8;
	[tilespmem:$0x1B260] =	vst v63  }
0x25: {  	s16 =	sand.u32 $0x1, s20;
	_ =	swait.ge [sflag:s20], $0x2710  }
0x26: {  	p1 =	seq.s32 s16, $0x1;
	s1 =	simm.s32 $0x6400;
	[sflag:s20] =	ssyncset.done $0x0  }
0x27: {  	s1 =	simm.s32 @!p1 $0x0;
	[sflag:s20] =	ssyncadd.s32 $0xFFFFD8F0  }
0x28: {  	s18 =	sadd.s32 $0x4E20, s1;
	s10 =	simm.s32 $0x190;
	[bflag:$0x0] =	sbarrier.arrive $0xFFFF  }
0x29: {  	[tilespmem:s18], [sflag:$0x2] =	stream.indirect.gather [hbm4b:s4+s13], $0x40, s10, s13, $0xb8;
	[tilespmem:$0x1B260] =	vst v63  }
0x2a: {  	s24 =	simm.s32 $0x1E0;
	s20 =	sadd.s32 $0x6220, s1  }
0x2b: {  	[tilespmem:s20], [sflag:$0x2] =	stream.indirect.gather [hbm4b:s4+s13], $0x40, s24, s13, $0xb8;
	[tilespmem:$0x1B260] =	vst v63  }
0x2c: {  	s16 =	sadd.s32 $0x7620, s1;
	s18 =	simm.s32 $0x230  }
0x2d: {  	[tilespmem:s16], [sflag:$0x2] =	stream.indirect.gather [hbm4b:s4+s13], $0x40, s18, s13, $0xb8;
	[tilespmem:$0x1B260] =	vst v63  }
0x2e: {  	s20 =	sor.u32 $0x8A20, s1;
	s24 =	simm.s32 $0x280  }
0x2f: {  	[tilespmem:s20], [sflag:$0x2] =	stream.indirect.gather [hbm4b:s4+s13], $0x40, s24, s13, $0xb8;
	[tilespmem:$0x1B260] =	vst v63  }
0x30: {  	s10 =	simm.s32 $0x2D0;
	s1 =	sadd.s32 $0x9E20, s1  }
0x31: {  	[tilespmem:s1], [sflag:$0x2] =	stream.indirect.gather [hbm4b:s4+s13], $0x40, s10, s13, $0xb8;
	[tilespmem:$0x1B260] =	vst v63  }
0x32: {  	s0 =	simm.s32 $0x0;
	_ =	swait.ge [sflag:s22], $0x1400  }
0x33: {  	s0 =	simm.s32 @!p1 $0x6400;
	[sflag:s22] =	ssyncset.done $0x0  }
0x34: {  	s16 =	sadd.s32 $0x4E20, s0;
	s18 =	simm.s32 $0x2710;
	[sflag:s22] =	ssyncadd.s32 $0xFFFFEC00  }
0x35: {  	[spmem:s2] =	stream.indirect.scatter.add.f32 [tilespmem:s16], [sflag:$0x3], $0x40, s18, s13, $0xb8;
	[tilespmem:$0x1B260] =	vst v63  }
0x36: {  	_ =	swait.ge [sflag:s23], $0x1400  }
0x37: {  	[sflag:s23] =	ssyncset.done $0x0  }
0x38: {  	[sflag:s23] =	ssyncadd.s32 $0xFFFFEC00  }
0x39: {  	_ =	swait.ge [sflag:s22], $0x1400  }
0x3a: {  	[sflag:s22] =	ssyncset.done $0x0  }
0x3b: {  	s20 =	sadd.s32 $0x6220, s0;
	s24 =	simm.s32 $0x2760;
	[sflag:s22] =	ssyncadd.s32 $0xFFFFEC00  }
0x3c: {  	[spmem:s2] =	stream.indirect.scatter.add.f32 [tilespmem:s20], [sflag:$0x3], $0x40, s24, s13, $0xb8;
	[tilespmem:$0x1B260] =	vst v63  }
0x3d: {  	_ =	swait.ge [sflag:s23], $0x1400  }
0x3e: {  	[sflag:s23] =	ssyncset.done $0x0  }
0x3f: {  	[sflag:s23] =	ssyncadd.s32 $0xFFFFEC00  }
0x40: {  	_ =	swait.ge [sflag:s22], $0x1400  }
0x41: {  	[sflag:s22] =	ssyncset.done $0x0  }
0x42: {  	s16 =	sadd.s32 $0x7620, s0;
	s18 =	simm.s32 $0x27B0;
	[sflag:s22] =	ssyncadd.s32 $0xFFFFEC00  }
0x43: {  	[spmem:s2] =	stream.indirect.scatter.add.f32 [tilespmem:s16], [sflag:$0x3], $0x40, s18, s13, $0xb8;
	[tilespmem:$0x1B260] =	vst v63  }
0x44: {  	_ =	swait.ge [sflag:s23], $0x1400  }
0x45: {  	[sflag:s23] =	ssyncset.done $0x0  }
0x46: {  	[sflag:s23] =	ssyncadd.s32 $0xFFFFEC00  }
0x47: {  	_ =	swait.ge [sflag:s22], $0x1400  }
0x48: {  	[sflag:s22] =	ssyncset.done $0x0  }
0x49: {  	s20 =	sor.u32 $0x8A20, s0;
	s24 =	simm.s32 $0x2800;
	[sflag:s22] =	ssyncadd.s32 $0xFFFFEC00  }
0x4a: {  	[spmem:s2] =	stream.indirect.scatter.add.f32 [tilespmem:s20], [sflag:$0x3], $0x40, s24, s13, $0xb8;
	[tilespmem:$0x1B260] =	vst v63  }
0x4b: {  	_ =	swait.ge [sflag:s23], $0x1400  }
0x4c: {  	[sflag:s23] =	ssyncset.done $0x0  }
0x4d: {  	[sflag:s23] =	ssyncadd.s32 $0xFFFFEC00  }
0x4e: {  	s31 =	simm.s32 $0x190;
	_ =	swait.ge [sflag:s22], $0x1400  }
0x4f: {  	s1 =	simm.s32 $0x2;
	s0 =	sadd.s32 $0x9E20, s0;
	[sflag:s22] =	ssyncset.done $0x0  }
0x50: {  	s16 =	simm.s32 $0x2850;
	s18 =	sand.u32 $0x1, s1;
	[sflag:s22] =	ssyncadd.s32 $0xFFFFEC00  }
0x51: {  	[spmem:s2] =	stream.indirect.scatter.add.f32 [tilespmem:s0], [sflag:$0x3], $0x40, s16, s13, $0xb8;
	[tilespmem:$0x1B260] =	vst v63  }
0x52: {  	p2 =	seq.s32 s18, $0x1;
	s16 =	simm.s32 $0x6400;
	_ =	swait.ge [sflag:s23], $0x1400  }
0x53: {  	s10 =	simm.s32 $0xC80;
	s16 =	simm.s32 @!p2 $0x0;
	[sflag:s23] =	ssyncset.done $0x0  }
.LBB2_2:
0x54: {  	s18 =	sadd.s32 $0x4E20, s16  }
0x55: {  	s20 =	sadd.s32 $0x190, s31;
	[sflag:s23] =	ssyncadd.s32 $0xFFFFEC00;
	s0 =	smov.u32 s10  }
0x56: {  	[tilespmem:s18], [sflag:$0x2] =	stream.indirect.gather [hbm4b:s4+s13], $0x40, s20, s13, $0xb8;
	[tilespmem:$0x1B260] =	vst v63  }
0x57: {  	s24 =	sadd.s32 $0x1E0, s31;
	s18 =	sadd.s32 $0x640, s10;
	s20 =	sadd.s32 $0x6220, s16  }
0x58: {  	[tilespmem:s20], [sflag:$0x2] =	stream.indirect.gather [hbm4b:s4+s13], $0x40, s24, s13, $0xb8;
	[tilespmem:$0x1B260] =	vst v63  }
0x59: {  	p1 =	sne.s32 s10, $0x8FC0;
	s10 =	sadd.s32 $0x7620, s16;
	s20 =	sadd.s32 $0x230, s31  }
0x5a: {  	[tilespmem:s10], [sflag:$0x2] =	stream.indirect.gather [hbm4b:s4+s13], $0x40, s20, s13, $0xb8;
	[tilespmem:$0x1B260] =	vst v63  }
0x5b: {  	s10 =	sor.u32 $0x8A20, s16;
	s20 =	sadd.s32 $0x280, s31  }
0x5c: {  	[tilespmem:s10], [sflag:$0x2] =	stream.indirect.gather [hbm4b:s4+s13], $0x40, s20, s13, $0xb8;
	[tilespmem:$0x1B260] =	vst v63  }
0x5d: {  	s10 =	sadd.s32 $0x9E20, s16;
	s16 =	sadd.s32 $0x2D0, s31  }
0x5e: {  	[tilespmem:s10], [sflag:$0x2] =	stream.indirect.gather [hbm4b:s4+s13], $0x40, s16, s13, $0xb8;
	[tilespmem:$0x1B260] =	vst v63  }
0x5f: {  	s16 =	simm.s32 $0x0;
	_ =	swait.ge [sflag:s22], $0x1400  }
0x60: {  	s16 =	simm.s32 @!p2 $0x6400;
	[sflag:s22] =	ssyncset.done $0x0  }
0x61: {  	s20 =	sadd.s32 $0x2710, s31;
	s10 =	sadd.s32 $0x4E20, s16;
	[sflag:s22] =	ssyncadd.s32 $0xFFFFEC00  }
0x62: {  	[spmem:s2] =	stream.indirect.scatter.add.f32 [tilespmem:s10], [sflag:$0x3], $0x40, s20, s13, $0xb8;
	[tilespmem:$0x1B260] =	vst v63  }
0x63: {  	_ =	swait.ge [sflag:s23], $0x1400  }
0x64: {  	[sflag:s23] =	ssyncset.done $0x0  }
0x65: {  	[sflag:s23] =	ssyncadd.s32 $0xFFFFEC00  }
0x66: {  	_ =	swait.ge [sflag:s22], $0x1400  }
0x67: {  	[sflag:s22] =	ssyncset.done $0x0  }
0x68: {  	s10 =	sadd.s32 $0x6220, s16;
	s20 =	sadd.s32 $0x2760, s31;
	[sflag:s22] =	ssyncadd.s32 $0xFFFFEC00  }
0x69: {  	[spmem:s2] =	stream.indirect.scatter.add.f32 [tilespmem:s10], [sflag:$0x3], $0x40, s20, s13, $0xb8;
	[tilespmem:$0x1B260] =	vst v63  }
0x6a: {  	_ =	swait.ge [sflag:s23], $0x1400  }
0x6b: {  	[sflag:s23] =	ssyncset.done $0x0  }
0x6c: {  	[sflag:s23] =	ssyncadd.s32 $0xFFFFEC00  }
0x6d: {  	_ =	swait.ge [sflag:s22], $0x1400  }
0x6e: {  	[sflag:s22] =	ssyncset.done $0x0  }
0x6f: {  	s10 =	sadd.s32 $0x7620, s16;
	s20 =	sadd.s32 $0x27B0, s31;
	[sflag:s22] =	ssyncadd.s32 $0xFFFFEC00  }
0x70: {  	[spmem:s2] =	stream.indirect.scatter.add.f32 [tilespmem:s10], [sflag:$0x3], $0x40, s20, s13, $0xb8;
	[tilespmem:$0x1B260] =	vst v63  }
0x71: {  	_ =	swait.ge [sflag:s23], $0x1400  }
0x72: {  	[sflag:s23] =	ssyncset.done $0x0  }
0x73: {  	[sflag:s23] =	ssyncadd.s32 $0xFFFFEC00  }
0x74: {  	_ =	swait.ge [sflag:s22], $0x1400  }
0x75: {  	[sflag:s22] =	ssyncset.done $0x0  }
0x76: {  	s10 =	sor.u32 $0x8A20, s16;
	s20 =	sadd.s32 $0x2800, s31;
	[sflag:s22] =	ssyncadd.s32 $0xFFFFEC00  }
0x77: {  	[spmem:s2] =	stream.indirect.scatter.add.f32 [tilespmem:s10], [sflag:$0x3], $0x40, s20, s13, $0xb8;
	[tilespmem:$0x1B260] =	vst v63  }
0x78: {  	_ =	swait.ge [sflag:s23], $0x1400  }
0x79: {  	[sflag:s23] =	ssyncset.done $0x0  }
0x7a: {  	[sflag:s23] =	ssyncadd.s32 $0xFFFFEC00  }
0x7b: {  	s1 =	sadd.s32 $0x1, s1;
	s16 =	sadd.s32 $0x9E20, s16;
	_ =	swait.ge [sflag:s22], $0x1400  }
.Ltmp0:
0x7c: {  	s10 =	sadd.s32 $0x2850, s31;
	[sflag:s22] =	ssyncset.done $0x0;
	(pc) =	sbr.rel @p1 .LBB2_2-.Ltmp0, $4  }
0x7d: {  	s20 =	sand.u32 $0x1, s1;
	s31 =	sshra.s32 s0, $0x2;
	[sflag:s22] =	ssyncadd.s32 $0xFFFFEC00  }
0x7e: {  	[spmem:s2] =	stream.indirect.scatter.add.f32 [tilespmem:s16], [sflag:$0x3], $0x40, s10, s13, $0xb8;
	[tilespmem:$0x1B260] =	vst v63  }
0x7f: {  	p2 =	seq.s32 s20, $0x1;
	s16 =	simm.s32 $0x6400;
	_ =	swait.ge [sflag:s23], $0x1400  }
0x80: {  	s10 =	smov.u32 s18;
	s16 =	simm.s32 @!p2 $0x0;
	[sflag:s23] =	ssyncset.done $0x0  }
0x81: {  	s0 =	sadd.s32 $0x4E20, s16;
	s1 =	sadd.s32 $0x190, s31;
	[sflag:s23] =	ssyncadd.s32 $0xFFFFEC00  }
0x82: {  	[tilespmem:s0], [sflag:$0x2] =	stream.indirect.gather [hbm4b:s4+s13], $0x40, s1, s13, $0xb8;
	[tilespmem:$0x1B260] =	vst v63  }
0x83: {  	s20 =	sadd.s32 $0x6220, s16;
	s24 =	sadd.s32 $0x1E0, s31  }
0x84: {  	[tilespmem:s20], [sflag:$0x2] =	stream.indirect.gather [hbm4b:s4+s13], $0x40, s24, s13, $0xb8;
	[tilespmem:$0x1B260] =	vst v63  }
0x85: {  	s10 =	sadd.s32 $0x7620, s16;
	s18 =	sadd.s32 $0x230, s31  }
0x86: {  	[tilespmem:s10], [sflag:$0x2] =	stream.indirect.gather [hbm4b:s4+s13], $0x40, s18, s13, $0xb8;
	[tilespmem:$0x1B260] =	vst v63  }
0x87: {  	s20 =	sor.u32 $0x8A20, s16;
	s24 =	sadd.s32 $0x280, s31  }
0x88: {  	[tilespmem:s20], [sflag:$0x2] =	stream.indirect.gather [hbm4b:s4+s13], $0x40, s24, s13, $0xb8;
	[tilespmem:$0x1B260] =	vst v63  }
0x89: {  	s10 =	sadd.s32 $0x9E20, s16;
	s16 =	sadd.s32 $0x2D0, s31  }
0x8a: {  	[tilespmem:s10], [sflag:$0x2] =	stream.indirect.gather [hbm4b:s4+s13], $0x40, s16, s13, $0xb8;
	[tilespmem:$0x1B260] =	vst v63  }
0x8b: {  	s0 =	simm.s32 $0x0;
	_ =	swait.ge [sflag:s22], $0x1400  }
0x8c: {  	s0 =	simm.s32 @!p2 $0x6400;
	[sflag:s22] =	ssyncset.done $0x0  }
0x8d: {  	s18 =	sadd.s32 $0x4E20, s0;
	s10 =	sadd.s32 $0x2710, s31;
	[sflag:s22] =	ssyncadd.s32 $0xFFFFEC00  }
0x8e: {  	[spmem:s2] =	stream.indirect.scatter.add.f32 [tilespmem:s18], [sflag:$0x3], $0x40, s10, s13, $0xb8;
	[tilespmem:$0x1B260] =	vst v63  }
0x8f: {  	_ =	swait.ge [sflag:s23], $0x1400  }
0x90: {  	[sflag:s23] =	ssyncset.done $0x0  }
0x91: {  	[sflag:s23] =	ssyncadd.s32 $0xFFFFEC00  }
0x92: {  	_ =	swait.ge [sflag:s22], $0x1400  }
0x93: {  	[sflag:s22] =	ssyncset.done $0x0  }
0x94: {  	s20 =	sadd.s32 $0x6220, s0;
	s24 =	sadd.s32 $0x2760, s31;
	[sflag:s22] =	ssyncadd.s32 $0xFFFFEC00  }
0x95: {  	[spmem:s2] =	stream.indirect.scatter.add.f32 [tilespmem:s20], [sflag:$0x3], $0x40, s24, s13, $0xb8;
	[tilespmem:$0x1B260] =	vst v63  }
0x96: {  	_ =	swait.ge [sflag:s23], $0x1400  }
0x97: {  	[sflag:s23] =	ssyncset.done $0x0  }
0x98: {  	[sflag:s23] =	ssyncadd.s32 $0xFFFFEC00  }
0x99: {  	_ =	swait.ge [sflag:s22], $0x1400  }
0x9a: {  	[sflag:s22] =	ssyncset.done $0x0  }
0x9b: {  	s16 =	sadd.s32 $0x27B0, s31;
	s10 =	sadd.s32 $0x7620, s0;
	[sflag:s22] =	ssyncadd.s32 $0xFFFFEC00  }
0x9c: {  	[spmem:s2] =	stream.indirect.scatter.add.f32 [tilespmem:s10], [sflag:$0x3], $0x40, s16, s13, $0xb8;
	[tilespmem:$0x1B260] =	vst v63  }
0x9d: {  	_ =	swait.ge [sflag:s23], $0x1400  }
0x9e: {  	[sflag:s23] =	ssyncset.done $0x0  }
0x9f: {  	[sflag:s23] =	ssyncadd.s32 $0xFFFFEC00  }
0xa0: {  	_ =	swait.ge [sflag:s22], $0x1400  }
0xa1: {  	[sflag:s22] =	ssyncset.done $0x0  }
0xa2: {  	s18 =	sor.u32 $0x8A20, s0;
	s20 =	sadd.s32 $0x2800, s31;
	[sflag:s22] =	ssyncadd.s32 $0xFFFFEC00  }
0xa3: {  	[spmem:s2] =	stream.indirect.scatter.add.f32 [tilespmem:s18], [sflag:$0x3], $0x40, s20, s13, $0xb8;
	[tilespmem:$0x1B260] =	vst v63  }
0xa4: {  	_ =	swait.ge [sflag:s23], $0x1400  }
0xa5: {  	[sflag:s23] =	ssyncset.done $0x0  }
0xa6: {  	[sflag:s23] =	ssyncadd.s32 $0xFFFFEC00  }
0xa7: {  	_ =	swait.ge [sflag:s22], $0x1400  }
0xa8: {  	[sflag:s22] =	ssyncset.done $0x0  }
0xa9: {  	s0 =	sadd.s32 $0x9E20, s0;
	s24 =	sadd.s32 $0x2850, s31;
	[sflag:s22] =	ssyncadd.s32 $0xFFFFEC00  }
0xaa: {  	[spmem:s2] =	stream.indirect.scatter.add.f32 [tilespmem:s0], [sflag:$0x3], $0x40, s24, s13, $0xb8;
	[tilespmem:$0x1B260] =	vst v63  }
0xab: {  	_ =	swait.ge [sflag:s23], $0x1400  }
0xac: {  	[sflag:s23] =	ssyncset.done $0x0  }
0xad: {  	[sflag:s23] =	ssyncadd.s32 $0xFFFFEC00  }
0xae: {  	_ =	swait.ge [sflag:s22], $0x1400  }
0xaf: {  	[sflag:s22] =	ssyncset.done $0x0  }
0xb0: {  	s31 =	simm.s32 $0x4C90;
	[sflag:s22] =	ssyncadd.s32 $0xFFFFEC00  }
0xb1: {  	[spmem:s2] =	stream.indirect.scatter.add.f32 [tilespmem:s14], [sflag:$0x3], $0x40, s31, s13, $0xb8;
	[tilespmem:$0x1B260] =	vst v63  }
0xb2: {  	_ =	swait.ge [sflag:s23], $0x1400  }
0xb3: {  	[sflag:s23] =	ssyncset.done $0x0  }
0xb4: {  	[sflag:s23] =	ssyncadd.s32 $0xFFFFEC00  }
0xb5: {  	_ =	swait.ge [sflag:s22], $0x1400  }
0xb6: {  	[sflag:s22] =	ssyncset.done $0x0  }
0xb7: {  	[sflag:s22] =	ssyncadd.s32 $0xFFFFEC00  }
0xb8: {  	[spmem:s2] =	stream.indirect.scatter.add.f32 [tilespmem:s15], [sflag:$0x3], $0x40, s25, s13, $0xb8;
	[tilespmem:$0x1B260] =	vst v63  }
0xb9: {  	_ =	swait.ge [sflag:s23], $0x1400  }
0xba: {  	[sflag:s23] =	ssyncset.done $0x0  }
0xbb: {  	[sflag:s23] =	ssyncadd.s32 $0xFFFFEC00  }
0xbc: {  	_ =	swait.ge [sflag:s22], $0x1400  }
0xbd: {  	[sflag:s22] =	ssyncset.done $0x0  }
0xbe: {  	[sflag:s22] =	ssyncadd.s32 $0xFFFFEC00  }
0xbf: {  	[spmem:s2] =	stream.indirect.scatter.add.f32 [tilespmem:s17], [sflag:$0x3], $0x40, s26, s13, $0xb8;
	[tilespmem:$0x1B260] =	vst v63  }
0xc0: {  	_ =	swait.ge [sflag:s23], $0x1400  }
0xc1: {  	[sflag:s23] =	ssyncset.done $0x0  }
0xc2: {  	[sflag:s23] =	ssyncadd.s32 $0xFFFFEC00  }
0xc3: {  	_ =	swait.ge [sflag:s22], $0x1400  }
0xc4: {  	[sflag:s22] =	ssyncset.done $0x0  }
0xc5: {  	[sflag:s22] =	ssyncadd.s32 $0xFFFFEC00  }
0xc6: {  	[spmem:s2] =	stream.indirect.scatter.add.f32 [tilespmem:s19], [sflag:$0x3], $0x40, s28, s13, $0xb8;
	[tilespmem:$0x1B260] =	vst v63  }
0xc7: {  	_ =	swait.ge [sflag:s23], $0x1400  }
0xc8: {  	[sflag:s23] =	ssyncset.done $0x0  }
0xc9: {  	[sflag:s23] =	ssyncadd.s32 $0xFFFFEC00  }
0xca: {  	_ =	swait.ge [sflag:s22], $0x1400  }
0xcb: {  	[sflag:s22] =	ssyncset.done $0x0  }
0xcc: {  	[sflag:s22] =	ssyncadd.s32 $0xFFFFEC00  }
0xcd: {  	[spmem:s2] =	stream.indirect.scatter.add.f32 [tilespmem:s21], [sflag:$0x3], $0x40, s29, s13, $0xb8;
	[tilespmem:$0x1B260] =	vst v63  }
0xce: {  	_ =	swait.ge [sflag:s23], $0x1400  }
0xcf: {  	s30 =	sadd.s32 $0x1, s30;
	[sflag:s23] =	ssyncset.done $0x0  }
0xd0: {  	p1 =	sne.s32 s30, s9;
	[sflag:s23] =	ssyncadd.s32 $0xFFFFEC00  }
.Ltmp1:
0xd1: {  	s0 =	simm.s32 @!p0 $0x3;
	[bflag:$0x0] =	sbarrier.arrive $0xFFFF;
	(pc) =	sbr.rel @p1 .LBB2_1-.Ltmp1, $4  }
0xd2: {  	[hbm:s8], [sflag:s11] =	dma.local @!p0 [spmem:s12], $0x1F40  }
0xd3: {  	_ =	swait.ge @!p0 [sflag:s0], $0x1F40  }
0xd4: {  	[sflag:s0] =	ssyncset.done @!p0 $0x0  }
0xd5: {  	[sflag:s0] =	ssyncadd.s32 @!p0 $0xFFFFE0C0  }
0xd6: {  	_ =	sfence.sel $0x180000  }
0xd7: {  	[bflag:$0x0] =	sbarrier.arrive $0xFFFF  }
0xd8: {  	_ =	strace $0x9000004A  }
0xd9: {  	s0 =	stileid.u32;
	[bflag:$0x2] =	sbarrier.arrive $0xFFFF  }
0xda: {  	p0 =	sne.s32 s0, $0x0;
	s0 =	rddreg [dreg:$0x2]  }
0xdb: {  	s0 =	sadd.s32 @!p0 $0x100000, s0  }
0xdc: {  	[sflag:s0] =	ssyncadd.tile.s32 @!p0 $0x1;
	_ =	shalt  }
.Lfunc_end2:
_tile_overlayer_lowered:
.L_overlay_start_2:
0xdd: {  	(tag) =	ssettag $0x2  }
0xde: {  	s0 =	rddreg [dreg:$0x0];
	s2 =	stileid.u32  }
0xdf: {  	s1 =	rddreg [dreg:$0x1];
	p0 =	sne.s32 s2, $0x0  }
0xe0: {  	s3 =	rddreg [dreg:$0x2];
	[bflag:$0x3] =	sbarrier.arrive $0xFFFF;
	s2 =	simm.s32 @!p0 $0x1C03  }
0xe1: {  	[timem:s3], [sflag:s2] =	dma.local @!p0 [hbm:s0], s1  }
0xe2: {  	s0 =	simm.s32 @!p0 $0x3  }
0xe3: {  	_ =	swait.ge @!p0 [sflag:s0], s1  }
0xe4: {  	s1 =	ssub.s32 @!p0 $0x0, s1;
	[sflag:s0] =	ssyncset.done @!p0 $0x0  }
0xe5: {  	[sflag:s0] =	ssyncadd.s32 @!p0 s1  }
0xe6: {  	[bflag:$0x3] =	sbarrier.arrive $0xFFFF  }
0xe7: {  	_ =	shalt  }

// kernel: kernel.14.cloned.1.call-start
scs
__scs_entry_jumppad:
0x0: {  	(pc) =	sbr.rel $0x88, $3  }
0x1: {  	(tag) =	ssettag $0x0;
	lr =	simm.s32 $0x1  }
0x2: {  	[smem:$0x3F98] =	sst lr;
	_ =	strace $0xD0000000  }
0x3: {  	_ = 	snop  }
0x4: {  	_ = 	snop  }
0x5: {  	_ = 	snop  }
0x6: {  	_ = 	snop  }
0x7: {  	_ = 	snop  }
__scs_overlays_trampoline_lowered:
0x8: {  	[smem:$0x3FA7] =	sst s0  }
0x9: {  	[smem:$0x3FA8] =	sst s1  }
0xa: {  	[smem:$0x3FA9] =	sst s2  }
0xb: {  	[smem:$0x3FAA] =	sst s3  }
0xc: {  	[smem:$0x3FAB] =	sst s4  }
0xd: {  	[smem:$0x3FAC] =	sst s5  }
0xe: {  	[smem:$0x3FAD] =	sst s6  }
0xf: {  	[smem:$0x3FAE] =	sst s7  }
0x10: {  	[smem:$0x3FAF] =	sst s8  }
0x11: {  	[smem:$0x3FB0] =	sst s9;
	s0 =	simm.s32 @!p0 $0x0  }
0x12: {  	s1 =	sld [smem:$0x3F96];
	s0 =	simm.s32 @p0 $0x1  }
0x13: {  	[smem:$0x3FB1] =	sst s0;
	s0 =	simm.s32 @!p1 $0x0  }
0x14: {  	s2 =	sld [smem:$0x3F95];
	s0 =	simm.s32 @p1 $0x1  }
0x15: {  	[smem:$0x3FB2] =	sst s0;
	s0 =	simm.s32 @!p2 $0x0  }
0x16: {  	s3 =	sld [smem:$0x3FDB];
	s0 =	simm.s32 @p2 $0x1  }
0x17: {  	s4 =	simm.s32 $0x1BF5;
	[smem:$0x3FB4] =	sst s0  }
0x18: {  	s0 =	sld [smem:$0x3F97];
	_ =	swait.ge [sflag:s4], $0x0  }
0x19: {  	s7 =	sld [smem:$0x3F98]  }
0x1a: {  	s8 =	sadd.s32 $0xFFFFE003, lr  }
0x1b: {  	s9 =	sadd.s32 $0xFFFFFEF7, lr;
	s5 =	simm.s32 $0xFFFFFFFF;
	p2 =	slt.u32 s8, $0xFFFFF086  }
0x1c: {  	p1 =	slt.u32 s9, $0xF7A;
	s5 =	simm.s32 @!p2 $0x0  }
0x1d: {  	s5 =	simm.s32 @p1 $0x1;
	p0 =	seq.s32 s7, s2  }
0x1e: {  	s7 =	smul.u32 @!p0 $0xF7A, s2;
	p2 =	seq.s32 @!p0 s5, $0x0  }
0x1f: {  	s9 =	smul.u32 $0xF7A, s1;
	s8 =	simm.s32 @!p0 $0x1BF5;
	p2 =	por !p2, p0  }
0x20: {  	[sflag:s8] =	ssyncset.s32 @!p0 $0xFFFFF086;
	s6 =	sadd.s32 @!p0 s3, s7;
	s7 =	simm.s32 @!p0 $0x108  }
0x21: {  	s3 =	sadd.s32 s3, s9;
	s6 =	sadd.s32 @!p0 $0x88, s6;
	s7 =	simm.s32 @p2 $0x1082  }
0x22: {  	[simem:s7], [sflag:s8] =	dma.local @!p0 [hbm:s6], $0xF7A  }
0x23: {  	s9 =	sor.u32 $0xD0000000, s2;
	s6 =	simm.s32 $0x108;
	_ =	swait.ge @!p0 [sflag:s8], $0x0  }
0x24: {  	s3 =	sadd.s32 $0x88, s3;
	s6 =	simm.s32 @!p1 $0x1082;
	[sflag:s4] =	ssyncset.s32 $0xFFFFF086  }
0x25: {  	[simem:s6], [sflag:s4] =	dma.local [hbm:s3], $0xF7A  }
0x26: {  	[smem:$0x3F98] =	sst s1;
	(tag) =	ssettag s2;
	_ =	strace s9  }
0x27: {  	s1 =	sld [smem:$0x3FA8]  }
0x28: {  	s2 =	sld [smem:$0x3FA9]  }
0x29: {  	s4 =	sld [smem:$0x3FAB]  }
0x2a: {  	p0 =	seq.s32 s5, $0x0;
	s5 =	sld [smem:$0x3FAC]  }
0x2b: {  	s6 =	sld [smem:$0x3FAD]  }
0x2c: {  	s7 =	sld [smem:$0x3FAE]  }
0x2d: {  	s3 =	simm.s32 $0x108;
	s8 =	sld [smem:$0x3FAF]  }
0x2e: {  	s3 =	simm.s32 @!p0 $0x1082;
	s9 =	sld [smem:$0x3FB0]  }
0x2f: {  	lr =	sadd.s32 s0, s3;
	s0 =	sld [smem:$0x3FA7]  }
0x30: {  	s3 =	sld [smem:$0x3FAA]  }
0x31: {  	[smem:$0x3FB3] =	sst s10  }
0x32: {  	s10 =	sld [smem:$0x3FB1];
	_ =	sdelay $0x3  }
0x33: {  	p0 =	seq.s32 s10, $0x1;
	s10 =	sld [smem:$0x3FB3];
	_ =	sdelay $0x3  }
0x34: {  	[smem:$0x3FB3] =	sst s10  }
0x35: {  	s10 =	sld [smem:$0x3FB2];
	_ =	sdelay $0x3  }
0x36: {  	p1 =	seq.s32 s10, $0x1;
	s10 =	sld [smem:$0x3FB3];
	_ =	sdelay $0x3  }
0x37: {  	[smem:$0x3FB3] =	sst s10  }
0x38: {  	s10 =	sld [smem:$0x3FB4]  }
0x39: {  	_ = 	snop;
	(pc) =	sbr.ind lr, $3  }
0x3a: {  	_ = 	snop  }
0x3b: {  	_ = 	snop  }
0x3c: {  	p2 =	seq.s32 s10, $0x1;
	s10 =	sld [smem:$0x3FB3]  }
0x3d: {  	_ =	shalt  }
0x3e: {  	_ =	shalt  }
0x3f: {  	_ =	shalt  }
0x40: {  	_ =	shalt  }
0x41: {  	_ =	shalt  }
0x42: {  	_ =	shalt  }
0x43: {  	_ =	shalt  }
0x44: {  	_ =	shalt  }
0x45: {  	_ =	shalt  }
0x46: {  	_ =	shalt  }
0x47: {  	_ =	shalt  }
0x48: {  	_ =	shalt  }
0x49: {  	_ =	shalt  }
0x4a: {  	_ =	shalt  }
0x4b: {  	_ =	shalt  }
0x4c: {  	_ =	shalt  }
0x4d: {  	_ =	shalt  }
0x4e: {  	_ =	shalt  }
0x4f: {  	_ =	shalt  }
0x50: {  	_ =	shalt  }
0x51: {  	_ =	shalt  }
0x52: {  	_ =	shalt  }
0x53: {  	_ =	shalt  }
0x54: {  	_ =	shalt  }
0x55: {  	_ =	shalt  }
0x56: {  	_ =	shalt  }
0x57: {  	_ =	shalt  }
0x58: {  	_ =	shalt  }
0x59: {  	_ =	shalt  }
0x5a: {  	_ =	shalt  }
0x5b: {  	_ =	shalt  }
0x5c: {  	_ =	shalt  }
0x5d: {  	_ =	shalt  }
0x5e: {  	_ =	shalt  }
0x5f: {  	_ =	shalt  }
0x60: {  	_ =	shalt  }
0x61: {  	_ =	shalt  }
0x62: {  	_ =	shalt  }
0x63: {  	_ =	shalt  }
0x64: {  	_ =	shalt  }
0x65: {  	_ =	shalt  }
0x66: {  	_ =	shalt  }
0x67: {  	_ =	shalt  }
0x68: {  	_ =	shalt  }
0x69: {  	_ =	shalt  }
0x6a: {  	_ =	shalt  }
0x6b: {  	_ =	shalt  }
0x6c: {  	_ =	shalt  }
0x6d: {  	_ =	shalt  }
0x6e: {  	_ =	shalt  }
0x6f: {  	_ =	shalt  }
0x70: {  	_ =	shalt  }
0x71: {  	_ =	shalt  }
0x72: {  	_ =	shalt  }
0x73: {  	_ =	shalt  }
0x74: {  	_ =	shalt  }
0x75: {  	_ =	shalt  }
0x76: {  	_ =	shalt  }
0x77: {  	_ =	shalt  }
0x78: {  	_ =	shalt  }
0x79: {  	_ =	shalt  }
0x7a: {  	_ =	shalt  }
0x7b: {  	_ =	shalt  }
0x7c: {  	_ =	shalt  }
0x7d: {  	_ =	shalt  }
0x7e: {  	_ =	shalt  }
0x7f: {  	_ =	shalt  }
0x80: {  	_ =	shalt  }
0x81: {  	_ =	shalt  }
0x82: {  	_ =	shalt  }
0x83: {  	_ =	shalt  }
0x84: {  	_ =	shalt  }
0x85: {  	_ =	shalt  }
0x86: {  	_ =	shalt  }
0x87: {  	_ =	shalt  }
.Lfunc_end0:
.L_simem_size_0:
called_computation.2_lowered:
.L_overlay_start_0:
0x88: {  	s2 =	sld [smem:$0x3FD9]  }
0x89: {  	s3 =	sld [smem:$0x3FFE];
	_ =	sdelay $0x1  }
0x8a: {  	s1 =	srdreg.scid  }
0x8b: {  	s0 =	sand.u32 $0x1, s1  }
0x8c: {  	s16 =	sshll.u32 s0, $0xA;
	s2 =	sadd.s32 s3, s2  }
0x8d: {  	s2 =	sadd.s32 s2, s16  }
0x8e: {  	[smem:$0x3FBF] =	sst s2  }
0x8f: {  	_ = 	snop  }
0x90: {  	(tm) =	ssettm $0x1  }
0x91: {  	s17 =	sld [smem:$0x3FFB];
	_ =	sdelay $0x3  }
0x92: {  	_ =	strace s17  }
0x93: {  	s2 =	sld [smem:$0x3FFC];
	_ =	sdelay $0x3  }
0x94: {  	_ =	strace s2  }
0x95: {  	s2 =	sld [smem:$0x3FFD];
	_ =	sdelay $0x3  }
0x96: {  	_ =	strace s2  }
0x97: {  	_ =	strace $0x8FFFFFFF  }
0x98: {  	s18 =	sld [smem:$0x3FDB];
	_ =	sdelay $0x1  }
0x99: {  	s19 =	simm.s32 $_scs_section_size  }
0x9a: {  	s4 =	simm.s32 $_size__tile_overlayer_lowered;
	s5 =	simm.s32 $_tile_overlayer_lowered  }
0x9b: {  	s22 =	simm.s32 $0x1BFF;
	s21 =	sshll.u32 s5, $0x1;
	s2 =	sadd.s32 s19, s18  }
0x9c: {  	s6 =	simm.s32 $0x0;
	s20 =	sshll.u32 s4, $0x1;
	s4 =	sadd.s32 s21, s2  }
0x9d: {  	[timem:s6], [sflag:s22] =	dma.local [hbm:s4], s20  }
0x9e: {  	_ =	swait.ge [sflag:s22], s20  }
0x9f: {  	s3 =	ssub.s32 $0x0, s20;
	[sflag:s22] =	ssyncset.done $0x0  }
0xa0: {  	[sflag:s22] =	ssyncadd.s32 s3;
	_ =	sdelay $0x1  }
0xa1: {  	s23 =	simm.s32 $0x1B8B  }
0xa2: {  	_ =	swait.ge [sflag:s23], $0x1  }
0xa3: {  	[sflag:s23] =	ssyncset.done $0x0  }
0xa4: {  	s25 =	simm.s32 $0x1B8E;
	s24 =	sld [smem:$0x3FFE];
	[sflag:s23] =	ssyncadd.s32 $0xFFFFFFFF  }
0xa5: {  	s26 =	simm.s32 $execute0_lowered;
	[smem:$0x3FD2] =	sst s25  }
0xa6: {  	s4 =	sshll.u32 s26, $0x1;
	_ =	strace $0x8000004C;
	[dreg:$0x1] =	wrdreg $0xFFFFFFFF  }
0xa7: {  	s28 =	simm.s32 $_size_execute0_lowered;
	s2 =	sadd.s32 s2, s4;
	[dreg:$0x0] =	wrdreg $0x0  }
0xa8: {  	s4 =	sshll.u32 s28, $0x1;
	[dreg:$0x2] =	wrdreg s2  }
0xa9: {  	[dreg:$0x3] =	wrdreg s4  }
0xaa: {  	[dreg:$0x4] =	wrdreg $0xC0  }
0xab: {  	_ =	task [dreg:s6], $0x5FFFF  }
0xac: {  	[dreg:$0x1] =	wrdreg $0xFFFFFFFF  }
0xad: {  	[dreg:$0x0] =	wrdreg $0x60  }
0xae: {  	[dreg:$0x2] =	wrdreg s24  }
0xaf: {  	[dreg:$0x3] =	wrdreg $0x116200  }
0xb0: {  	[dreg:$0x4] =	wrdreg $0x9  }
0xb1: {  	_ =	task.clear_ibuf [dreg:s6], $0x5FFFF;
	_ =	strace $0x9000004C  }
0xb2: {  	s29 =	simm.s32 $0x9;
	_ =	strace $0x8000004E  }
0xb3: {  	_ =	swait.ge [sflag:s29], $0x1  }
0xb4: {  	[sflag:s29] =	ssyncadd.s32 $0xFFFFFFFF  }
0xb5: {  	_ =	strace $0x9000004E  }
0xb6: {  	_ =	sfence  }
0xb7: {  	s30 =	sld [smem:$0x0];
	_ =	sdelay $0x2  }
0xb8: {  	s31 =	sshll.u32 s1, $0xD;
	s1 =	sshrl.u32 s1, $0x2  }
0xb9: {  	s3 =	sand.u32 $0x4000, s31;
	s1 =	sadd.s32 s1, s30  }
0xba: {  	s0 =	sor.u32 s3, s0;
	s1 =	sshll.u32 s1, $0x11  }
0xbb: {  	s0 =	sor.u32 s1, s0  }
0xbc: {  	s0 =	sadd.s32 $0x8F2B, s0  }
0xbd: {  	[sflag:s0] =	ssyncadd.remote.s32 $0x1  }
0xbe: {  	_ =	sfence.sel $0xFFFF  }
0xbf: {  	[dreg:$0x0] =	wrdreg $0xFFFFFFFF;
	(pc) =	sbr.abs _section_cstart, $3  }
0xc0: {  	[dreg:$0x1] =	wrdreg $0xFFFFFFFF  }
0xc1: {  	_ =	task.clear_ibuf [dreg:s6], $0x2FFFF;
	_ =	strace $0x9FFFFFFF  }
0xc2: {  	(tm) =	ssettm $0x7FFFFFFF  }
0xc3: {  	_ =	shalt  }
tec
execute0_lowered:
.L_overlay_start_1:
0x0: {  	(tag) =	ssettag $0x1  }
0x1: {  	s0 =	srdreg.scid;
	s5 =	rddreg [dreg:$0x0]  }
0x2: {  	s11 =	stileid.u32;
	s2 =	rddreg [dreg:$0x1]  }
0x3: {  	s3 =	simm.s32 $0x0;
	s13 =	simm.s32 $0x50;
	s14 =	simm.s32 $0x4E20  }
0x4: {  	s15 =	simm.s32 $0x6220;
	s17 =	simm.s32 $0x7620;
	s19 =	simm.s32 $0x8A20  }
0x5: {  	s21 =	simm.s32 $0x9E20;
	s22 =	simm.s32 $0x2;
	s23 =	simm.s32 $0x3  }
0x6: {  	s25 =	simm.s32 $0x4CE0;
	s26 =	simm.s32 $0x4D30;
	s28 =	simm.s32 $0x4D80  }
0x7: {  	s29 =	simm.s32 $0x4DD0;
	s30 =	simm.s32 $0x0;
	s0 =	sand.u32 $0x1, s0  }
0x8: {  	s7 =	smul.u32 $0xFA00, s11;
	[smem:$0x7FF] =	sst s3;
	s4 =	sadd.s32 $0x15800, s5  }
0x9: {  	p0 =	sgt.u32 s11, $0x9;
	s1 =	sshll.u32 s0, $0x4;
	s6 =	smul.u32 $0x9C400, s0  }
0xa: {  	_ =	strace $0x8000004D;
	s0 =	ssub.s32 $0x2, s0;
	s1 =	sor.u32 s11, s1  }
0xb: {  	s8 =	sshrl.u32 s7, $0x3;
	s1 =	smul.u32 $0x4E2, s1;
	s6 =	sadd.s32 s7, s6  }
0xc: {  	s9 =	sshrl.u32 s0, $0x1;
	s8 =	sadd.s32 s8, s5;
	s6 =	sshrl.u32 s6, $0x3  }
0xd: {  	s0 =	ssub.s32 s0, s9;
	s1 =	sadd.s32 s1, s5;
	s10 =	sadd.s32 s6, s5  }
0xe: {  	s5 =	sadd.s32 $0x1C00, s1;
	s6 =	sadd.s32 $0xBA00, s1;
	s1 =	sadd.s32 s7, s2  }
0xf: {  	s7 =	sadd.s32 $0x29200, s8;
	s8 =	sadd.s32 $0x3CC00, s10;
	s10 =	sshll.u32 @!p0 s11, $0x6  }
0x10: {  	s9 =	smax.u32 s0, $0x1;
	s11 =	sor.u32 @!p0 $0x1C03, s10;
	s12 =	sshrl.u32 @!p0 s1, $0x3  }
.LBB2_1:
0x11: {  	[tilespmem:s3], [sflag:$0x1] =	stream.linear.gather [hbm4b:s5+s3], $0x2710, $0x38;
	[tilespmem:$0x1B260] =	vst v63  }
0x12: {  	s0 =	simm.s32 $0x2710  }
0x13: {  	[tilespmem:s0], [sflag:$0x1] =	stream.linear.gather [hbm4b:s6+s3], $0x2710, $0x38;
	[tilespmem:$0x1B260] =	vst v63  }
0x14: {  	s0 =	simm.s32 @!p0 $0x3  }
0x15: {  	[spmem:s12], [sflag:s11] =	dma.local @!p0 [hbm:s7], $0x1F40  }
0x16: {  	_ =	swait.ge @!p0 [sflag:s0], $0x1F40  }
0x17: {  	[sflag:s0] =	ssyncset.done @!p0 $0x0  }
0x18: {  	s20 =	simm.s32 $0x1;
	[sflag:s0] =	ssyncadd.s32 @!p0 $0xFFFFE0C0  }
0x19: {  	_ =	swait.ge [sflag:s20], $0x2710  }
0x1a: {  	[sflag:s20] =	ssyncset.done $0x0  }
0x1b: {  	[sflag:s20] =	ssyncadd.s32 $0xFFFFD8F0  }
0x1c: {  	[tilespmem:s14], [sflag:$0x2] =	stream.indirect.gather [hbm4b:s4+s13], $0x40, s3, s13, $0xb8;
	[tilespmem:$0x1B260] =	vst v63  }
0x1d: {  	_ = 	snop  }
0x1e: {  	[tilespmem:s15], [sflag:$0x2] =	stream.indirect.gather [hbm4b:s4+s13], $0x40, s13, s13, $0xb8;
	[tilespmem:$0x1B260] =	vst v63  }
0x1f: {  	s1 =	simm.s32 $0xA0  }
0x20: {  	[tilespmem:s17], [sflag:$0x2] =	stream.indirect.gather [hbm4b:s4+s13], $0x40, s1, s13, $0xb8;
	[tilespmem:$0x1B260] =	vst v63  }
0x21: {  	s24 =	simm.s32 $0xF0  }
0x22: {  	[tilespmem:s19], [sflag:$0x2] =	stream.indirect.gather [hbm4b:s4+s13], $0x40, s24, s13, $0xb8;
	[tilespmem:$0x1B260] =	vst v63  }
0x23: {  	s10 =	simm.s32 $0x140  }
0x24: {  	[tilespmem:s21], [sflag:$0x2] =	stream.indirect.gather [hbm4b:s4+s13], $0x40, s10, s13, $0xb8;
	[tilespmem:$0x1B260] =	vst v63  }
0x25: {  	s16 =	sand.u32 $0x1, s20;
	_ =	swait.ge [sflag:s20], $0x2710  }
0x26: {  	p1 =	seq.s32 s16, $0x1;
	s1 =	simm.s32 $0x6400;
	[sflag:s20] =	ssyncset.done $0x0  }
0x27: {  	s1 =	simm.s32 @!p1 $0x0;
	[sflag:s20] =	ssyncadd.s32 $0xFFFFD8F0  }
0x28: {  	s18 =	sadd.s32 $0x4E20, s1;
	s10 =	simm.s32 $0x190;
	[bflag:$0x0] =	sbarrier.arrive $0xFFFF  }
0x29: {  	[tilespmem:s18], [sflag:$0x2] =	stream.indirect.gather [hbm4b:s4+s13], $0x40, s10, s13, $0xb8;
	[tilespmem:$0x1B260] =	vst v63  }
0x2a: {  	s24 =	simm.s32 $0x1E0;
	s20 =	sadd.s32 $0x6220, s1  }
0x2b: {  	[tilespmem:s20], [sflag:$0x2] =	stream.indirect.gather [hbm4b:s4+s13], $0x40, s24, s13, $0xb8;
	[tilespmem:$0x1B260] =	vst v63  }
0x2c: {  	s16 =	sadd.s32 $0x7620, s1;
	s18 =	simm.s32 $0x230  }
0x2d: {  	[tilespmem:s16], [sflag:$0x2] =	stream.indirect.gather [hbm4b:s4+s13], $0x40, s18, s13, $0xb8;
	[tilespmem:$0x1B260] =	vst v63  }
0x2e: {  	s20 =	sor.u32 $0x8A20, s1;
	s24 =	simm.s32 $0x280  }
0x2f: {  	[tilespmem:s20], [sflag:$0x2] =	stream.indirect.gather [hbm4b:s4+s13], $0x40, s24, s13, $0xb8;
	[tilespmem:$0x1B260] =	vst v63  }
0x30: {  	s10 =	simm.s32 $0x2D0;
	s1 =	sadd.s32 $0x9E20, s1  }
0x31: {  	[tilespmem:s1], [sflag:$0x2] =	stream.indirect.gather [hbm4b:s4+s13], $0x40, s10, s13, $0xb8;
	[tilespmem:$0x1B260] =	vst v63  }
0x32: {  	s0 =	simm.s32 $0x0;
	_ =	swait.ge [sflag:s22], $0x1400  }
0x33: {  	s0 =	simm.s32 @!p1 $0x6400;
	[sflag:s22] =	ssyncset.done $0x0  }
0x34: {  	s16 =	sadd.s32 $0x4E20, s0;
	s18 =	simm.s32 $0x2710;
	[sflag:s22] =	ssyncadd.s32 $0xFFFFEC00  }
0x35: {  	[spmem:s2] =	stream.indirect.scatter.add.f32 [tilespmem:s16], [sflag:$0x3], $0x40, s18, s13, $0xb8;
	[tilespmem:$0x1B260] =	vst v63  }
0x36: {  	_ =	swait.ge [sflag:s23], $0x1400  }
0x37: {  	[sflag:s23] =	ssyncset.done $0x0  }
0x38: {  	[sflag:s23] =	ssyncadd.s32 $0xFFFFEC00  }
0x39: {  	_ =	swait.ge [sflag:s22], $0x1400  }
0x3a: {  	[sflag:s22] =	ssyncset.done $0x0  }
0x3b: {  	s20 =	sadd.s32 $0x6220, s0;
	s24 =	simm.s32 $0x2760;
	[sflag:s22] =	ssyncadd.s32 $0xFFFFEC00  }
0x3c: {  	[spmem:s2] =	stream.indirect.scatter.add.f32 [tilespmem:s20], [sflag:$0x3], $0x40, s24, s13, $0xb8;
	[tilespmem:$0x1B260] =	vst v63  }
0x3d: {  	_ =	swait.ge [sflag:s23], $0x1400  }
0x3e: {  	[sflag:s23] =	ssyncset.done $0x0  }
0x3f: {  	[sflag:s23] =	ssyncadd.s32 $0xFFFFEC00  }
0x40: {  	_ =	swait.ge [sflag:s22], $0x1400  }
0x41: {  	[sflag:s22] =	ssyncset.done $0x0  }
0x42: {  	s16 =	sadd.s32 $0x7620, s0;
	s18 =	simm.s32 $0x27B0;
	[sflag:s22] =	ssyncadd.s32 $0xFFFFEC00  }
0x43: {  	[spmem:s2] =	stream.indirect.scatter.add.f32 [tilespmem:s16], [sflag:$0x3], $0x40, s18, s13, $0xb8;
	[tilespmem:$0x1B260] =	vst v63  }
0x44: {  	_ =	swait.ge [sflag:s23], $0x1400  }
0x45: {  	[sflag:s23] =	ssyncset.done $0x0  }
0x46: {  	[sflag:s23] =	ssyncadd.s32 $0xFFFFEC00  }
0x47: {  	_ =	swait.ge [sflag:s22], $0x1400  }
0x48: {  	[sflag:s22] =	ssyncset.done $0x0  }
0x49: {  	s20 =	sor.u32 $0x8A20, s0;
	s24 =	simm.s32 $0x2800;
	[sflag:s22] =	ssyncadd.s32 $0xFFFFEC00  }
0x4a: {  	[spmem:s2] =	stream.indirect.scatter.add.f32 [tilespmem:s20], [sflag:$0x3], $0x40, s24, s13, $0xb8;
	[tilespmem:$0x1B260] =	vst v63  }
0x4b: {  	_ =	swait.ge [sflag:s23], $0x1400  }
0x4c: {  	[sflag:s23] =	ssyncset.done $0x0  }
0x4d: {  	[sflag:s23] =	ssyncadd.s32 $0xFFFFEC00  }
0x4e: {  	s31 =	simm.s32 $0x190;
	_ =	swait.ge [sflag:s22], $0x1400  }
0x4f: {  	s1 =	simm.s32 $0x2;
	s0 =	sadd.s32 $0x9E20, s0;
	[sflag:s22] =	ssyncset.done $0x0  }
0x50: {  	s16 =	simm.s32 $0x2850;
	s18 =	sand.u32 $0x1, s1;
	[sflag:s22] =	ssyncadd.s32 $0xFFFFEC00  }
0x51: {  	[spmem:s2] =	stream.indirect.scatter.add.f32 [tilespmem:s0], [sflag:$0x3], $0x40, s16, s13, $0xb8;
	[tilespmem:$0x1B260] =	vst v63  }
0x52: {  	p2 =	seq.s32 s18, $0x1;
	s16 =	simm.s32 $0x6400;
	_ =	swait.ge [sflag:s23], $0x1400  }
0x53: {  	s10 =	simm.s32 $0xC80;
	s16 =	simm.s32 @!p2 $0x0;
	[sflag:s23] =	ssyncset.done $0x0  }
.LBB2_2:
0x54: {  	s18 =	sadd.s32 $0x4E20, s16  }
0x55: {  	s20 =	sadd.s32 $0x190, s31;
	[sflag:s23] =	ssyncadd.s32 $0xFFFFEC00;
	s0 =	smov.u32 s10  }
0x56: {  	[tilespmem:s18], [sflag:$0x2] =	stream.indirect.gather [hbm4b:s4+s13], $0x40, s20, s13, $0xb8;
	[tilespmem:$0x1B260] =	vst v63  }
0x57: {  	s24 =	sadd.s32 $0x1E0, s31;
	s18 =	sadd.s32 $0x640, s10;
	s20 =	sadd.s32 $0x6220, s16  }
0x58: {  	[tilespmem:s20], [sflag:$0x2] =	stream.indirect.gather [hbm4b:s4+s13], $0x40, s24, s13, $0xb8;
	[tilespmem:$0x1B260] =	vst v63  }
0x59: {  	p1 =	sne.s32 s10, $0x8FC0;
	s10 =	sadd.s32 $0x7620, s16;
	s20 =	sadd.s32 $0x230, s31  }
0x5a: {  	[tilespmem:s10], [sflag:$0x2] =	stream.indirect.gather [hbm4b:s4+s13], $0x40, s20, s13, $0xb8;
	[tilespmem:$0x1B260] =	vst v63  }
0x5b: {  	s10 =	sor.u32 $0x8A20, s16;
	s20 =	sadd.s32 $0x280, s31  }
0x5c: {  	[tilespmem:s10], [sflag:$0x2] =	stream.indirect.gather [hbm4b:s4+s13], $0x40, s20, s13, $0xb8;
	[tilespmem:$0x1B260] =	vst v63  }
0x5d: {  	s10 =	sadd.s32 $0x9E20, s16;
	s16 =	sadd.s32 $0x2D0, s31  }
0x5e: {  	[tilespmem:s10], [sflag:$0x2] =	stream.indirect.gather [hbm4b:s4+s13], $0x40, s16, s13, $0xb8;
	[tilespmem:$0x1B260] =	vst v63  }
0x5f: {  	s16 =	simm.s32 $0x0;
	_ =	swait.ge [sflag:s22], $0x1400  }
0x60: {  	s16 =	simm.s32 @!p2 $0x6400;
	[sflag:s22] =	ssyncset.done $0x0  }
0x61: {  	s20 =	sadd.s32 $0x2710, s31;
	s10 =	sadd.s32 $0x4E20, s16;
	[sflag:s22] =	ssyncadd.s32 $0xFFFFEC00  }
0x62: {  	[spmem:s2] =	stream.indirect.scatter.add.f32 [tilespmem:s10], [sflag:$0x3], $0x40, s20, s13, $0xb8;
	[tilespmem:$0x1B260] =	vst v63  }
0x63: {  	_ =	swait.ge [sflag:s23], $0x1400  }
0x64: {  	[sflag:s23] =	ssyncset.done $0x0  }
0x65: {  	[sflag:s23] =	ssyncadd.s32 $0xFFFFEC00  }
0x66: {  	_ =	swait.ge [sflag:s22], $0x1400  }
0x67: {  	[sflag:s22] =	ssyncset.done $0x0  }
0x68: {  	s10 =	sadd.s32 $0x6220, s16;
	s20 =	sadd.s32 $0x2760, s31;
	[sflag:s22] =	ssyncadd.s32 $0xFFFFEC00  }
0x69: {  	[spmem:s2] =	stream.indirect.scatter.add.f32 [tilespmem:s10], [sflag:$0x3], $0x40, s20, s13, $0xb8;
	[tilespmem:$0x1B260] =	vst v63  }
0x6a: {  	_ =	swait.ge [sflag:s23], $0x1400  }
0x6b: {  	[sflag:s23] =	ssyncset.done $0x0  }
0x6c: {  	[sflag:s23] =	ssyncadd.s32 $0xFFFFEC00  }
0x6d: {  	_ =	swait.ge [sflag:s22], $0x1400  }
0x6e: {  	[sflag:s22] =	ssyncset.done $0x0  }
0x6f: {  	s10 =	sadd.s32 $0x7620, s16;
	s20 =	sadd.s32 $0x27B0, s31;
	[sflag:s22] =	ssyncadd.s32 $0xFFFFEC00  }
0x70: {  	[spmem:s2] =	stream.indirect.scatter.add.f32 [tilespmem:s10], [sflag:$0x3], $0x40, s20, s13, $0xb8;
	[tilespmem:$0x1B260] =	vst v63  }
0x71: {  	_ =	swait.ge [sflag:s23], $0x1400  }
0x72: {  	[sflag:s23] =	ssyncset.done $0x0  }
0x73: {  	[sflag:s23] =	ssyncadd.s32 $0xFFFFEC00  }
0x74: {  	_ =	swait.ge [sflag:s22], $0x1400  }
0x75: {  	[sflag:s22] =	ssyncset.done $0x0  }
0x76: {  	s10 =	sor.u32 $0x8A20, s16;
	s20 =	sadd.s32 $0x2800, s31;
	[sflag:s22] =	ssyncadd.s32 $0xFFFFEC00  }
0x77: {  	[spmem:s2] =	stream.indirect.scatter.add.f32 [tilespmem:s10], [sflag:$0x3], $0x40, s20, s13, $0xb8;
	[tilespmem:$0x1B260] =	vst v63  }
0x78: {  	_ =	swait.ge [sflag:s23], $0x1400  }
0x79: {  	[sflag:s23] =	ssyncset.done $0x0  }
0x7a: {  	[sflag:s23] =	ssyncadd.s32 $0xFFFFEC00  }
0x7b: {  	s1 =	sadd.s32 $0x1, s1;
	s16 =	sadd.s32 $0x9E20, s16;
	_ =	swait.ge [sflag:s22], $0x1400  }
.Ltmp0:
0x7c: {  	s10 =	sadd.s32 $0x2850, s31;
	[sflag:s22] =	ssyncset.done $0x0;
	(pc) =	sbr.rel @p1 .LBB2_2-.Ltmp0, $4  }
0x7d: {  	s20 =	sand.u32 $0x1, s1;
	s31 =	sshra.s32 s0, $0x2;
	[sflag:s22] =	ssyncadd.s32 $0xFFFFEC00  }
0x7e: {  	[spmem:s2] =	stream.indirect.scatter.add.f32 [tilespmem:s16], [sflag:$0x3], $0x40, s10, s13, $0xb8;
	[tilespmem:$0x1B260] =	vst v63  }
0x7f: {  	p2 =	seq.s32 s20, $0x1;
	s16 =	simm.s32 $0x6400;
	_ =	swait.ge [sflag:s23], $0x1400  }
0x80: {  	s10 =	smov.u32 s18;
	s16 =	simm.s32 @!p2 $0x0;
	[sflag:s23] =	ssyncset.done $0x0  }
0x81: {  	s0 =	sadd.s32 $0x4E20, s16;
	s1 =	sadd.s32 $0x190, s31;
	[sflag:s23] =	ssyncadd.s32 $0xFFFFEC00  }
0x82: {  	[tilespmem:s0], [sflag:$0x2] =	stream.indirect.gather [hbm4b:s4+s13], $0x40, s1, s13, $0xb8;
	[tilespmem:$0x1B260] =	vst v63  }
0x83: {  	s20 =	sadd.s32 $0x6220, s16;
	s24 =	sadd.s32 $0x1E0, s31  }
0x84: {  	[tilespmem:s20], [sflag:$0x2] =	stream.indirect.gather [hbm4b:s4+s13], $0x40, s24, s13, $0xb8;
	[tilespmem:$0x1B260] =	vst v63  }
0x85: {  	s10 =	sadd.s32 $0x7620, s16;
	s18 =	sadd.s32 $0x230, s31  }
0x86: {  	[tilespmem:s10], [sflag:$0x2] =	stream.indirect.gather [hbm4b:s4+s13], $0x40, s18, s13, $0xb8;
	[tilespmem:$0x1B260] =	vst v63  }
0x87: {  	s20 =	sor.u32 $0x8A20, s16;
	s24 =	sadd.s32 $0x280, s31  }
0x88: {  	[tilespmem:s20], [sflag:$0x2] =	stream.indirect.gather [hbm4b:s4+s13], $0x40, s24, s13, $0xb8;
	[tilespmem:$0x1B260] =	vst v63  }
0x89: {  	s10 =	sadd.s32 $0x9E20, s16;
	s16 =	sadd.s32 $0x2D0, s31  }
0x8a: {  	[tilespmem:s10], [sflag:$0x2] =	stream.indirect.gather [hbm4b:s4+s13], $0x40, s16, s13, $0xb8;
	[tilespmem:$0x1B260] =	vst v63  }
0x8b: {  	s0 =	simm.s32 $0x0;
	_ =	swait.ge [sflag:s22], $0x1400  }
0x8c: {  	s0 =	simm.s32 @!p2 $0x6400;
	[sflag:s22] =	ssyncset.done $0x0  }
0x8d: {  	s18 =	sadd.s32 $0x4E20, s0;
	s10 =	sadd.s32 $0x2710, s31;
	[sflag:s22] =	ssyncadd.s32 $0xFFFFEC00  }
0x8e: {  	[spmem:s2] =	stream.indirect.scatter.add.f32 [tilespmem:s18], [sflag:$0x3], $0x40, s10, s13, $0xb8;
	[tilespmem:$0x1B260] =	vst v63  }
0x8f: {  	_ =	swait.ge [sflag:s23], $0x1400  }
0x90: {  	[sflag:s23] =	ssyncset.done $0x0  }
0x91: {  	[sflag:s23] =	ssyncadd.s32 $0xFFFFEC00  }
0x92: {  	_ =	swait.ge [sflag:s22], $0x1400  }
0x93: {  	[sflag:s22] =	ssyncset.done $0x0  }
0x94: {  	s20 =	sadd.s32 $0x6220, s0;
	s24 =	sadd.s32 $0x2760, s31;
	[sflag:s22] =	ssyncadd.s32 $0xFFFFEC00  }
0x95: {  	[spmem:s2] =	stream.indirect.scatter.add.f32 [tilespmem:s20], [sflag:$0x3], $0x40, s24, s13, $0xb8;
	[tilespmem:$0x1B260] =	vst v63  }
0x96: {  	_ =	swait.ge [sflag:s23], $0x1400  }
0x97: {  	[sflag:s23] =	ssyncset.done $0x0  }
0x98: {  	[sflag:s23] =	ssyncadd.s32 $0xFFFFEC00  }
0x99: {  	_ =	swait.ge [sflag:s22], $0x1400  }
0x9a: {  	[sflag:s22] =	ssyncset.done $0x0  }
0x9b: {  	s16 =	sadd.s32 $0x27B0, s31;
	s10 =	sadd.s32 $0x7620, s0;
	[sflag:s22] =	ssyncadd.s32 $0xFFFFEC00  }
0x9c: {  	[spmem:s2] =	stream.indirect.scatter.add.f32 [tilespmem:s10], [sflag:$0x3], $0x40, s16, s13, $0xb8;
	[tilespmem:$0x1B260] =	vst v63  }
0x9d: {  	_ =	swait.ge [sflag:s23], $0x1400  }
0x9e: {  	[sflag:s23] =	ssyncset.done $0x0  }
0x9f: {  	[sflag:s23] =	ssyncadd.s32 $0xFFFFEC00  }
0xa0: {  	_ =	swait.ge [sflag:s22], $0x1400  }
0xa1: {  	[sflag:s22] =	ssyncset.done $0x0  }
0xa2: {  	s18 =	sor.u32 $0x8A20, s0;
	s20 =	sadd.s32 $0x2800, s31;
	[sflag:s22] =	ssyncadd.s32 $0xFFFFEC00  }
0xa3: {  	[spmem:s2] =	stream.indirect.scatter.add.f32 [tilespmem:s18], [sflag:$0x3], $0x40, s20, s13, $0xb8;
	[tilespmem:$0x1B260] =	vst v63  }
0xa4: {  	_ =	swait.ge [sflag:s23], $0x1400  }
0xa5: {  	[sflag:s23] =	ssyncset.done $0x0  }
0xa6: {  	[sflag:s23] =	ssyncadd.s32 $0xFFFFEC00  }
0xa7: {  	_ =	swait.ge [sflag:s22], $0x1400  }
0xa8: {  	[sflag:s22] =	ssyncset.done $0x0  }
0xa9: {  	s0 =	sadd.s32 $0x9E20, s0;
	s24 =	sadd.s32 $0x2850, s31;
	[sflag:s22] =	ssyncadd.s32 $0xFFFFEC00  }
0xaa: {  	[spmem:s2] =	stream.indirect.scatter.add.f32 [tilespmem:s0], [sflag:$0x3], $0x40, s24, s13, $0xb8;
	[tilespmem:$0x1B260] =	vst v63  }
0xab: {  	_ =	swait.ge [sflag:s23], $0x1400  }
0xac: {  	[sflag:s23] =	ssyncset.done $0x0  }
0xad: {  	[sflag:s23] =	ssyncadd.s32 $0xFFFFEC00  }
0xae: {  	_ =	swait.ge [sflag:s22], $0x1400  }
0xaf: {  	[sflag:s22] =	ssyncset.done $0x0  }
0xb0: {  	s31 =	simm.s32 $0x4C90;
	[sflag:s22] =	ssyncadd.s32 $0xFFFFEC00  }
0xb1: {  	[spmem:s2] =	stream.indirect.scatter.add.f32 [tilespmem:s14], [sflag:$0x3], $0x40, s31, s13, $0xb8;
	[tilespmem:$0x1B260] =	vst v63  }
0xb2: {  	_ =	swait.ge [sflag:s23], $0x1400  }
0xb3: {  	[sflag:s23] =	ssyncset.done $0x0  }
0xb4: {  	[sflag:s23] =	ssyncadd.s32 $0xFFFFEC00  }
0xb5: {  	_ =	swait.ge [sflag:s22], $0x1400  }
0xb6: {  	[sflag:s22] =	ssyncset.done $0x0  }
0xb7: {  	[sflag:s22] =	ssyncadd.s32 $0xFFFFEC00  }
0xb8: {  	[spmem:s2] =	stream.indirect.scatter.add.f32 [tilespmem:s15], [sflag:$0x3], $0x40, s25, s13, $0xb8;
	[tilespmem:$0x1B260] =	vst v63  }
0xb9: {  	_ =	swait.ge [sflag:s23], $0x1400  }
0xba: {  	[sflag:s23] =	ssyncset.done $0x0  }
0xbb: {  	[sflag:s23] =	ssyncadd.s32 $0xFFFFEC00  }
0xbc: {  	_ =	swait.ge [sflag:s22], $0x1400  }
0xbd: {  	[sflag:s22] =	ssyncset.done $0x0  }
0xbe: {  	[sflag:s22] =	ssyncadd.s32 $0xFFFFEC00  }
0xbf: {  	[spmem:s2] =	stream.indirect.scatter.add.f32 [tilespmem:s17], [sflag:$0x3], $0x40, s26, s13, $0xb8;
	[tilespmem:$0x1B260] =	vst v63  }
0xc0: {  	_ =	swait.ge [sflag:s23], $0x1400  }
0xc1: {  	[sflag:s23] =	ssyncset.done $0x0  }
0xc2: {  	[sflag:s23] =	ssyncadd.s32 $0xFFFFEC00  }
0xc3: {  	_ =	swait.ge [sflag:s22], $0x1400  }
0xc4: {  	[sflag:s22] =	ssyncset.done $0x0  }
0xc5: {  	[sflag:s22] =	ssyncadd.s32 $0xFFFFEC00  }
0xc6: {  	[spmem:s2] =	stream.indirect.scatter.add.f32 [tilespmem:s19], [sflag:$0x3], $0x40, s28, s13, $0xb8;
	[tilespmem:$0x1B260] =	vst v63  }
0xc7: {  	_ =	swait.ge [sflag:s23], $0x1400  }
0xc8: {  	[sflag:s23] =	ssyncset.done $0x0  }
0xc9: {  	[sflag:s23] =	ssyncadd.s32 $0xFFFFEC00  }
0xca: {  	_ =	swait.ge [sflag:s22], $0x1400  }
0xcb: {  	[sflag:s22] =	ssyncset.done $0x0  }
0xcc: {  	[sflag:s22] =	ssyncadd.s32 $0xFFFFEC00  }
0xcd: {  	[spmem:s2] =	stream.indirect.scatter.add.f32 [tilespmem:s21], [sflag:$0x3], $0x40, s29, s13, $0xb8;
	[tilespmem:$0x1B260] =	vst v63  }
0xce: {  	_ =	swait.ge [sflag:s23], $0x1400  }
0xcf: {  	s30 =	sadd.s32 $0x1, s30;
	[sflag:s23] =	ssyncset.done $0x0  }
0xd0: {  	p1 =	sne.s32 s30, s9;
	[sflag:s23] =	ssyncadd.s32 $0xFFFFEC00  }
.Ltmp1:
0xd1: {  	s0 =	simm.s32 @!p0 $0x3;
	[bflag:$0x0] =	sbarrier.arrive $0xFFFF;
	(pc) =	sbr.rel @p1 .LBB2_1-.Ltmp1, $4  }
0xd2: {  	[hbm:s8], [sflag:s11] =	dma.local @!p0 [spmem:s12], $0x1F40  }
0xd3: {  	_ =	swait.ge @!p0 [sflag:s0], $0x1F40  }
0xd4: {  	[sflag:s0] =	ssyncset.done @!p0 $0x0  }
0xd5: {  	[sflag:s0] =	ssyncadd.s32 @!p0 $0xFFFFE0C0  }
0xd6: {  	_ =	sfence.sel $0x180000  }
0xd7: {  	[bflag:$0x0] =	sbarrier.arrive $0xFFFF  }
0xd8: {  	_ =	strace $0x9000004D  }
0xd9: {  	s0 =	stileid.u32;
	[bflag:$0x2] =	sbarrier.arrive $0xFFFF  }
0xda: {  	p0 =	sne.s32 s0, $0x0;
	s0 =	rddreg [dreg:$0x2]  }
0xdb: {  	s0 =	sadd.s32 @!p0 $0x100000, s0  }
0xdc: {  	[sflag:s0] =	ssyncadd.tile.s32 @!p0 $0x1;
	_ =	shalt  }
.Lfunc_end2:
_tile_overlayer_lowered:
.L_overlay_start_2:
0xdd: {  	(tag) =	ssettag $0x2  }
0xde: {  	s0 =	rddreg [dreg:$0x0];
	s2 =	stileid.u32  }
0xdf: {  	s1 =	rddreg [dreg:$0x1];
	p0 =	sne.s32 s2, $0x0  }
0xe0: {  	s3 =	rddreg [dreg:$0x2];
	[bflag:$0x3] =	sbarrier.arrive $0xFFFF;
	s2 =	simm.s32 @!p0 $0x1C03  }
0xe1: {  	[timem:s3], [sflag:s2] =	dma.local @!p0 [hbm:s0], s1  }
0xe2: {  	s0 =	simm.s32 @!p0 $0x3  }
0xe3: {  	_ =	swait.ge @!p0 [sflag:s0], s1  }
0xe4: {  	s1 =	ssub.s32 @!p0 $0x0, s1;
	[sflag:s0] =	ssyncset.done @!p0 $0x0  }
0xe5: {  	[sflag:s0] =	ssyncadd.s32 @!p0 s1  }
0xe6: {  	[bflag:$0x3] =	sbarrier.arrive $0xFFFF  }
0xe7: {  	_ =	shalt  }

// kernel: kernel.8.cloned.1.call-start
scs
__scs_entry_jumppad:
0x0: {  	(pc) =	sbr.rel $0x88, $3  }
0x1: {  	(tag) =	ssettag $0x0;
	lr =	simm.s32 $0x1  }
0x2: {  	[smem:$0x3F98] =	sst lr;
	_ =	strace $0xD0000000  }
0x3: {  	_ = 	snop  }
0x4: {  	_ = 	snop  }
0x5: {  	_ = 	snop  }
0x6: {  	_ = 	snop  }
0x7: {  	_ = 	snop  }
__scs_overlays_trampoline_lowered:
0x8: {  	[smem:$0x3FA7] =	sst s0  }
0x9: {  	[smem:$0x3FA8] =	sst s1  }
0xa: {  	[smem:$0x3FA9] =	sst s2  }
0xb: {  	[smem:$0x3FAA] =	sst s3  }
0xc: {  	[smem:$0x3FAB] =	sst s4  }
0xd: {  	[smem:$0x3FAC] =	sst s5  }
0xe: {  	[smem:$0x3FAD] =	sst s6  }
0xf: {  	[smem:$0x3FAE] =	sst s7  }
0x10: {  	[smem:$0x3FAF] =	sst s8  }
0x11: {  	[smem:$0x3FB0] =	sst s9;
	s0 =	simm.s32 @!p0 $0x0  }
0x12: {  	s1 =	sld [smem:$0x3F96];
	s0 =	simm.s32 @p0 $0x1  }
0x13: {  	[smem:$0x3FB1] =	sst s0;
	s0 =	simm.s32 @!p1 $0x0  }
0x14: {  	s2 =	sld [smem:$0x3F95];
	s0 =	simm.s32 @p1 $0x1  }
0x15: {  	[smem:$0x3FB2] =	sst s0;
	s0 =	simm.s32 @!p2 $0x0  }
0x16: {  	s3 =	sld [smem:$0x3FDB];
	s0 =	simm.s32 @p2 $0x1  }
0x17: {  	s4 =	simm.s32 $0x1BF5;
	[smem:$0x3FB4] =	sst s0  }
0x18: {  	s0 =	sld [smem:$0x3F97];
	_ =	swait.ge [sflag:s4], $0x0  }
0x19: {  	s7 =	sld [smem:$0x3F98]  }
0x1a: {  	s8 =	sadd.s32 $0xFFFFE003, lr  }
0x1b: {  	s9 =	sadd.s32 $0xFFFFFEF7, lr;
	s5 =	simm.s32 $0xFFFFFFFF;
	p2 =	slt.u32 s8, $0xFFFFF086  }
0x1c: {  	p1 =	slt.u32 s9, $0xF7A;
	s5 =	simm.s32 @!p2 $0x0  }
0x1d: {  	s5 =	simm.s32 @p1 $0x1;
	p0 =	seq.s32 s7, s2  }
0x1e: {  	s7 =	smul.u32 @!p0 $0xF7A, s2;
	p2 =	seq.s32 @!p0 s5, $0x0  }
0x1f: {  	s9 =	smul.u32 $0xF7A, s1;
	s8 =	simm.s32 @!p0 $0x1BF5;
	p2 =	por !p2, p0  }
0x20: {  	[sflag:s8] =	ssyncset.s32 @!p0 $0xFFFFF086;
	s6 =	sadd.s32 @!p0 s3, s7;
	s7 =	simm.s32 @!p0 $0x108  }
0x21: {  	s3 =	sadd.s32 s3, s9;
	s6 =	sadd.s32 @!p0 $0x88, s6;
	s7 =	simm.s32 @p2 $0x1082  }
0x22: {  	[simem:s7], [sflag:s8] =	dma.local @!p0 [hbm:s6], $0xF7A  }
0x23: {  	s9 =	sor.u32 $0xD0000000, s2;
	s6 =	simm.s32 $0x108;
	_ =	swait.ge @!p0 [sflag:s8], $0x0  }
0x24: {  	s3 =	sadd.s32 $0x88, s3;
	s6 =	simm.s32 @!p1 $0x1082;
	[sflag:s4] =	ssyncset.s32 $0xFFFFF086  }
0x25: {  	[simem:s6], [sflag:s4] =	dma.local [hbm:s3], $0xF7A  }
0x26: {  	[smem:$0x3F98] =	sst s1;
	(tag) =	ssettag s2;
	_ =	strace s9  }
0x27: {  	s1 =	sld [smem:$0x3FA8]  }
0x28: {  	s2 =	sld [smem:$0x3FA9]  }
0x29: {  	s4 =	sld [smem:$0x3FAB]  }
0x2a: {  	p0 =	seq.s32 s5, $0x0;
	s5 =	sld [smem:$0x3FAC]  }
0x2b: {  	s6 =	sld [smem:$0x3FAD]  }
0x2c: {  	s7 =	sld [smem:$0x3FAE]  }
0x2d: {  	s3 =	simm.s32 $0x108;
	s8 =	sld [smem:$0x3FAF]  }
0x2e: {  	s3 =	simm.s32 @!p0 $0x1082;
	s9 =	sld [smem:$0x3FB0]  }
0x2f: {  	lr =	sadd.s32 s0, s3;
	s0 =	sld [smem:$0x3FA7]  }
0x30: {  	s3 =	sld [smem:$0x3FAA]  }
0x31: {  	[smem:$0x3FB3] =	sst s10  }
0x32: {  	s10 =	sld [smem:$0x3FB1];
	_ =	sdelay $0x3  }
0x33: {  	p0 =	seq.s32 s10, $0x1;
	s10 =	sld [smem:$0x3FB3];
	_ =	sdelay $0x3  }
0x34: {  	[smem:$0x3FB3] =	sst s10  }
0x35: {  	s10 =	sld [smem:$0x3FB2];
	_ =	sdelay $0x3  }
0x36: {  	p1 =	seq.s32 s10, $0x1;
	s10 =	sld [smem:$0x3FB3];
	_ =	sdelay $0x3  }
0x37: {  	[smem:$0x3FB3] =	sst s10  }
0x38: {  	s10 =	sld [smem:$0x3FB4]  }
0x39: {  	_ = 	snop;
	(pc) =	sbr.ind lr, $3  }
0x3a: {  	_ = 	snop  }
0x3b: {  	_ = 	snop  }
0x3c: {  	p2 =	seq.s32 s10, $0x1;
	s10 =	sld [smem:$0x3FB3]  }
0x3d: {  	_ =	shalt  }
0x3e: {  	_ =	shalt  }
0x3f: {  	_ =	shalt  }
0x40: {  	_ =	shalt  }
0x41: {  	_ =	shalt  }
0x42: {  	_ =	shalt  }
0x43: {  	_ =	shalt  }
0x44: {  	_ =	shalt  }
0x45: {  	_ =	shalt  }
0x46: {  	_ =	shalt  }
0x47: {  	_ =	shalt  }
0x48: {  	_ =	shalt  }
0x49: {  	_ =	shalt  }
0x4a: {  	_ =	shalt  }
0x4b: {  	_ =	shalt  }
0x4c: {  	_ =	shalt  }
0x4d: {  	_ =	shalt  }
0x4e: {  	_ =	shalt  }
0x4f: {  	_ =	shalt  }
0x50: {  	_ =	shalt  }
0x51: {  	_ =	shalt  }
0x52: {  	_ =	shalt  }
0x53: {  	_ =	shalt  }
0x54: {  	_ =	shalt  }
0x55: {  	_ =	shalt  }
0x56: {  	_ =	shalt  }
0x57: {  	_ =	shalt  }
0x58: {  	_ =	shalt  }
0x59: {  	_ =	shalt  }
0x5a: {  	_ =	shalt  }
0x5b: {  	_ =	shalt  }
0x5c: {  	_ =	shalt  }
0x5d: {  	_ =	shalt  }
0x5e: {  	_ =	shalt  }
0x5f: {  	_ =	shalt  }
0x60: {  	_ =	shalt  }
0x61: {  	_ =	shalt  }
0x62: {  	_ =	shalt  }
0x63: {  	_ =	shalt  }
0x64: {  	_ =	shalt  }
0x65: {  	_ =	shalt  }
0x66: {  	_ =	shalt  }
0x67: {  	_ =	shalt  }
0x68: {  	_ =	shalt  }
0x69: {  	_ =	shalt  }
0x6a: {  	_ =	shalt  }
0x6b: {  	_ =	shalt  }
0x6c: {  	_ =	shalt  }
0x6d: {  	_ =	shalt  }
0x6e: {  	_ =	shalt  }
0x6f: {  	_ =	shalt  }
0x70: {  	_ =	shalt  }
0x71: {  	_ =	shalt  }
0x72: {  	_ =	shalt  }
0x73: {  	_ =	shalt  }
0x74: {  	_ =	shalt  }
0x75: {  	_ =	shalt  }
0x76: {  	_ =	shalt  }
0x77: {  	_ =	shalt  }
0x78: {  	_ =	shalt  }
0x79: {  	_ =	shalt  }
0x7a: {  	_ =	shalt  }
0x7b: {  	_ =	shalt  }
0x7c: {  	_ =	shalt  }
0x7d: {  	_ =	shalt  }
0x7e: {  	_ =	shalt  }
0x7f: {  	_ =	shalt  }
0x80: {  	_ =	shalt  }
0x81: {  	_ =	shalt  }
0x82: {  	_ =	shalt  }
0x83: {  	_ =	shalt  }
0x84: {  	_ =	shalt  }
0x85: {  	_ =	shalt  }
0x86: {  	_ =	shalt  }
0x87: {  	_ =	shalt  }
.Lfunc_end0:
.L_simem_size_0:
called_computation_lowered:
.L_overlay_start_0:
0x88: {  	s2 =	sld [smem:$0x3FD9]  }
0x89: {  	s3 =	sld [smem:$0x3FFE];
	_ =	sdelay $0x1  }
0x8a: {  	s1 =	srdreg.scid  }
0x8b: {  	s0 =	sand.u32 $0x1, s1  }
0x8c: {  	s16 =	sshll.u32 s0, $0xA;
	s2 =	sadd.s32 s3, s2  }
0x8d: {  	s2 =	sadd.s32 s2, s16  }
0x8e: {  	[smem:$0x3FBF] =	sst s2  }
0x8f: {  	_ = 	snop  }
0x90: {  	(tm) =	ssettm $0x1  }
0x91: {  	s17 =	sld [smem:$0x3FFB];
	_ =	sdelay $0x3  }
0x92: {  	_ =	strace s17  }
0x93: {  	s2 =	sld [smem:$0x3FFC];
	_ =	sdelay $0x3  }
0x94: {  	_ =	strace s2  }
0x95: {  	s2 =	sld [smem:$0x3FFD];
	_ =	sdelay $0x3  }
0x96: {  	_ =	strace s2  }
0x97: {  	_ =	strace $0x8FFFFFFF  }
0x98: {  	s18 =	sld [smem:$0x3FDB];
	_ =	sdelay $0x1  }
0x99: {  	s19 =	simm.s32 $_scs_section_size  }
0x9a: {  	s4 =	simm.s32 $_size__tile_overlayer_lowered;
	s5 =	simm.s32 $_tile_overlayer_lowered  }
0x9b: {  	s22 =	simm.s32 $0x1BFF;
	s21 =	sshll.u32 s5, $0x1;
	s2 =	sadd.s32 s19, s18  }
0x9c: {  	s6 =	simm.s32 $0x0;
	s20 =	sshll.u32 s4, $0x1;
	s4 =	sadd.s32 s21, s2  }
0x9d: {  	[timem:s6], [sflag:s22] =	dma.local [hbm:s4], s20  }
0x9e: {  	_ =	swait.ge [sflag:s22], s20  }
0x9f: {  	s3 =	ssub.s32 $0x0, s20;
	[sflag:s22] =	ssyncset.done $0x0  }
0xa0: {  	[sflag:s22] =	ssyncadd.s32 s3;
	_ =	sdelay $0x1  }
0xa1: {  	s23 =	simm.s32 $0x1B8B  }
0xa2: {  	_ =	swait.ge [sflag:s23], $0x1  }
0xa3: {  	[sflag:s23] =	ssyncset.done $0x0  }
0xa4: {  	s25 =	simm.s32 $0x1B8E;
	s24 =	sld [smem:$0x3FFE];
	[sflag:s23] =	ssyncadd.s32 $0xFFFFFFFF  }
0xa5: {  	s26 =	simm.s32 $execute0_lowered;
	[smem:$0x3FD2] =	sst s25  }
0xa6: {  	s4 =	sshll.u32 s26, $0x1;
	_ =	strace $0x80000046;
	[dreg:$0x1] =	wrdreg $0xFFFFFFFF  }
0xa7: {  	s28 =	simm.s32 $_size_execute0_lowered;
	s2 =	sadd.s32 s2, s4;
	[dreg:$0x0] =	wrdreg $0x0  }
0xa8: {  	s4 =	sshll.u32 s28, $0x1;
	[dreg:$0x2] =	wrdreg s2  }
0xa9: {  	[dreg:$0x3] =	wrdreg s4  }
0xaa: {  	[dreg:$0x4] =	wrdreg $0xC0  }
0xab: {  	_ =	task [dreg:s6], $0x5FFFF  }
0xac: {  	[dreg:$0x1] =	wrdreg $0xFFFFFFFF  }
0xad: {  	[dreg:$0x0] =	wrdreg $0x60  }
0xae: {  	[dreg:$0x2] =	wrdreg s24  }
0xaf: {  	[dreg:$0x3] =	wrdreg $0x27600  }
0xb0: {  	[dreg:$0x4] =	wrdreg $0x9  }
0xb1: {  	_ =	task.clear_ibuf [dreg:s6], $0x5FFFF;
	_ =	strace $0x90000046  }
0xb2: {  	s29 =	simm.s32 $0x9;
	_ =	strace $0x80000048  }
0xb3: {  	_ =	swait.ge [sflag:s29], $0x1  }
0xb4: {  	[sflag:s29] =	ssyncadd.s32 $0xFFFFFFFF  }
0xb5: {  	_ =	strace $0x90000048  }
0xb6: {  	_ =	sfence  }
0xb7: {  	s30 =	sld [smem:$0x0];
	_ =	sdelay $0x2  }
0xb8: {  	s31 =	sshll.u32 s1, $0xD;
	s1 =	sshrl.u32 s1, $0x2  }
0xb9: {  	s3 =	sand.u32 $0x4000, s31;
	s1 =	sadd.s32 s1, s30  }
0xba: {  	s0 =	sor.u32 s3, s0;
	s1 =	sshll.u32 s1, $0x11  }
0xbb: {  	s0 =	sor.u32 s1, s0  }
0xbc: {  	s0 =	sadd.s32 $0x8F2B, s0  }
0xbd: {  	[sflag:s0] =	ssyncadd.remote.s32 $0x1  }
0xbe: {  	_ =	sfence.sel $0xFFFF  }
0xbf: {  	[dreg:$0x0] =	wrdreg $0xFFFFFFFF;
	(pc) =	sbr.abs _section_cstart, $3  }
0xc0: {  	[dreg:$0x1] =	wrdreg $0xFFFFFFFF  }
0xc1: {  	_ =	task.clear_ibuf [dreg:s6], $0x2FFFF;
	_ =	strace $0x9FFFFFFF  }
0xc2: {  	(tm) =	ssettm $0x7FFFFFFF  }
0xc3: {  	_ =	shalt  }
tec
execute0_lowered:
.L_overlay_start_1:
0x0: {  	(tag) =	ssettag $0x1  }
0x1: {  	s0 =	srdreg.scid;
	s4 =	rddreg [dreg:$0x0]  }
0x2: {  	s6 =	stileid.u32;
	s1 =	rddreg [dreg:$0x1]  }
0x3: {  	s2 =	simm.s32 $0x0;
	s10 =	simm.s32 $0x2710;
	s11 =	simm.s32 $0x0  }
0x4: {  	s3 =	sand.u32 $0x1, s0;
	[smem:$0x7FF] =	sst s2;
	p0 =	sne.s32 s6, $0x0  }
0x5: {  	s0 =	sshll.u32 s3, $0x4;
	s7 =	smul.u32 $0x4E2, s3;
	s8 =	ssub.s32 $0x2, s3  }
0x6: {  	s3 =	sadd.s32 $0x15800, s4;
	s5 =	sor.u32 s6, s0;
	s0 =	rddreg [dreg:$0x2]  }
0x7: {  	_ =	strace $0x80000047;
	s9 =	sshrl.u32 s8, $0x1;
	s5 =	smul.u32 $0x4E2, s5  }
0x8: {  	s7 =	sadd.s32 s7, s4;
	s8 =	ssub.s32 s8, s9;
	s9 =	simm.s32 $0x50  }
0x9: {  	s6 =	smax.u32 s8, $0x1;
	s8 =	simm.s32 $0x1;
	s5 =	sadd.s32 s5, s4  }
0xa: {  	v0 =	vimm.f32 $1.000000000e+00;
	s4 =	sadd.s32 $0xBA00, s5;
	s5 =	sadd.s32 $0x15E00, s7;
	s7 =	sshrl.u32 @!p0 s1, $0x3  }
.LBB2_1:
0xb: {  	[tilespmem:s2], [sflag:$0x1] =	stream.linear.gather [hbm4b:s4+s2], $0x2710, $0x38;
	[tilespmem:$0x29D8] =	vst v63  }
0xc: {  	[tilespmem:$0x2710] =	vst v0  }
0xd: {  	[tilespmem:$0x2720] =	vst v0  }
0xe: {  	[tilespmem:$0x2730] =	vst v0  }
0xf: {  	[tilespmem:$0x2740] =	vst v0  }
0x10: {  	s12 =	simm.s32 @!p0 $0x1C02;
	[tilespmem:$0x2750] =	vst v0  }
0x11: {  	[spmem:s7], [sflag:s12] =	dma.local @!p0 [hbm:s3], $0x4E2  }
0x12: {  	s12 =	simm.s32 @!p0 $0x2  }
0x13: {  	_ =	swait.ge @!p0 [sflag:s12], $0x4E2  }
0x14: {  	[sflag:s12] =	ssyncset.done @!p0 $0x0  }
0x15: {  	[sflag:s12] =	ssyncadd.s32 @!p0 $0xFFFFFB1E  }
0x16: {  	_ =	swait.ge [sflag:s8], $0x2710  }
0x17: {  	[sflag:s8] =	ssyncset.done $0x0  }
0x18: {  	[sflag:s8] =	ssyncadd.s32 $0xFFFFD8F0  }
0x19: {  	s12 =	simm.s32 $0x0;
	[bflag:$0x0] =	sbarrier.arrive $0xFFFF  }
.LBB2_2:
0x1a: {  	p1 =	sne.s32 s12, $0x9B00  }
.Ltmp0:
0x1b: {  	_ = 	snop;
	(pc) =	sbr.rel @p1 .LBB2_2-.Ltmp0, $3  }
0x1c: {  	_ =	sdelay $0x1  }
0x1d: {  	s13 =	sshra.s32 s12, $0x2;
	s12 =	sadd.s32 $0x140, s12  }
0x1e: {  	[spmem:s1] =	stream.indirect.scatter.add.f32 [tilespmem:s10], [sflag:$0x1], $0x1, s13, s9, $0xb8;
	[tilespmem:$0x29D8] =	vst v63  }
0x1f: {  	_ =	swait.ge [sflag:s8], $0x50  }
0x20: {  	s12 =	simm.s32 $0x7C;
	[sflag:s8] =	ssyncset.done $0x0  }
.LBB2_4:
0x21: {  	p1 =	sne.s32 s12, $0x1;
	s12 =	sadd.s32 $0xFFFFFFFF, s12;
	[sflag:s8] =	ssyncadd.s32 $0xFFFFFFB0  }
.Ltmp1:
0x22: {  	(pc) =	sbr.rel @p1 .LBB2_4-.Ltmp1, $3  }
0x23: {  	_ =	sdelay $0x1  }
0x24: {  	_ =	swait.ge [sflag:s8], $0x50  }
0x25: {  	[sflag:s8] =	ssyncset.done $0x0  }
0x26: {  	[sflag:s8] =	ssyncadd.s32 $0xFFFFFFB0;
	s11 =	sadd.s32 $0x1, s11  }
0x27: {  	s12 =	simm.s32 @!p0 $0x1C02;
	[bflag:$0x0] =	sbarrier.arrive $0xFFFF;
	p1 =	sne.s32 s11, s6  }
0x28: {  	[hbm:s5], [sflag:s12] =	dma.local @!p0 [spmem:s7], $0x4E2  }
.Ltmp2:
0x29: {  	_ = 	snop;
	(pc) =	sbr.rel @p1 .LBB2_1-.Ltmp2, $4  }
0x2a: {  	s12 =	simm.s32 @!p0 $0x2  }
0x2b: {  	_ =	swait.ge @!p0 [sflag:s12], $0x4E2  }
0x2c: {  	[sflag:s12] =	ssyncset.done @!p0 $0x0  }
0x2d: {  	[sflag:s12] =	ssyncadd.s32 @!p0 $0xFFFFFB1E  }
0x2e: {  	_ =	sfence.sel $0x180000  }
0x2f: {  	[bflag:$0x0] =	sbarrier.arrive $0xFFFF  }
0x30: {  	_ =	strace $0x90000047  }
0x31: {  	s0 =	sadd.s32 @!p0 $0x100000, s0;
	[bflag:$0x2] =	sbarrier.arrive $0xFFFF  }
0x32: {  	[sflag:s0] =	ssyncadd.tile.s32 @!p0 $0x1;
	_ =	shalt  }
.Lfunc_end2:
_tile_overlayer_lowered:
.L_overlay_start_2:
0x33: {  	(tag) =	ssettag $0x2  }
0x34: {  	s0 =	rddreg [dreg:$0x0];
	s2 =	stileid.u32  }
0x35: {  	s1 =	rddreg [dreg:$0x1];
	p0 =	sne.s32 s2, $0x0  }
0x36: {  	s3 =	rddreg [dreg:$0x2];
	[bflag:$0x3] =	sbarrier.arrive $0xFFFF;
	s2 =	simm.s32 @!p0 $0x1C02  }
0x37: {  	[timem:s3], [sflag:s2] =	dma.local @!p0 [hbm:s0], s1  }
0x38: {  	s0 =	simm.s32 @!p0 $0x2  }
0x39: {  	_ =	swait.ge @!p0 [sflag:s0], s1  }
0x3a: {  	s1 =	ssub.s32 @!p0 $0x0, s1;
	[sflag:s0] =	ssyncset.done @!p0 $0x0  }
0x3b: {  	[sflag:s0] =	ssyncadd.s32 @!p0 s1  }
0x3c: {  	[bflag:$0x3] =	sbarrier.arrive $0xFFFF  }
0x3d: {  	_ =	shalt  }

</sc_bundles>
